<compile_context>
chip_gen: v7x
topology: tpu7x:2x2x1
jax: 0.10.2.dev20260603
libtpu: 0.0.44.dev20260713+nightly
codegen_flags: <defaults>
</compile_context>

<pallas_src>
import functools

import numpy as np
import jax
import jax.numpy as jnp
from jax.experimental import pallas as pl
from jax.experimental.pallas import tpu as pltpu
from jax.experimental.pallas import tpu_sc as plsc

N_BINS = 15
BATCH = 16384
NUM_CLASSES = 1000
BN = 1024
GRID = BATCH // BN
CHUNK = 256
NCH = BN // CHUNK

_BOUNDARIES = [
    0.0, 0.06666667014360428, 0.13333334028720856, 0.20000001788139343,
    0.2666666805744171, 0.3333333432674408, 0.40000003576278687,
    0.46666669845581055, 0.5333333611488342, 0.6000000238418579,
    0.6666666865348816, 0.7333333492279053, 0.8000000715255737,
    0.8666667342185974, 0.9333333969116211, 1.0,
]
_LOWER16 = np.array(_BOUNDARIES[:15] + [2.0], dtype=np.float32).reshape(1, 16)
_UPPER16 = np.array(_BOUNDARIES[1:16] + [3.0], dtype=np.float32).reshape(1, 16)


_NC = 2
_NS = 16
_NW = _NC * _NS
_SPW = BATCH // _NW
_GCH = 128
_NG = _SPW // _GCH


def _gather_body(logits_flat, labels_hbm, out_hbm, lab_v, idx_v, row_v, sem):
    wid = jax.lax.axis_index("s") * _NC + jax.lax.axis_index("c")
    base = wid * _SPW
    pltpu.sync_copy(labels_hbm.at[pl.ds(base, _SPW)], lab_v)
    for t in range(_NG):
        for u in range(_GCH // 16):
            o = t * _GCH + u * 16
            lab16 = lab_v[pl.ds(o, 16)]
            n16 = (base + o) + jax.lax.iota(jnp.int32, 16)
            idx_v[t, pl.ds(u * 16, 16)] = n16 * NUM_CLASSES + lab16
    for t in range(_NG):
        pltpu.async_copy(logits_flat.at[idx_v.at[t]], row_v.at[t], sem).wait()
        pltpu.sync_copy(row_v.at[t], out_hbm.at[pl.ds(base + t * _GCH, _GCH)])


def _gather_true(logits_flat, labels):
    k = functools.partial(
        pl.kernel,
        out_type=jax.ShapeDtypeStruct((BATCH,), jnp.float32),
        mesh=plsc.VectorSubcoreMesh(core_axis_name="c", subcore_axis_name="s"),
        scratch_types=[
            pltpu.VMEM((_SPW,), jnp.int32),
            pltpu.VMEM((_NG, _GCH), jnp.int32),
            pltpu.VMEM((_NG, _GCH), jnp.float32),
            pltpu.SemaphoreType.DMA,
        ],
    )(_gather_body)
    return k(logits_flat, labels)


def _ece_kernel(labels_ref, xt_ref, lower_ref, upper_ref, logits_ref,
                over_ref, under_ref, cnt_ref, csum_ref, acc_ref):
    i = pl.program_id(0)
    boundaries = _BOUNDARIES

    @pl.when(i == 0)
    def _():
        cnt_ref[...] = jnp.zeros((16, NUM_CLASSES), jnp.float32)
        csum_ref[...] = jnp.zeros((16, NUM_CLASSES), jnp.float32)
        acc_ref[...] = jnp.zeros((16, NUM_CLASSES), jnp.float32)

    lab = labels_ref[i]
    lab_col = lab.reshape(BN, 1)
    xt_col = xt_ref[i].reshape(BN, 1)
    cids = jax.lax.broadcasted_iota(jnp.int32, (1, NUM_CLASSES), 1)

    cnt0_acc = jnp.zeros((1, NUM_CLASSES), jnp.float32)
    csum0_acc = jnp.zeros((1, NUM_CLASSES), jnp.float32)
    onehot_chunks = []
    labmask_chunks = []

    for c in range(NCH):
        x = logits_ref[c * CHUNK:(c + 1) * CHUNK, :]
        m = jnp.max(x, axis=1, keepdims=True)
        e = jnp.exp(x - m)
        s = jnp.sum(e, axis=1, keepdims=True)
        conf = e / s

        cnt0_acc = cnt0_acc + jnp.sum(
            (conf > 0.0).astype(jnp.float32), axis=0, keepdims=True)
        csum0_acc = csum0_acc + jnp.sum(conf, axis=0, keepdims=True)

        cmax = 1.0 / jnp.min(s)
        for k in range(1, N_BINS):
            @pl.when(cmax > boundaries[k])
            def _(k=k, conf=conf):
                gt = (conf > boundaries[k]).astype(jnp.float32)
                cnt_ref[k:k + 1, :] += jnp.sum(gt, axis=0, keepdims=True)
                csum_ref[k:k + 1, :] += jnp.sum(
                    conf * gt, axis=0, keepdims=True)

        lab_mask = (lab_col[c * CHUNK:(c + 1) * CHUNK] == cids
                    ).astype(jnp.float32)
        conf_true = jnp.exp(xt_col[c * CHUNK:(c + 1) * CHUNK] - m) / s
        onehot_chunks.append(
            ((conf_true > lower_ref[...]) &
             (conf_true <= upper_ref[...])).astype(jnp.float32))
        labmask_chunks.append(lab_mask)

    cnt_ref[0:1, :] += cnt0_acc
    csum_ref[0:1, :] += csum0_acc

    onehot_bin = jnp.concatenate(onehot_chunks, axis=0)
    lab_mask_full = jnp.concatenate(labmask_chunks, axis=0)
    acc_ref[...] += jax.lax.dot_general(
        onehot_bin, lab_mask_full, (((0,), (0,)), ((), ())),
        preferred_element_type=jnp.float32)

    @pl.when(i == GRID - 1)
    def _():
        cum_cnt = cnt_ref[...]
        cum_csum = csum_ref[...]
        acc = acc_ref[...]
        zr = jnp.zeros((1, NUM_CLASSES), jnp.float32)
        count = cum_cnt - jnp.concatenate([cum_cnt[1:], zr], axis=0)
        conf_sum = cum_csum - jnp.concatenate([cum_csum[1:], zr], axis=0)
        denom = jnp.maximum(count, 1.0)
        diff = conf_sum / denom - acc / denom
        contrib = jnp.abs(diff) * (count * (1.0 / BATCH))
        num_classes_t = jnp.max(labels_ref[...]) + 1
        active = (cids < num_classes_t).astype(jnp.float32)
        nonempty = count > 0
        over_bc = jnp.where(nonempty & (diff > 0), contrib, 0.0) * active
        under_bc = jnp.where(nonempty & (diff <= 0), contrib, 0.0) * active
        over_ref[...] = jnp.broadcast_to(
            jnp.sum(over_bc, axis=1, keepdims=True), (16, 128))
        under_ref[...] = jnp.broadcast_to(
            jnp.sum(under_bc, axis=1, keepdims=True), (16, 128))


def kernel(logits, labels):
    labels2d = labels.reshape(GRID, BN)
    x_true = _gather_true(logits.reshape(-1), labels)
    over, under = pl.pallas_call(
        _ece_kernel,
        grid=(GRID,),
        in_specs=[
            pl.BlockSpec((GRID, BN), lambda i: (0, 0)),
            pl.BlockSpec((GRID, BN), lambda i: (0, 0)),
            pl.BlockSpec((1, 16), lambda i: (0, 0)),
            pl.BlockSpec((1, 16), lambda i: (0, 0)),
            pl.BlockSpec((BN, NUM_CLASSES), lambda i: (i, 0)),
        ],
        out_specs=[
            pl.BlockSpec((16, 128), lambda i: (0, 0)),
            pl.BlockSpec((16, 128), lambda i: (0, 0)),
        ],
        out_shape=[
            jax.ShapeDtypeStruct((16, 128), jnp.float32),
            jax.ShapeDtypeStruct((16, 128), jnp.float32),
        ],
        scratch_shapes=[
            pltpu.VMEM((16, NUM_CLASSES), jnp.float32),
            pltpu.VMEM((16, NUM_CLASSES), jnp.float32),
            pltpu.VMEM((16, NUM_CLASSES), jnp.float32),
        ],
    )(labels2d, x_true.reshape(GRID, BN),
      jnp.asarray(_LOWER16), jnp.asarray(_UPPER16), logits)
    boundaries = jnp.linspace(0.0, 1.0, N_BINS + 1)
    return over[:N_BINS, 0], under[:N_BINS, 0], boundaries[:-1]

# --- scband reference (transcript-rebuilt; emitter-appended) ---
"""Pipeline reference for scband-posneg-ecebins-loss-47923245089178 (READ-ONLY COPY).

The authoritative reference and input builder live on the scoring server;
editing this copy changes nothing except your own understanding.
"""

import jax, jax.numpy as jnp
import numpy as np

N_BINS = 15
BATCH = 16384
NUM_CLASSES = 1000


def setup_inputs(seed: int = 0) -> dict:
    key = jax.random.key(seed)
    k1, k2 = jax.random.split(key)
    logits = jax.random.normal(k1, (BATCH, NUM_CLASSES), dtype=jnp.float32)
    labels = jax.random.randint(k2, (BATCH,), 0, NUM_CLASSES, dtype=jnp.int32)
    return {"logits": logits, "labels": labels}


def reference(logits, labels):
    boundaries = jnp.linspace(0.0, 1.0, N_BINS + 1)
    bin_lowers = boundaries[:-1]
    # num_classes derived from labels, as in the torch module (eager, CPU)
    num_classes_t = jnp.max(labels) + 1
    max_classes = logits.shape[1]
    n = logits.shape[0]
    softmaxes = jax.nn.softmax(logits, axis=1)

    def per_class(i):
        conf = softmaxes[:, i]
        lab = (labels == i).astype(jnp.float32)
        # bin assignment: conf in (boundaries[b], boundaries[b+1]]  <=>  gt(lower) & le(upper)
        b = jnp.searchsorted(boundaries, conf, side='left') - 1
        valid = (b >= 0) & (b < N_BINS)
        bs = jnp.where(valid, b, 0)
        vf = valid.astype(jnp.float32)
        count = jax.ops.segment_sum(vf, bs, num_segments=N_BINS)
        acc_sum = jax.ops.segment_sum(lab * vf, bs, num_segments=N_BINS)
        conf_sum = jax.ops.segment_sum(conf * vf, bs, num_segments=N_BINS)
        prop_in_bin = count / n
        denom = jnp.maximum(count, 1.0)
        accuracy_in_bin = acc_sum / denom
        avg_confidence_in_bin = conf_sum / denom
        diff = avg_confidence_in_bin - accuracy_in_bin
        contrib = jnp.abs(diff) * prop_in_bin
        nonempty = count > 0
        active = (i < num_classes_t).astype(jnp.float32)
        over = jnp.where(nonempty & (diff > 0), contrib, 0.0) * active
        under = jnp.where(nonempty & (diff <= 0), contrib, 0.0) * active
        return over, under

    overs, unders = jax.lax.map(per_class, jnp.arange(max_classes))
    over_ece_bins = overs.sum(axis=0)
    under_ece_bins = unders.sum(axis=0)
    return over_ece_bins, under_ece_bins, bin_lowers

if __name__ == "__main__":
    import jax
    _d = setup_inputs()
    print(jax.jit(kernel)(*tuple(_d.values())))

</pallas_src>

<mosaic_0001>
#map = affine_map<(d0, d1) -> (0)>
module attributes {stable_mosaic.version = 14 : i64} {
  func.func @_gather_body(%arg0: i32, %arg1: i32, %arg2: memref<16384000xf32, #tpu.memory_space<hbm>>, %arg3: memref<16384xi32, #tpu.memory_space<hbm>>, %arg4: memref<16384xf32, #tpu.memory_space<hbm>>, %arg5: memref<512xi32, #tpu.memory_space<vmem>>, %arg6: memref<4x128xi32, #tpu.memory_space<vmem>>, %arg7: memref<4x128xf32, #tpu.memory_space<vmem>>, %arg8: memref<!tpu.dma_semaphore, #tpu.memory_space<semaphore_mem>>) attributes {dimension_semantics = [#tpu.dimension_semantics<core_parallel>, #tpu.dimension_semantics<subcore_parallel>], iteration_bounds = array<i64: 2, 16>, scalar_prefetch = 0 : i64, scratch_operands = 4 : i64, tpu.core_type = #tpu.core_type<sc_vector_subcore>, window_params = [{transform_indices = #map}, {transform_indices = #map}, {transform_indices = #map}]} {
    %mul3A = arith.constant 2 : i32
    %mul3A_0 = arith.muli %arg1, %mul3A : i32
    %add3A = arith.addi %mul3A_0, %arg0 : i32
    %mul3A_1 = arith.constant 512 : i32
    %mul3A_2 = arith.muli %add3A, %mul3A_1 : i32
    "tpu.region"() ({
      %run_scoped3A_665 = tpu.sem_alloc : memref<!tpu.dma_semaphore, #tpu.memory_space<semaphore_mem>>
      %dma_start3A_666 = tpu.memref_slice %arg3[%mul3A_2] : memref<16384xi32, #tpu.memory_space<hbm>> -> memref<512xi32, #tpu.memory_space<hbm>>
      %dma_start3A_667 = tpu.memref_slice %arg3[%mul3A_2] : memref<16384xi32, #tpu.memory_space<hbm>> -> memref<512xi32, #tpu.memory_space<hbm>>
      tpu.enqueue_dma source(%dma_start3A_667 : memref<512xi32, #tpu.memory_space<hbm>>) target(%arg5 : memref<512xi32, #tpu.memory_space<vmem>>) target_semaphore(%run_scoped3A_665 : memref<!tpu.dma_semaphore, #tpu.memory_space<semaphore_mem>>)
      %dma_wait3A_668 = tpu.memref_slice %arg3[%mul3A_2] : memref<16384xi32, #tpu.memory_space<hbm>> -> memref<512xi32, #tpu.memory_space<hbm>>
      %dma_wait3A_669 = tpu.memref_slice %arg3[%mul3A_2] : memref<16384xi32, #tpu.memory_space<hbm>> -> memref<512xi32, #tpu.memory_space<hbm>>
      tpu.wait_dma2 semaphore(%run_scoped3A_665 : memref<!tpu.dma_semaphore, #tpu.memory_space<semaphore_mem>>) src(%dma_wait3A_669 : memref<512xi32, #tpu.memory_space<hbm>>) dst(%arg5 : memref<512xi32, #tpu.memory_space<vmem>>)
      tpu.yield
    }) : () -> ()
    %get3A = arith.constant 0 : index
    %get3A_3 = tpu.vector_load %arg5[%get3A] {strides = array<i32>} : memref<512xi32, #tpu.memory_space<vmem>>, vector<16xi32>,
    %get3A_4 = vector.shape_cast %get3A_3 : vector<16xi32> to vector<16xi32>
    %add3A_5 = arith.constant 0 : i32
    %add3A_6 = arith.addi %mul3A_2, %add3A_5 : i32
    %iota3A = tpu.iota {dimensions = array<i32: 0>} : vector<16xi32>
    %add3A_7 = vector.broadcast %add3A_6 : i32 to vector<16xi32>
    %add3A_8 = arith.addi %add3A_7, %iota3A : vector<16xi32>
    %mul3A_9 = arith.constant 1000 : i32
    %mul3A_10 = vector.broadcast %mul3A_9 : i32 to vector<16xi32>
    %mul3A_11 = arith.muli %add3A_8, %mul3A_10 : vector<16xi32>
    %add3A_12 = arith.addi %mul3A_11, %get3A_4 : vector<16xi32>
    %swap3A = arith.constant 0 : i32
    %swap3A_13 = arith.index_cast %swap3A : i32 to index
    %swap3A_14 = arith.constant 0 : index
    %swap3A_15 = tpu.vector_load %arg6[%swap3A_13, %swap3A_14] {strides = array<i32>} : memref<4x128xi32, #tpu.memory_space<vmem>>, vector<1x16xi32>,
    %swap3A_16 = vector.shape_cast %swap3A_15 : vector<1x16xi32> to vector<16xi32>
    %swap3A_17 = vector.shape_cast %add3A_12 : vector<16xi32> to vector<1x16xi32>
    tpu.vector_store %arg6[%swap3A_13, %swap3A_14], %swap3A_17 {strides = array<i32>} : memref<4x128xi32, #tpu.memory_space<vmem>>, vector<1x16xi32>,
    %get3A_18 = arith.constant 16 : index
    %get3A_19 = tpu.vector_load %arg5[%get3A_18] {strides = array<i32>} : memref<512xi32, #tpu.memory_space<vmem>>, vector<16xi32>,
    %get3A_20 = vector.shape_cast %get3A_19 : vector<16xi32> to vector<16xi32>
    %add3A_21 = arith.constant 16 : i32
    %add3A_22 = arith.addi %mul3A_2, %add3A_21 : i32
    %iota3A_23 = tpu.iota {dimensions = array<i32: 0>} : vector<16xi32>
    %add3A_24 = vector.broadcast %add3A_22 : i32 to vector<16xi32>
    %add3A_25 = arith.addi %add3A_24, %iota3A_23 : vector<16xi32>
    %mul3A_26 = arith.constant 1000 : i32
    %mul3A_27 = vector.broadcast %mul3A_26 : i32 to vector<16xi32>
    %mul3A_28 = arith.muli %add3A_25, %mul3A_27 : vector<16xi32>
    %add3A_29 = arith.addi %mul3A_28, %get3A_20 : vector<16xi32>
    %swap3A_30 = arith.constant 0 : i32
    %swap3A_31 = arith.index_cast %swap3A_30 : i32 to index
    %swap3A_32 = arith.constant 16 : index
    %swap3A_33 = tpu.vector_load %arg6[%swap3A_31, %swap3A_32] {strides = array<i32>} : memref<4x128xi32, #tpu.memory_space<vmem>>, vector<1x16xi32>,
    %swap3A_34 = vector.shape_cast %swap3A_33 : vector<1x16xi32> to vector<16xi32>
    %swap3A_35 = vector.shape_cast %add3A_29 : vector<16xi32> to vector<1x16xi32>
    tpu.vector_store %arg6[%swap3A_31, %swap3A_32], %swap3A_35 {strides = array<i32>} : memref<4x128xi32, #tpu.memory_space<vmem>>, vector<1x16xi32>,
    %get3A_36 = arith.constant 32 : index
    %get3A_37 = tpu.vector_load %arg5[%get3A_36] {strides = array<i32>} : memref<512xi32, #tpu.memory_space<vmem>>, vector<16xi32>,
    %get3A_38 = vector.shape_cast %get3A_37 : vector<16xi32> to vector<16xi32>
    %add3A_39 = arith.constant 32 : i32
    %add3A_40 = arith.addi %mul3A_2, %add3A_39 : i32
    %iota3A_41 = tpu.iota {dimensions = array<i32: 0>} : vector<16xi32>
    %add3A_42 = vector.broadcast %add3A_40 : i32 to vector<16xi32>
    %add3A_43 = arith.addi %add3A_42, %iota3A_41 : vector<16xi32>
    %mul3A_44 = arith.constant 1000 : i32
    %mul3A_45 = vector.broadcast %mul3A_44 : i32 to vector<16xi32>
    %mul3A_46 = arith.muli %add3A_43, %mul3A_45 : vector<16xi32>
    %add3A_47 = arith.addi %mul3A_46, %get3A_38 : vector<16xi32>
    %swap3A_48 = arith.constant 0 : i32
    %swap3A_49 = arith.index_cast %swap3A_48 : i32 to index
    %swap3A_50 = arith.constant 32 : index
    %swap3A_51 = tpu.vector_load %arg6[%swap3A_49, %swap3A_50] {strides = array<i32>} : memref<4x128xi32, #tpu.memory_space<vmem>>, vector<1x16xi32>,
    %swap3A_52 = vector.shape_cast %swap3A_51 : vector<1x16xi32> to vector<16xi32>
    %swap3A_53 = vector.shape_cast %add3A_47 : vector<16xi32> to vector<1x16xi32>
    tpu.vector_store %arg6[%swap3A_49, %swap3A_50], %swap3A_53 {strides = array<i32>} : memref<4x128xi32, #tpu.memory_space<vmem>>, vector<1x16xi32>,
    %get3A_54 = arith.constant 48 : index
    %get3A_55 = tpu.vector_load %arg5[%get3A_54] {strides = array<i32>} : memref<512xi32, #tpu.memory_space<vmem>>, vector<16xi32>,
    %get3A_56 = vector.shape_cast %get3A_55 : vector<16xi32> to vector<16xi32>
    %add3A_57 = arith.constant 48 : i32
    %add3A_58 = arith.addi %mul3A_2, %add3A_57 : i32
    %iota3A_59 = tpu.iota {dimensions = array<i32: 0>} : vector<16xi32>
    %add3A_60 = vector.broadcast %add3A_58 : i32 to vector<16xi32>
    %add3A_61 = arith.addi %add3A_60, %iota3A_59 : vector<16xi32>
    %mul3A_62 = arith.constant 1000 : i32
    %mul3A_63 = vector.broadcast %mul3A_62 : i32 to vector<16xi32>
    %mul3A_64 = arith.muli %add3A_61, %mul3A_63 : vector<16xi32>
    %add3A_65 = arith.addi %mul3A_64, %get3A_56 : vector<16xi32>
    %swap3A_66 = arith.constant 0 : i32
    %swap3A_67 = arith.index_cast %swap3A_66 : i32 to index
    %swap3A_68 = arith.constant 48 : index
    %swap3A_69 = tpu.vector_load %arg6[%swap3A_67, %swap3A_68] {strides = array<i32>} : memref<4x128xi32, #tpu.memory_space<vmem>>, vector<1x16xi32>,
    %swap3A_70 = vector.shape_cast %swap3A_69 : vector<1x16xi32> to vector<16xi32>
    %swap3A_71 = vector.shape_cast %add3A_65 : vector<16xi32> to vector<1x16xi32>
    tpu.vector_store %arg6[%swap3A_67, %swap3A_68], %swap3A_71 {strides = array<i32>} : memref<4x128xi32, #tpu.memory_space<vmem>>, vector<1x16xi32>,
    %get3A_72 = arith.constant 64 : index
    %get3A_73 = tpu.vector_load %arg5[%get3A_72] {strides = array<i32>} : memref<512xi32, #tpu.memory_space<vmem>>, vector<16xi32>,
    %get3A_74 = vector.shape_cast %get3A_73 : vector<16xi32> to vector<16xi32>
    %add3A_75 = arith.constant 64 : i32
    %add3A_76 = arith.addi %mul3A_2, %add3A_75 : i32
    %iota3A_77 = tpu.iota {dimensions = array<i32: 0>} : vector<16xi32>
    %add3A_78 = vector.broadcast %add3A_76 : i32 to vector<16xi32>
    %add3A_79 = arith.addi %add3A_78, %iota3A_77 : vector<16xi32>
    %mul3A_80 = arith.constant 1000 : i32
    %mul3A_81 = vector.broadcast %mul3A_80 : i32 to vector<16xi32>
    %mul3A_82 = arith.muli %add3A_79, %mul3A_81 : vector<16xi32>
    %add3A_83 = arith.addi %mul3A_82, %get3A_74 : vector<16xi32>
    %swap3A_84 = arith.constant 0 : i32
    %swap3A_85 = arith.index_cast %swap3A_84 : i32 to index
    %swap3A_86 = arith.constant 64 : index
    %swap3A_87 = tpu.vector_load %arg6[%swap3A_85, %swap3A_86] {strides = array<i32>} : memref<4x128xi32, #tpu.memory_space<vmem>>, vector<1x16xi32>,
    %swap3A_88 = vector.shape_cast %swap3A_87 : vector<1x16xi32> to vector<16xi32>
    %swap3A_89 = vector.shape_cast %add3A_83 : vector<16xi32> to vector<1x16xi32>
    tpu.vector_store %arg6[%swap3A_85, %swap3A_86], %swap3A_89 {strides = array<i32>} : memref<4x128xi32, #tpu.memory_space<vmem>>, vector<1x16xi32>,
    %get3A_90 = arith.constant 80 : index
    %get3A_91 = tpu.vector_load %arg5[%get3A_90] {strides = array<i32>} : memref<512xi32, #tpu.memory_space<vmem>>, vector<16xi32>,
    %get3A_92 = vector.shape_cast %get3A_91 : vector<16xi32> to vector<16xi32>
    %add3A_93 = arith.constant 80 : i32
    %add3A_94 = arith.addi %mul3A_2, %add3A_93 : i32
    %iota3A_95 = tpu.iota {dimensions = array<i32: 0>} : vector<16xi32>
    %add3A_96 = vector.broadcast %add3A_94 : i32 to vector<16xi32>
    %add3A_97 = arith.addi %add3A_96, %iota3A_95 : vector<16xi32>
    %mul3A_98 = arith.constant 1000 : i32
    %mul3A_99 = vector.broadcast %mul3A_98 : i32 to vector<16xi32>
    %mul3A_100 = arith.muli %add3A_97, %mul3A_99 : vector<16xi32>
    %add3A_101 = arith.addi %mul3A_100, %get3A_92 : vector<16xi32>
    %swap3A_102 = arith.constant 0 : i32
    %swap3A_103 = arith.index_cast %swap3A_102 : i32 to index
    %swap3A_104 = arith.constant 80 : index
    %swap3A_105 = tpu.vector_load %arg6[%swap3A_103, %swap3A_104] {strides = array<i32>} : memref<4x128xi32, #tpu.memory_space<vmem>>, vector<1x16xi32>,
    %swap3A_106 = vector.shape_cast %swap3A_105 : vector<1x16xi32> to vector<16xi32>
    %swap3A_107 = vector.shape_cast %add3A_101 : vector<16xi32> to vector<1x16xi32>
    tpu.vector_store %arg6[%swap3A_103, %swap3A_104], %swap3A_107 {strides = array<i32>} : memref<4x128xi32, #tpu.memory_space<vmem>>, vector<1x16xi32>,
    %get3A_108 = arith.constant 96 : index
    %get3A_109 = tpu.vector_load %arg5[%get3A_108] {strides = array<i32>} : memref<512xi32, #tpu.memory_space<vmem>>, vector<16xi32>,
    %get3A_110 = vector.shape_cast %get3A_109 : vector<16xi32> to vector<16xi32>
    %add3A_111 = arith.constant 96 : i32
    %add3A_112 = arith.addi %mul3A_2, %add3A_111 : i32
    %iota3A_113 = tpu.iota {dimensions = array<i32: 0>} : vector<16xi32>
    %add3A_114 = vector.broadcast %add3A_112 : i32 to vector<16xi32>
    %add3A_115 = arith.addi %add3A_114, %iota3A_113 : vector<16xi32>
    %mul3A_116 = arith.constant 1000 : i32
    %mul3A_117 = vector.broadcast %mul3A_116 : i32 to vector<16xi32>
    %mul3A_118 = arith.muli %add3A_115, %mul3A_117 : vector<16xi32>
    %add3A_119 = arith.addi %mul3A_118, %get3A_110 : vector<16xi32>
    %swap3A_120 = arith.constant 0 : i32
    %swap3A_121 = arith.index_cast %swap3A_120 : i32 to index
    %swap3A_122 = arith.constant 96 : index
    %swap3A_123 = tpu.vector_load %arg6[%swap3A_121, %swap3A_122] {strides = array<i32>} : memref<4x128xi32, #tpu.memory_space<vmem>>, vector<1x16xi32>,
    %swap3A_124 = vector.shape_cast %swap3A_123 : vector<1x16xi32> to vector<16xi32>
    %swap3A_125 = vector.shape_cast %add3A_119 : vector<16xi32> to vector<1x16xi32>
    tpu.vector_store %arg6[%swap3A_121, %swap3A_122], %swap3A_125 {strides = array<i32>} : memref<4x128xi32, #tpu.memory_space<vmem>>, vector<1x16xi32>,
    %get3A_126 = arith.constant 112 : index
    %get3A_127 = tpu.vector_load %arg5[%get3A_126] {strides = array<i32>} : memref<512xi32, #tpu.memory_space<vmem>>, vector<16xi32>,
    %get3A_128 = vector.shape_cast %get3A_127 : vector<16xi32> to vector<16xi32>
    %add3A_129 = arith.constant 112 : i32
    %add3A_130 = arith.addi %mul3A_2, %add3A_129 : i32
    %iota3A_131 = tpu.iota {dimensions = array<i32: 0>} : vector<16xi32>
    %add3A_132 = vector.broadcast %add3A_130 : i32 to vector<16xi32>
    %add3A_133 = arith.addi %add3A_132, %iota3A_131 : vector<16xi32>
    %mul3A_134 = arith.constant 1000 : i32
    %mul3A_135 = vector.broadcast %mul3A_134 : i32 to vector<16xi32>
    %mul3A_136 = arith.muli %add3A_133, %mul3A_135 : vector<16xi32>
    %add3A_137 = arith.addi %mul3A_136, %get3A_128 : vector<16xi32>
    %swap3A_138 = arith.constant 0 : i32
    %swap3A_139 = arith.index_cast %swap3A_138 : i32 to index
    %swap3A_140 = arith.constant 112 : index
    %swap3A_141 = tpu.vector_load %arg6[%swap3A_139, %swap3A_140] {strides = array<i32>} : memref<4x128xi32, #tpu.memory_space<vmem>>, vector<1x16xi32>,
    %swap3A_142 = vector.shape_cast %swap3A_141 : vector<1x16xi32> to vector<16xi32>
    %swap3A_143 = vector.shape_cast %add3A_137 : vector<16xi32> to vector<1x16xi32>
    tpu.vector_store %arg6[%swap3A_139, %swap3A_140], %swap3A_143 {strides = array<i32>} : memref<4x128xi32, #tpu.memory_space<vmem>>, vector<1x16xi32>,
    %get3A_144 = arith.constant 128 : index
    %get3A_145 = tpu.vector_load %arg5[%get3A_144] {strides = array<i32>} : memref<512xi32, #tpu.memory_space<vmem>>, vector<16xi32>,
    %get3A_146 = vector.shape_cast %get3A_145 : vector<16xi32> to vector<16xi32>
    %add3A_147 = arith.constant 128 : i32
    %add3A_148 = arith.addi %mul3A_2, %add3A_147 : i32
    %iota3A_149 = tpu.iota {dimensions = array<i32: 0>} : vector<16xi32>
    %add3A_150 = vector.broadcast %add3A_148 : i32 to vector<16xi32>
    %add3A_151 = arith.addi %add3A_150, %iota3A_149 : vector<16xi32>
    %mul3A_152 = arith.constant 1000 : i32
    %mul3A_153 = vector.broadcast %mul3A_152 : i32 to vector<16xi32>
    %mul3A_154 = arith.muli %add3A_151, %mul3A_153 : vector<16xi32>
    %add3A_155 = arith.addi %mul3A_154, %get3A_146 : vector<16xi32>
    %swap3A_156 = arith.constant 1 : i32
    %swap3A_157 = arith.index_cast %swap3A_156 : i32 to index
    %swap3A_158 = arith.constant 0 : index
    %swap3A_159 = tpu.vector_load %arg6[%swap3A_157, %swap3A_158] {strides = array<i32>} : memref<4x128xi32, #tpu.memory_space<vmem>>, vector<1x16xi32>,
    %swap3A_160 = vector.shape_cast %swap3A_159 : vector<1x16xi32> to vector<16xi32>
    %swap3A_161 = vector.shape_cast %add3A_155 : vector<16xi32> to vector<1x16xi32>
    tpu.vector_store %arg6[%swap3A_157, %swap3A_158], %swap3A_161 {strides = array<i32>} : memref<4x128xi32, #tpu.memory_space<vmem>>, vector<1x16xi32>,
    %get3A_162 = arith.constant 144 : index
    %get3A_163 = tpu.vector_load %arg5[%get3A_162] {strides = array<i32>} : memref<512xi32, #tpu.memory_space<vmem>>, vector<16xi32>,
    %get3A_164 = vector.shape_cast %get3A_163 : vector<16xi32> to vector<16xi32>
    %add3A_165 = arith.constant 144 : i32
    %add3A_166 = arith.addi %mul3A_2, %add3A_165 : i32
    %iota3A_167 = tpu.iota {dimensions = array<i32: 0>} : vector<16xi32>
    %add3A_168 = vector.broadcast %add3A_166 : i32 to vector<16xi32>
    %add3A_169 = arith.addi %add3A_168, %iota3A_167 : vector<16xi32>
    %mul3A_170 = arith.constant 1000 : i32
    %mul3A_171 = vector.broadcast %mul3A_170 : i32 to vector<16xi32>
    %mul3A_172 = arith.muli %add3A_169, %mul3A_171 : vector<16xi32>
    %add3A_173 = arith.addi %mul3A_172, %get3A_164 : vector<16xi32>
    %swap3A_174 = arith.constant 1 : i32
    %swap3A_175 = arith.index_cast %swap3A_174 : i32 to index
    %swap3A_176 = arith.constant 16 : index
    %swap3A_177 = tpu.vector_load %arg6[%swap3A_175, %swap3A_176] {strides = array<i32>} : memref<4x128xi32, #tpu.memory_space<vmem>>, vector<1x16xi32>,
    %swap3A_178 = vector.shape_cast %swap3A_177 : vector<1x16xi32> to vector<16xi32>
    %swap3A_179 = vector.shape_cast %add3A_173 : vector<16xi32> to vector<1x16xi32>
    tpu.vector_store %arg6[%swap3A_175, %swap3A_176], %swap3A_179 {strides = array<i32>} : memref<4x128xi32, #tpu.memory_space<vmem>>, vector<1x16xi32>,
    %get3A_180 = arith.constant 160 : index
    %get3A_181 = tpu.vector_load %arg5[%get3A_180] {strides = array<i32>} : memref<512xi32, #tpu.memory_space<vmem>>, vector<16xi32>,
    %get3A_182 = vector.shape_cast %get3A_181 : vector<16xi32> to vector<16xi32>
    %add3A_183 = arith.constant 160 : i32
    %add3A_184 = arith.addi %mul3A_2, %add3A_183 : i32
    %iota3A_185 = tpu.iota {dimensions = array<i32: 0>} : vector<16xi32>
    %add3A_186 = vector.broadcast %add3A_184 : i32 to vector<16xi32>
    %add3A_187 = arith.addi %add3A_186, %iota3A_185 : vector<16xi32>
    %mul3A_188 = arith.constant 1000 : i32
    %mul3A_189 = vector.broadcast %mul3A_188 : i32 to vector<16xi32>
    %mul3A_190 = arith.muli %add3A_187, %mul3A_189 : vector<16xi32>
    %add3A_191 = arith.addi %mul3A_190, %get3A_182 : vector<16xi32>
    %swap3A_192 = arith.constant 1 : i32
    %swap3A_193 = arith.index_cast %swap3A_192 : i32 to index
    %swap3A_194 = arith.constant 32 : index
    %swap3A_195 = tpu.vector_load %arg6[%swap3A_193, %swap3A_194] {strides = array<i32>} : memref<4x128xi32, #tpu.memory_space<vmem>>, vector<1x16xi32>,
    %swap3A_196 = vector.shape_cast %swap3A_195 : vector<1x16xi32> to vector<16xi32>
    %swap3A_197 = vector.shape_cast %add3A_191 : vector<16xi32> to vector<1x16xi32>
    tpu.vector_store %arg6[%swap3A_193, %swap3A_194], %swap3A_197 {strides = array<i32>} : memref<4x128xi32, #tpu.memory_space<vmem>>, vector<1x16xi32>,
    %get3A_198 = arith.constant 176 : index
    %get3A_199 = tpu.vector_load %arg5[%get3A_198] {strides = array<i32>} : memref<512xi32, #tpu.memory_space<vmem>>, vector<16xi32>,
    %get3A_200 = vector.shape_cast %get3A_199 : vector<16xi32> to vector<16xi32>
    %add3A_201 = arith.constant 176 : i32
    %add3A_202 = arith.addi %mul3A_2, %add3A_201 : i32
    %iota3A_203 = tpu.iota {dimensions = array<i32: 0>} : vector<16xi32>
    %add3A_204 = vector.broadcast %add3A_202 : i32 to vector<16xi32>
    %add3A_205 = arith.addi %add3A_204, %iota3A_203 : vector<16xi32>
    %mul3A_206 = arith.constant 1000 : i32
    %mul3A_207 = vector.broadcast %mul3A_206 : i32 to vector<16xi32>
    %mul3A_208 = arith.muli %add3A_205, %mul3A_207 : vector<16xi32>
    %add3A_209 = arith.addi %mul3A_208, %get3A_200 : vector<16xi32>
    %swap3A_210 = arith.constant 1 : i32
    %swap3A_211 = arith.index_cast %swap3A_210 : i32 to index
    %swap3A_212 = arith.constant 48 : index
    %swap3A_213 = tpu.vector_load %arg6[%swap3A_211, %swap3A_212] {strides = array<i32>} : memref<4x128xi32, #tpu.memory_space<vmem>>, vector<1x16xi32>,
    %swap3A_214 = vector.shape_cast %swap3A_213 : vector<1x16xi32> to vector<16xi32>
    %swap3A_215 = vector.shape_cast %add3A_209 : vector<16xi32> to vector<1x16xi32>
    tpu.vector_store %arg6[%swap3A_211, %swap3A_212], %swap3A_215 {strides = array<i32>} : memref<4x128xi32, #tpu.memory_space<vmem>>, vector<1x16xi32>,
    %get3A_216 = arith.constant 192 : index
    %get3A_217 = tpu.vector_load %arg5[%get3A_216] {strides = array<i32>} : memref<512xi32, #tpu.memory_space<vmem>>, vector<16xi32>,
    %get3A_218 = vector.shape_cast %get3A_217 : vector<16xi32> to vector<16xi32>
    %add3A_219 = arith.constant 192 : i32
    %add3A_220 = arith.addi %mul3A_2, %add3A_219 : i32
    %iota3A_221 = tpu.iota {dimensions = array<i32: 0>} : vector<16xi32>
    %add3A_222 = vector.broadcast %add3A_220 : i32 to vector<16xi32>
    %add3A_223 = arith.addi %add3A_222, %iota3A_221 : vector<16xi32>
    %mul3A_224 = arith.constant 1000 : i32
    %mul3A_225 = vector.broadcast %mul3A_224 : i32 to vector<16xi32>
    %mul3A_226 = arith.muli %add3A_223, %mul3A_225 : vector<16xi32>
    %add3A_227 = arith.addi %mul3A_226, %get3A_218 : vector<16xi32>
    %swap3A_228 = arith.constant 1 : i32
    %swap3A_229 = arith.index_cast %swap3A_228 : i32 to index
    %swap3A_230 = arith.constant 64 : index
    %swap3A_231 = tpu.vector_load %arg6[%swap3A_229, %swap3A_230] {strides = array<i32>} : memref<4x128xi32, #tpu.memory_space<vmem>>, vector<1x16xi32>,
    %swap3A_232 = vector.shape_cast %swap3A_231 : vector<1x16xi32> to vector<16xi32>
    %swap3A_233 = vector.shape_cast %add3A_227 : vector<16xi32> to vector<1x16xi32>
    tpu.vector_store %arg6[%swap3A_229, %swap3A_230], %swap3A_233 {strides = array<i32>} : memref<4x128xi32, #tpu.memory_space<vmem>>, vector<1x16xi32>,
    %get3A_234 = arith.constant 208 : index
    %get3A_235 = tpu.vector_load %arg5[%get3A_234] {strides = array<i32>} : memref<512xi32, #tpu.memory_space<vmem>>, vector<16xi32>,
    %get3A_236 = vector.shape_cast %get3A_235 : vector<16xi32> to vector<16xi32>
    %add3A_237 = arith.constant 208 : i32
    %add3A_238 = arith.addi %mul3A_2, %add3A_237 : i32
    %iota3A_239 = tpu.iota {dimensions = array<i32: 0>} : vector<16xi32>
    %add3A_240 = vector.broadcast %add3A_238 : i32 to vector<16xi32>
    %add3A_241 = arith.addi %add3A_240, %iota3A_239 : vector<16xi32>
    %mul3A_242 = arith.constant 1000 : i32
    %mul3A_243 = vector.broadcast %mul3A_242 : i32 to vector<16xi32>
    %mul3A_244 = arith.muli %add3A_241, %mul3A_243 : vector<16xi32>
    %add3A_245 = arith.addi %mul3A_244, %get3A_236 : vector<16xi32>
    %swap3A_246 = arith.constant 1 : i32
    %swap3A_247 = arith.index_cast %swap3A_246 : i32 to index
    %swap3A_248 = arith.constant 80 : index
    %swap3A_249 = tpu.vector_load %arg6[%swap3A_247, %swap3A_248] {strides = array<i32>} : memref<4x128xi32, #tpu.memory_space<vmem>>, vector<1x16xi32>,
    %swap3A_250 = vector.shape_cast %swap3A_249 : vector<1x16xi32> to vector<16xi32>
    %swap3A_251 = vector.shape_cast %add3A_245 : vector<16xi32> to vector<1x16xi32>
    tpu.vector_store %arg6[%swap3A_247, %swap3A_248], %swap3A_251 {strides = array<i32>} : memref<4x128xi32, #tpu.memory_space<vmem>>, vector<1x16xi32>,
    %get3A_252 = arith.constant 224 : index
    %get3A_253 = tpu.vector_load %arg5[%get3A_252] {strides = array<i32>} : memref<512xi32, #tpu.memory_space<vmem>>, vector<16xi32>,
    %get3A_254 = vector.shape_cast %get3A_253 : vector<16xi32> to vector<16xi32>
    %add3A_255 = arith.constant 224 : i32
    %add3A_256 = arith.addi %mul3A_2, %add3A_255 : i32
    %iota3A_257 = tpu.iota {dimensions = array<i32: 0>} : vector<16xi32>
    %add3A_258 = vector.broadcast %add3A_256 : i32 to vector<16xi32>
    %add3A_259 = arith.addi %add3A_258, %iota3A_257 : vector<16xi32>
    %mul3A_260 = arith.constant 1000 : i32
    %mul3A_261 = vector.broadcast %mul3A_260 : i32 to vector<16xi32>
    %mul3A_262 = arith.muli %add3A_259, %mul3A_261 : vector<16xi32>
    %add3A_263 = arith.addi %mul3A_262, %get3A_254 : vector<16xi32>
    %swap3A_264 = arith.constant 1 : i32
    %swap3A_265 = arith.index_cast %swap3A_264 : i32 to index
    %swap3A_266 = arith.constant 96 : index
    %swap3A_267 = tpu.vector_load %arg6[%swap3A_265, %swap3A_266] {strides = array<i32>} : memref<4x128xi32, #tpu.memory_space<vmem>>, vector<1x16xi32>,
    %swap3A_268 = vector.shape_cast %swap3A_267 : vector<1x16xi32> to vector<16xi32>
    %swap3A_269 = vector.shape_cast %add3A_263 : vector<16xi32> to vector<1x16xi32>
    tpu.vector_store %arg6[%swap3A_265, %swap3A_266], %swap3A_269 {strides = array<i32>} : memref<4x128xi32, #tpu.memory_space<vmem>>, vector<1x16xi32>,
    %get3A_270 = arith.constant 240 : index
    %get3A_271 = tpu.vector_load %arg5[%get3A_270] {strides = array<i32>} : memref<512xi32, #tpu.memory_space<vmem>>, vector<16xi32>,
    %get3A_272 = vector.shape_cast %get3A_271 : vector<16xi32> to vector<16xi32>
    %add3A_273 = arith.constant 240 : i32
    %add3A_274 = arith.addi %mul3A_2, %add3A_273 : i32
    %iota3A_275 = tpu.iota {dimensions = array<i32: 0>} : vector<16xi32>
    %add3A_276 = vector.broadcast %add3A_274 : i32 to vector<16xi32>
    %add3A_277 = arith.addi %add3A_276, %iota3A_275 : vector<16xi32>
    %mul3A_278 = arith.constant 1000 : i32
    %mul3A_279 = vector.broadcast %mul3A_278 : i32 to vector<16xi32>
    %mul3A_280 = arith.muli %add3A_277, %mul3A_279 : vector<16xi32>
    %add3A_281 = arith.addi %mul3A_280, %get3A_272 : vector<16xi32>
    %swap3A_282 = arith.constant 1 : i32
    %swap3A_283 = arith.index_cast %swap3A_282 : i32 to index
    %swap3A_284 = arith.constant 112 : index
    %swap3A_285 = tpu.vector_load %arg6[%swap3A_283, %swap3A_284] {strides = array<i32>} : memref<4x128xi32, #tpu.memory_space<vmem>>, vector<1x16xi32>,
    %swap3A_286 = vector.shape_cast %swap3A_285 : vector<1x16xi32> to vector<16xi32>
    %swap3A_287 = vector.shape_cast %add3A_281 : vector<16xi32> to vector<1x16xi32>
    tpu.vector_store %arg6[%swap3A_283, %swap3A_284], %swap3A_287 {strides = array<i32>} : memref<4x128xi32, #tpu.memory_space<vmem>>, vector<1x16xi32>,
    %get3A_288 = arith.constant 256 : index
    %get3A_289 = tpu.vector_load %arg5[%get3A_288] {strides = array<i32>} : memref<512xi32, #tpu.memory_space<vmem>>, vector<16xi32>,
    %get3A_290 = vector.shape_cast %get3A_289 : vector<16xi32> to vector<16xi32>
    %add3A_291 = arith.constant 256 : i32
    %add3A_292 = arith.addi %mul3A_2, %add3A_291 : i32
    %iota3A_293 = tpu.iota {dimensions = array<i32: 0>} : vector<16xi32>
    %add3A_294 = vector.broadcast %add3A_292 : i32 to vector<16xi32>
    %add3A_295 = arith.addi %add3A_294, %iota3A_293 : vector<16xi32>
    %mul3A_296 = arith.constant 1000 : i32
    %mul3A_297 = vector.broadcast %mul3A_296 : i32 to vector<16xi32>
    %mul3A_298 = arith.muli %add3A_295, %mul3A_297 : vector<16xi32>
    %add3A_299 = arith.addi %mul3A_298, %get3A_290 : vector<16xi32>
    %swap3A_300 = arith.constant 2 : i32
    %swap3A_301 = arith.index_cast %swap3A_300 : i32 to index
    %swap3A_302 = arith.constant 0 : index
    %swap3A_303 = tpu.vector_load %arg6[%swap3A_301, %swap3A_302] {strides = array<i32>} : memref<4x128xi32, #tpu.memory_space<vmem>>, vector<1x16xi32>,
    %swap3A_304 = vector.shape_cast %swap3A_303 : vector<1x16xi32> to vector<16xi32>
    %swap3A_305 = vector.shape_cast %add3A_299 : vector<16xi32> to vector<1x16xi32>
    tpu.vector_store %arg6[%swap3A_301, %swap3A_302], %swap3A_305 {strides = array<i32>} : memref<4x128xi32, #tpu.memory_space<vmem>>, vector<1x16xi32>,
    %get3A_306 = arith.constant 272 : index
    %get3A_307 = tpu.vector_load %arg5[%get3A_306] {strides = array<i32>} : memref<512xi32, #tpu.memory_space<vmem>>, vector<16xi32>,
    %get3A_308 = vector.shape_cast %get3A_307 : vector<16xi32> to vector<16xi32>
    %add3A_309 = arith.constant 272 : i32
    %add3A_310 = arith.addi %mul3A_2, %add3A_309 : i32
    %iota3A_311 = tpu.iota {dimensions = array<i32: 0>} : vector<16xi32>
    %add3A_312 = vector.broadcast %add3A_310 : i32 to vector<16xi32>
    %add3A_313 = arith.addi %add3A_312, %iota3A_311 : vector<16xi32>
    %mul3A_314 = arith.constant 1000 : i32
    %mul3A_315 = vector.broadcast %mul3A_314 : i32 to vector<16xi32>
    %mul3A_316 = arith.muli %add3A_313, %mul3A_315 : vector<16xi32>
    %add3A_317 = arith.addi %mul3A_316, %get3A_308 : vector<16xi32>
    %swap3A_318 = arith.constant 2 : i32
    %swap3A_319 = arith.index_cast %swap3A_318 : i32 to index
    %swap3A_320 = arith.constant 16 : index
    %swap3A_321 = tpu.vector_load %arg6[%swap3A_319, %swap3A_320] {strides = array<i32>} : memref<4x128xi32, #tpu.memory_space<vmem>>, vector<1x16xi32>,
    %swap3A_322 = vector.shape_cast %swap3A_321 : vector<1x16xi32> to vector<16xi32>
    %swap3A_323 = vector.shape_cast %add3A_317 : vector<16xi32> to vector<1x16xi32>
    tpu.vector_store %arg6[%swap3A_319, %swap3A_320], %swap3A_323 {strides = array<i32>} : memref<4x128xi32, #tpu.memory_space<vmem>>, vector<1x16xi32>,
    %get3A_324 = arith.constant 288 : index
    %get3A_325 = tpu.vector_load %arg5[%get3A_324] {strides = array<i32>} : memref<512xi32, #tpu.memory_space<vmem>>, vector<16xi32>,
    %get3A_326 = vector.shape_cast %get3A_325 : vector<16xi32> to vector<16xi32>
    %add3A_327 = arith.constant 288 : i32
    %add3A_328 = arith.addi %mul3A_2, %add3A_327 : i32
    %iota3A_329 = tpu.iota {dimensions = array<i32: 0>} : vector<16xi32>
    %add3A_330 = vector.broadcast %add3A_328 : i32 to vector<16xi32>
    %add3A_331 = arith.addi %add3A_330, %iota3A_329 : vector<16xi32>
    %mul3A_332 = arith.constant 1000 : i32
    %mul3A_333 = vector.broadcast %mul3A_332 : i32 to vector<16xi32>
    %mul3A_334 = arith.muli %add3A_331, %mul3A_333 : vector<16xi32>
    %add3A_335 = arith.addi %mul3A_334, %get3A_326 : vector<16xi32>
    %swap3A_336 = arith.constant 2 : i32
    %swap3A_337 = arith.index_cast %swap3A_336 : i32 to index
    %swap3A_338 = arith.constant 32 : index
    %swap3A_339 = tpu.vector_load %arg6[%swap3A_337, %swap3A_338] {strides = array<i32>} : memref<4x128xi32, #tpu.memory_space<vmem>>, vector<1x16xi32>,
    %swap3A_340 = vector.shape_cast %swap3A_339 : vector<1x16xi32> to vector<16xi32>
    %swap3A_341 = vector.shape_cast %add3A_335 : vector<16xi32> to vector<1x16xi32>
    tpu.vector_store %arg6[%swap3A_337, %swap3A_338], %swap3A_341 {strides = array<i32>} : memref<4x128xi32, #tpu.memory_space<vmem>>, vector<1x16xi32>,
    %get3A_342 = arith.constant 304 : index
    %get3A_343 = tpu.vector_load %arg5[%get3A_342] {strides = array<i32>} : memref<512xi32, #tpu.memory_space<vmem>>, vector<16xi32>,
    %get3A_344 = vector.shape_cast %get3A_343 : vector<16xi32> to vector<16xi32>
    %add3A_345 = arith.constant 304 : i32
    %add3A_346 = arith.addi %mul3A_2, %add3A_345 : i32
    %iota3A_347 = tpu.iota {dimensions = array<i32: 0>} : vector<16xi32>
    %add3A_348 = vector.broadcast %add3A_346 : i32 to vector<16xi32>
    %add3A_349 = arith.addi %add3A_348, %iota3A_347 : vector<16xi32>
    %mul3A_350 = arith.constant 1000 : i32
    %mul3A_351 = vector.broadcast %mul3A_350 : i32 to vector<16xi32>
    %mul3A_352 = arith.muli %add3A_349, %mul3A_351 : vector<16xi32>
    %add3A_353 = arith.addi %mul3A_352, %get3A_344 : vector<16xi32>
    %swap3A_354 = arith.constant 2 : i32
    %swap3A_355 = arith.index_cast %swap3A_354 : i32 to index
    %swap3A_356 = arith.constant 48 : index
    %swap3A_357 = tpu.vector_load %arg6[%swap3A_355, %swap3A_356] {strides = array<i32>} : memref<4x128xi32, #tpu.memory_space<vmem>>, vector<1x16xi32>,
    %swap3A_358 = vector.shape_cast %swap3A_357 : vector<1x16xi32> to vector<16xi32>
    %swap3A_359 = vector.shape_cast %add3A_353 : vector<16xi32> to vector<1x16xi32>
    tpu.vector_store %arg6[%swap3A_355, %swap3A_356], %swap3A_359 {strides = array<i32>} : memref<4x128xi32, #tpu.memory_space<vmem>>, vector<1x16xi32>,
    %get3A_360 = arith.constant 320 : index
    %get3A_361 = tpu.vector_load %arg5[%get3A_360] {strides = array<i32>} : memref<512xi32, #tpu.memory_space<vmem>>, vector<16xi32>,
    %get3A_362 = vector.shape_cast %get3A_361 : vector<16xi32> to vector<16xi32>
    %add3A_363 = arith.constant 320 : i32
    %add3A_364 = arith.addi %mul3A_2, %add3A_363 : i32
    %iota3A_365 = tpu.iota {dimensions = array<i32: 0>} : vector<16xi32>
    %add3A_366 = vector.broadcast %add3A_364 : i32 to vector<16xi32>
    %add3A_367 = arith.addi %add3A_366, %iota3A_365 : vector<16xi32>
    %mul3A_368 = arith.constant 1000 : i32
    %mul3A_369 = vector.broadcast %mul3A_368 : i32 to vector<16xi32>
    %mul3A_370 = arith.muli %add3A_367, %mul3A_369 : vector<16xi32>
    %add3A_371 = arith.addi %mul3A_370, %get3A_362 : vector<16xi32>
    %swap3A_372 = arith.constant 2 : i32
    %swap3A_373 = arith.index_cast %swap3A_372 : i32 to index
    %swap3A_374 = arith.constant 64 : index
    %swap3A_375 = tpu.vector_load %arg6[%swap3A_373, %swap3A_374] {strides = array<i32>} : memref<4x128xi32, #tpu.memory_space<vmem>>, vector<1x16xi32>,
    %swap3A_376 = vector.shape_cast %swap3A_375 : vector<1x16xi32> to vector<16xi32>
    %swap3A_377 = vector.shape_cast %add3A_371 : vector<16xi32> to vector<1x16xi32>
    tpu.vector_store %arg6[%swap3A_373, %swap3A_374], %swap3A_377 {strides = array<i32>} : memref<4x128xi32, #tpu.memory_space<vmem>>, vector<1x16xi32>,
    %get3A_378 = arith.constant 336 : index
    %get3A_379 = tpu.vector_load %arg5[%get3A_378] {strides = array<i32>} : memref<512xi32, #tpu.memory_space<vmem>>, vector<16xi32>,
    %get3A_380 = vector.shape_cast %get3A_379 : vector<16xi32> to vector<16xi32>
    %add3A_381 = arith.constant 336 : i32
    %add3A_382 = arith.addi %mul3A_2, %add3A_381 : i32
    %iota3A_383 = tpu.iota {dimensions = array<i32: 0>} : vector<16xi32>
    %add3A_384 = vector.broadcast %add3A_382 : i32 to vector<16xi32>
    %add3A_385 = arith.addi %add3A_384, %iota3A_383 : vector<16xi32>
    %mul3A_386 = arith.constant 1000 : i32
    %mul3A_387 = vector.broadcast %mul3A_386 : i32 to vector<16xi32>
    %mul3A_388 = arith.muli %add3A_385, %mul3A_387 : vector<16xi32>
    %add3A_389 = arith.addi %mul3A_388, %get3A_380 : vector<16xi32>
    %swap3A_390 = arith.constant 2 : i32
    %swap3A_391 = arith.index_cast %swap3A_390 : i32 to index
    %swap3A_392 = arith.constant 80 : index
    %swap3A_393 = tpu.vector_load %arg6[%swap3A_391, %swap3A_392] {strides = array<i32>} : memref<4x128xi32, #tpu.memory_space<vmem>>, vector<1x16xi32>,
    %swap3A_394 = vector.shape_cast %swap3A_393 : vector<1x16xi32> to vector<16xi32>
    %swap3A_395 = vector.shape_cast %add3A_389 : vector<16xi32> to vector<1x16xi32>
    tpu.vector_store %arg6[%swap3A_391, %swap3A_392], %swap3A_395 {strides = array<i32>} : memref<4x128xi32, #tpu.memory_space<vmem>>, vector<1x16xi32>,
    %get3A_396 = arith.constant 352 : index
    %get3A_397 = tpu.vector_load %arg5[%get3A_396] {strides = array<i32>} : memref<512xi32, #tpu.memory_space<vmem>>, vector<16xi32>,
    %get3A_398 = vector.shape_cast %get3A_397 : vector<16xi32> to vector<16xi32>
    %add3A_399 = arith.constant 352 : i32
    %add3A_400 = arith.addi %mul3A_2, %add3A_399 : i32
    %iota3A_401 = tpu.iota {dimensions = array<i32: 0>} : vector<16xi32>
    %add3A_402 = vector.broadcast %add3A_400 : i32 to vector<16xi32>
    %add3A_403 = arith.addi %add3A_402, %iota3A_401 : vector<16xi32>
    %mul3A_404 = arith.constant 1000 : i32
    %mul3A_405 = vector.broadcast %mul3A_404 : i32 to vector<16xi32>
    %mul3A_406 = arith.muli %add3A_403, %mul3A_405 : vector<16xi32>
    %add3A_407 = arith.addi %mul3A_406, %get3A_398 : vector<16xi32>
    %swap3A_408 = arith.constant 2 : i32
    %swap3A_409 = arith.index_cast %swap3A_408 : i32 to index
    %swap3A_410 = arith.constant 96 : index
    %swap3A_411 = tpu.vector_load %arg6[%swap3A_409, %swap3A_410] {strides = array<i32>} : memref<4x128xi32, #tpu.memory_space<vmem>>, vector<1x16xi32>,
    %swap3A_412 = vector.shape_cast %swap3A_411 : vector<1x16xi32> to vector<16xi32>
    %swap3A_413 = vector.shape_cast %add3A_407 : vector<16xi32> to vector<1x16xi32>
    tpu.vector_store %arg6[%swap3A_409, %swap3A_410], %swap3A_413 {strides = array<i32>} : memref<4x128xi32, #tpu.memory_space<vmem>>, vector<1x16xi32>,
    %get3A_414 = arith.constant 368 : index
    %get3A_415 = tpu.vector_load %arg5[%get3A_414] {strides = array<i32>} : memref<512xi32, #tpu.memory_space<vmem>>, vector<16xi32>,
    %get3A_416 = vector.shape_cast %get3A_415 : vector<16xi32> to vector<16xi32>
    %add3A_417 = arith.constant 368 : i32
    %add3A_418 = arith.addi %mul3A_2, %add3A_417 : i32
    %iota3A_419 = tpu.iota {dimensions = array<i32: 0>} : vector<16xi32>
    %add3A_420 = vector.broadcast %add3A_418 : i32 to vector<16xi32>
    %add3A_421 = arith.addi %add3A_420, %iota3A_419 : vector<16xi32>
    %mul3A_422 = arith.constant 1000 : i32
    %mul3A_423 = vector.broadcast %mul3A_422 : i32 to vector<16xi32>
    %mul3A_424 = arith.muli %add3A_421, %mul3A_423 : vector<16xi32>
    %add3A_425 = arith.addi %mul3A_424, %get3A_416 : vector<16xi32>
    %swap3A_426 = arith.constant 2 : i32
    %swap3A_427 = arith.index_cast %swap3A_426 : i32 to index
    %swap3A_428 = arith.constant 112 : index
    %swap3A_429 = tpu.vector_load %arg6[%swap3A_427, %swap3A_428] {strides = array<i32>} : memref<4x128xi32, #tpu.memory_space<vmem>>, vector<1x16xi32>,
    %swap3A_430 = vector.shape_cast %swap3A_429 : vector<1x16xi32> to vector<16xi32>
    %swap3A_431 = vector.shape_cast %add3A_425 : vector<16xi32> to vector<1x16xi32>
    tpu.vector_store %arg6[%swap3A_427, %swap3A_428], %swap3A_431 {strides = array<i32>} : memref<4x128xi32, #tpu.memory_space<vmem>>, vector<1x16xi32>,
    %get3A_432 = arith.constant 384 : index
    %get3A_433 = tpu.vector_load %arg5[%get3A_432] {strides = array<i32>} : memref<512xi32, #tpu.memory_space<vmem>>, vector<16xi32>,
    %get3A_434 = vector.shape_cast %get3A_433 : vector<16xi32> to vector<16xi32>
    %add3A_435 = arith.constant 384 : i32
    %add3A_436 = arith.addi %mul3A_2, %add3A_435 : i32
    %iota3A_437 = tpu.iota {dimensions = array<i32: 0>} : vector<16xi32>
    %add3A_438 = vector.broadcast %add3A_436 : i32 to vector<16xi32>
    %add3A_439 = arith.addi %add3A_438, %iota3A_437 : vector<16xi32>
    %mul3A_440 = arith.constant 1000 : i32
    %mul3A_441 = vector.broadcast %mul3A_440 : i32 to vector<16xi32>
    %mul3A_442 = arith.muli %add3A_439, %mul3A_441 : vector<16xi32>
    %add3A_443 = arith.addi %mul3A_442, %get3A_434 : vector<16xi32>
    %swap3A_444 = arith.constant 3 : i32
    %swap3A_445 = arith.index_cast %swap3A_444 : i32 to index
    %swap3A_446 = arith.constant 0 : index
    %swap3A_447 = tpu.vector_load %arg6[%swap3A_445, %swap3A_446] {strides = array<i32>} : memref<4x128xi32, #tpu.memory_space<vmem>>, vector<1x16xi32>,
    %swap3A_448 = vector.shape_cast %swap3A_447 : vector<1x16xi32> to vector<16xi32>
    %swap3A_449 = vector.shape_cast %add3A_443 : vector<16xi32> to vector<1x16xi32>
    tpu.vector_store %arg6[%swap3A_445, %swap3A_446], %swap3A_449 {strides = array<i32>} : memref<4x128xi32, #tpu.memory_space<vmem>>, vector<1x16xi32>,
    %get3A_450 = arith.constant 400 : index
    %get3A_451 = tpu.vector_load %arg5[%get3A_450] {strides = array<i32>} : memref<512xi32, #tpu.memory_space<vmem>>, vector<16xi32>,
    %get3A_452 = vector.shape_cast %get3A_451 : vector<16xi32> to vector<16xi32>
    %add3A_453 = arith.constant 400 : i32
    %add3A_454 = arith.addi %mul3A_2, %add3A_453 : i32
    %iota3A_455 = tpu.iota {dimensions = array<i32: 0>} : vector<16xi32>
    %add3A_456 = vector.broadcast %add3A_454 : i32 to vector<16xi32>
    %add3A_457 = arith.addi %add3A_456, %iota3A_455 : vector<16xi32>
    %mul3A_458 = arith.constant 1000 : i32
    %mul3A_459 = vector.broadcast %mul3A_458 : i32 to vector<16xi32>
    %mul3A_460 = arith.muli %add3A_457, %mul3A_459 : vector<16xi32>
    %add3A_461 = arith.addi %mul3A_460, %get3A_452 : vector<16xi32>
    %swap3A_462 = arith.constant 3 : i32
    %swap3A_463 = arith.index_cast %swap3A_462 : i32 to index
    %swap3A_464 = arith.constant 16 : index
    %swap3A_465 = tpu.vector_load %arg6[%swap3A_463, %swap3A_464] {strides = array<i32>} : memref<4x128xi32, #tpu.memory_space<vmem>>, vector<1x16xi32>,
    %swap3A_466 = vector.shape_cast %swap3A_465 : vector<1x16xi32> to vector<16xi32>
    %swap3A_467 = vector.shape_cast %add3A_461 : vector<16xi32> to vector<1x16xi32>
    tpu.vector_store %arg6[%swap3A_463, %swap3A_464], %swap3A_467 {strides = array<i32>} : memref<4x128xi32, #tpu.memory_space<vmem>>, vector<1x16xi32>,
    %get3A_468 = arith.constant 416 : index
    %get3A_469 = tpu.vector_load %arg5[%get3A_468] {strides = array<i32>} : memref<512xi32, #tpu.memory_space<vmem>>, vector<16xi32>,
    %get3A_470 = vector.shape_cast %get3A_469 : vector<16xi32> to vector<16xi32>
    %add3A_471 = arith.constant 416 : i32
    %add3A_472 = arith.addi %mul3A_2, %add3A_471 : i32
    %iota3A_473 = tpu.iota {dimensions = array<i32: 0>} : vector<16xi32>
    %add3A_474 = vector.broadcast %add3A_472 : i32 to vector<16xi32>
    %add3A_475 = arith.addi %add3A_474, %iota3A_473 : vector<16xi32>
    %mul3A_476 = arith.constant 1000 : i32
    %mul3A_477 = vector.broadcast %mul3A_476 : i32 to vector<16xi32>
    %mul3A_478 = arith.muli %add3A_475, %mul3A_477 : vector<16xi32>
    %add3A_479 = arith.addi %mul3A_478, %get3A_470 : vector<16xi32>
    %swap3A_480 = arith.constant 3 : i32
    %swap3A_481 = arith.index_cast %swap3A_480 : i32 to index
    %swap3A_482 = arith.constant 32 : index
    %swap3A_483 = tpu.vector_load %arg6[%swap3A_481, %swap3A_482] {strides = array<i32>} : memref<4x128xi32, #tpu.memory_space<vmem>>, vector<1x16xi32>,
    %swap3A_484 = vector.shape_cast %swap3A_483 : vector<1x16xi32> to vector<16xi32>
    %swap3A_485 = vector.shape_cast %add3A_479 : vector<16xi32> to vector<1x16xi32>
    tpu.vector_store %arg6[%swap3A_481, %swap3A_482], %swap3A_485 {strides = array<i32>} : memref<4x128xi32, #tpu.memory_space<vmem>>, vector<1x16xi32>,
    %get3A_486 = arith.constant 432 : index
    %get3A_487 = tpu.vector_load %arg5[%get3A_486] {strides = array<i32>} : memref<512xi32, #tpu.memory_space<vmem>>, vector<16xi32>,
    %get3A_488 = vector.shape_cast %get3A_487 : vector<16xi32> to vector<16xi32>
    %add3A_489 = arith.constant 432 : i32
    %add3A_490 = arith.addi %mul3A_2, %add3A_489 : i32
    %iota3A_491 = tpu.iota {dimensions = array<i32: 0>} : vector<16xi32>
    %add3A_492 = vector.broadcast %add3A_490 : i32 to vector<16xi32>
    %add3A_493 = arith.addi %add3A_492, %iota3A_491 : vector<16xi32>
    %mul3A_494 = arith.constant 1000 : i32
    %mul3A_495 = vector.broadcast %mul3A_494 : i32 to vector<16xi32>
    %mul3A_496 = arith.muli %add3A_493, %mul3A_495 : vector<16xi32>
    %add3A_497 = arith.addi %mul3A_496, %get3A_488 : vector<16xi32>
    %swap3A_498 = arith.constant 3 : i32
    %swap3A_499 = arith.index_cast %swap3A_498 : i32 to index
    %swap3A_500 = arith.constant 48 : index
    %swap3A_501 = tpu.vector_load %arg6[%swap3A_499, %swap3A_500] {strides = array<i32>} : memref<4x128xi32, #tpu.memory_space<vmem>>, vector<1x16xi32>,
    %swap3A_502 = vector.shape_cast %swap3A_501 : vector<1x16xi32> to vector<16xi32>
    %swap3A_503 = vector.shape_cast %add3A_497 : vector<16xi32> to vector<1x16xi32>
    tpu.vector_store %arg6[%swap3A_499, %swap3A_500], %swap3A_503 {strides = array<i32>} : memref<4x128xi32, #tpu.memory_space<vmem>>, vector<1x16xi32>,
    %get3A_504 = arith.constant 448 : index
    %get3A_505 = tpu.vector_load %arg5[%get3A_504] {strides = array<i32>} : memref<512xi32, #tpu.memory_space<vmem>>, vector<16xi32>,
    %get3A_506 = vector.shape_cast %get3A_505 : vector<16xi32> to vector<16xi32>
    %add3A_507 = arith.constant 448 : i32
    %add3A_508 = arith.addi %mul3A_2, %add3A_507 : i32
    %iota3A_509 = tpu.iota {dimensions = array<i32: 0>} : vector<16xi32>
    %add3A_510 = vector.broadcast %add3A_508 : i32 to vector<16xi32>
    %add3A_511 = arith.addi %add3A_510, %iota3A_509 : vector<16xi32>
    %mul3A_512 = arith.constant 1000 : i32
    %mul3A_513 = vector.broadcast %mul3A_512 : i32 to vector<16xi32>
    %mul3A_514 = arith.muli %add3A_511, %mul3A_513 : vector<16xi32>
    %add3A_515 = arith.addi %mul3A_514, %get3A_506 : vector<16xi32>
    %swap3A_516 = arith.constant 3 : i32
    %swap3A_517 = arith.index_cast %swap3A_516 : i32 to index
    %swap3A_518 = arith.constant 64 : index
    %swap3A_519 = tpu.vector_load %arg6[%swap3A_517, %swap3A_518] {strides = array<i32>} : memref<4x128xi32, #tpu.memory_space<vmem>>, vector<1x16xi32>,
    %swap3A_520 = vector.shape_cast %swap3A_519 : vector<1x16xi32> to vector<16xi32>
    %swap3A_521 = vector.shape_cast %add3A_515 : vector<16xi32> to vector<1x16xi32>
    tpu.vector_store %arg6[%swap3A_517, %swap3A_518], %swap3A_521 {strides = array<i32>} : memref<4x128xi32, #tpu.memory_space<vmem>>, vector<1x16xi32>,
    %get3A_522 = arith.constant 464 : index
    %get3A_523 = tpu.vector_load %arg5[%get3A_522] {strides = array<i32>} : memref<512xi32, #tpu.memory_space<vmem>>, vector<16xi32>,
    %get3A_524 = vector.shape_cast %get3A_523 : vector<16xi32> to vector<16xi32>
    %add3A_525 = arith.constant 464 : i32
    %add3A_526 = arith.addi %mul3A_2, %add3A_525 : i32
    %iota3A_527 = tpu.iota {dimensions = array<i32: 0>} : vector<16xi32>
    %add3A_528 = vector.broadcast %add3A_526 : i32 to vector<16xi32>
    %add3A_529 = arith.addi %add3A_528, %iota3A_527 : vector<16xi32>
    %mul3A_530 = arith.constant 1000 : i32
    %mul3A_531 = vector.broadcast %mul3A_530 : i32 to vector<16xi32>
    %mul3A_532 = arith.muli %add3A_529, %mul3A_531 : vector<16xi32>
    %add3A_533 = arith.addi %mul3A_532, %get3A_524 : vector<16xi32>
    %swap3A_534 = arith.constant 3 : i32
    %swap3A_535 = arith.index_cast %swap3A_534 : i32 to index
    %swap3A_536 = arith.constant 80 : index
    %swap3A_537 = tpu.vector_load %arg6[%swap3A_535, %swap3A_536] {strides = array<i32>} : memref<4x128xi32, #tpu.memory_space<vmem>>, vector<1x16xi32>,
    %swap3A_538 = vector.shape_cast %swap3A_537 : vector<1x16xi32> to vector<16xi32>
    %swap3A_539 = vector.shape_cast %add3A_533 : vector<16xi32> to vector<1x16xi32>
    tpu.vector_store %arg6[%swap3A_535, %swap3A_536], %swap3A_539 {strides = array<i32>} : memref<4x128xi32, #tpu.memory_space<vmem>>, vector<1x16xi32>,
    %get3A_540 = arith.constant 480 : index
    %get3A_541 = tpu.vector_load %arg5[%get3A_540] {strides = array<i32>} : memref<512xi32, #tpu.memory_space<vmem>>, vector<16xi32>,
    %get3A_542 = vector.shape_cast %get3A_541 : vector<16xi32> to vector<16xi32>
    %add3A_543 = arith.constant 480 : i32
    %add3A_544 = arith.addi %mul3A_2, %add3A_543 : i32
    %iota3A_545 = tpu.iota {dimensions = array<i32: 0>} : vector<16xi32>
    %add3A_546 = vector.broadcast %add3A_544 : i32 to vector<16xi32>
    %add3A_547 = arith.addi %add3A_546, %iota3A_545 : vector<16xi32>
    %mul3A_548 = arith.constant 1000 : i32
    %mul3A_549 = vector.broadcast %mul3A_548 : i32 to vector<16xi32>
    %mul3A_550 = arith.muli %add3A_547, %mul3A_549 : vector<16xi32>
    %add3A_551 = arith.addi %mul3A_550, %get3A_542 : vector<16xi32>
    %swap3A_552 = arith.constant 3 : i32
    %swap3A_553 = arith.index_cast %swap3A_552 : i32 to index
    %swap3A_554 = arith.constant 96 : index
    %swap3A_555 = tpu.vector_load %arg6[%swap3A_553, %swap3A_554] {strides = array<i32>} : memref<4x128xi32, #tpu.memory_space<vmem>>, vector<1x16xi32>,
    %swap3A_556 = vector.shape_cast %swap3A_555 : vector<1x16xi32> to vector<16xi32>
    %swap3A_557 = vector.shape_cast %add3A_551 : vector<16xi32> to vector<1x16xi32>
    tpu.vector_store %arg6[%swap3A_553, %swap3A_554], %swap3A_557 {strides = array<i32>} : memref<4x128xi32, #tpu.memory_space<vmem>>, vector<1x16xi32>,
    %get3A_558 = arith.constant 496 : index
    %get3A_559 = tpu.vector_load %arg5[%get3A_558] {strides = array<i32>} : memref<512xi32, #tpu.memory_space<vmem>>, vector<16xi32>,
    %get3A_560 = vector.shape_cast %get3A_559 : vector<16xi32> to vector<16xi32>
    %add3A_561 = arith.constant 496 : i32
    %add3A_562 = arith.addi %mul3A_2, %add3A_561 : i32
    %iota3A_563 = tpu.iota {dimensions = array<i32: 0>} : vector<16xi32>
    %add3A_564 = vector.broadcast %add3A_562 : i32 to vector<16xi32>
    %add3A_565 = arith.addi %add3A_564, %iota3A_563 : vector<16xi32>
    %mul3A_566 = arith.constant 1000 : i32
    %mul3A_567 = vector.broadcast %mul3A_566 : i32 to vector<16xi32>
    %mul3A_568 = arith.muli %add3A_565, %mul3A_567 : vector<16xi32>
    %add3A_569 = arith.addi %mul3A_568, %get3A_560 : vector<16xi32>
    %swap3A_570 = arith.constant 3 : i32
    %swap3A_571 = arith.index_cast %swap3A_570 : i32 to index
    %swap3A_572 = arith.constant 112 : index
    %swap3A_573 = tpu.vector_load %arg6[%swap3A_571, %swap3A_572] {strides = array<i32>} : memref<4x128xi32, #tpu.memory_space<vmem>>, vector<1x16xi32>,
    %swap3A_574 = vector.shape_cast %swap3A_573 : vector<1x16xi32> to vector<16xi32>
    %swap3A_575 = vector.shape_cast %add3A_569 : vector<16xi32> to vector<1x16xi32>
    tpu.vector_store %arg6[%swap3A_571, %swap3A_572], %swap3A_575 {strides = array<i32>} : memref<4x128xi32, #tpu.memory_space<vmem>>, vector<1x16xi32>,
    %dma_start3A = arith.constant 0 : i32
    %dma_start3A_576 = arith.constant 0 : i32
    %dma_start3A_577 = arith.constant 0 : i32
    %dma_start3A_578 = tpu.memref_slice %arg7[%dma_start3A_576, %dma_start3A_577] : memref<4x128xf32, #tpu.memory_space<vmem>> -> memref<1x128xf32, #tpu.memory_space<vmem>>
    %dma_start3A_579 = tpu.memref_squeeze %dma_start3A_578 : memref<1x128xf32, #tpu.memory_space<vmem>> -> memref<128xf32, #tpu.memory_space<vmem>>
    %dma_start3A_580 = arith.constant 0 : i32
    %dma_start3A_581 = tpu.memref_slice %arg6[%dma_start3A, %dma_start3A_580] : memref<4x128xi32, #tpu.memory_space<vmem>> -> memref<1x128xi32, #tpu.memory_space<vmem>>
    %dma_start3A_582 = tpu.memref_squeeze %dma_start3A_581 : memref<1x128xi32, #tpu.memory_space<vmem>> -> memref<128xi32, #tpu.memory_space<vmem>>
    %dma_start3A_583 = arith.constant 0 : i32
    %dma_start3A_584 = tpu.memref_slice %arg2[%dma_start3A_583] : memref<16384000xf32, #tpu.memory_space<hbm>> -> memref<16384000xf32, #tpu.memory_space<hbm>>
    tpu.enqueue_indirect_dma source(%dma_start3A_584 : memref<16384000xf32, #tpu.memory_space<hbm>>) target(%dma_start3A_579 : memref<128xf32, #tpu.memory_space<vmem>>) offsets(%dma_start3A_582 : memref<128xi32, #tpu.memory_space<vmem>>) semaphore(%arg8 : memref<!tpu.dma_semaphore, #tpu.memory_space<semaphore_mem>>)
    %dma_wait3A = arith.constant 0 : i32
    %dma_wait3A_585 = arith.constant 0 : i32
    %dma_wait3A_586 = arith.constant 0 : i32
    %dma_wait3A_587 = tpu.memref_slice %arg7[%dma_wait3A_585, %dma_wait3A_586] : memref<4x128xf32, #tpu.memory_space<vmem>> -> memref<1x128xf32, #tpu.memory_space<vmem>>
    %dma_wait3A_588 = tpu.memref_squeeze %dma_wait3A_587 : memref<1x128xf32, #tpu.memory_space<vmem>> -> memref<128xf32, #tpu.memory_space<vmem>>
    %dma_wait3A_589 = arith.constant 0 : i32
    %dma_wait3A_590 = tpu.memref_slice %arg6[%dma_wait3A, %dma_wait3A_589] : memref<4x128xi32, #tpu.memory_space<vmem>> -> memref<1x128xi32, #tpu.memory_space<vmem>>
    %dma_wait3A_591 = tpu.memref_squeeze %dma_wait3A_590 : memref<1x128xi32, #tpu.memory_space<vmem>> -> memref<128xi32, #tpu.memory_space<vmem>>
    %dma_wait3A_592 = arith.constant 0 : i32
    %dma_wait3A_593 = tpu.memref_slice %arg2[%dma_wait3A_592] : memref<16384000xf32, #tpu.memory_space<hbm>> -> memref<16384000xf32, #tpu.memory_space<hbm>>
    tpu.wait_indirect_dma semaphore(%arg8 : memref<!tpu.dma_semaphore, #tpu.memory_space<semaphore_mem>>) src(%dma_wait3A_593 : memref<16384000xf32, #tpu.memory_space<hbm>>) dst(%dma_wait3A_588 : memref<128xf32, #tpu.memory_space<vmem>>)
    %add3A_594 = arith.constant 0 : i32
    %add3A_595 = arith.addi %mul3A_2, %add3A_594 : i32
    %run_scoped3A = arith.constant 0 : i32
    "tpu.region"() ({
      %run_scoped3A_665 = tpu.sem_alloc : memref<!tpu.dma_semaphore, #tpu.memory_space<semaphore_mem>>
      %dma_start3A_666 = arith.constant 0 : i32
      %dma_start3A_667 = tpu.memref_slice %arg7[%run_scoped3A, %dma_start3A_666] : memref<4x128xf32, #tpu.memory_space<vmem>> -> memref<1x128xf32, #tpu.memory_space<vmem>>
      %dma_start3A_668 = tpu.memref_squeeze %dma_start3A_667 : memref<1x128xf32, #tpu.memory_space<vmem>> -> memref<128xf32, #tpu.memory_space<vmem>>
      %dma_start3A_669 = tpu.memref_slice %arg4[%add3A_595] : memref<16384xf32, #tpu.memory_space<hbm>> -> memref<128xf32, #tpu.memory_space<hbm>>
      %dma_start3A_670 = tpu.memref_slice %arg4[%add3A_595] : memref<16384xf32, #tpu.memory_space<hbm>> -> memref<128xf32, #tpu.memory_space<hbm>>
      %dma_start3A_671 = arith.constant 0 : i32
      %dma_start3A_672 = tpu.memref_slice %arg7[%run_scoped3A, %dma_start3A_671] : memref<4x128xf32, #tpu.memory_space<vmem>> -> memref<1x128xf32, #tpu.memory_space<vmem>>
      %dma_start3A_673 = tpu.memref_squeeze %dma_start3A_672 : memref<1x128xf32, #tpu.memory_space<vmem>> -> memref<128xf32, #tpu.memory_space<vmem>>
      tpu.enqueue_dma source(%dma_start3A_673 : memref<128xf32, #tpu.memory_space<vmem>>) target(%dma_start3A_670 : memref<128xf32, #tpu.memory_space<hbm>>) target_semaphore(%run_scoped3A_665 : memref<!tpu.dma_semaphore, #tpu.memory_space<semaphore_mem>>)
      %dma_wait3A_674 = arith.constant 0 : i32
      %dma_wait3A_675 = tpu.memref_slice %arg7[%run_scoped3A, %dma_wait3A_674] : memref<4x128xf32, #tpu.memory_space<vmem>> -> memref<1x128xf32, #tpu.memory_space<vmem>>
      %dma_wait3A_676 = tpu.memref_squeeze %dma_wait3A_675 : memref<1x128xf32, #tpu.memory_space<vmem>> -> memref<128xf32, #tpu.memory_space<vmem>>
      %dma_wait3A_677 = tpu.memref_slice %arg4[%add3A_595] : memref<16384xf32, #tpu.memory_space<hbm>> -> memref<128xf32, #tpu.memory_space<hbm>>
      %dma_wait3A_678 = tpu.memref_slice %arg4[%add3A_595] : memref<16384xf32, #tpu.memory_space<hbm>> -> memref<128xf32, #tpu.memory_space<hbm>>
      %dma_wait3A_679 = arith.constant 0 : i32
      %dma_wait3A_680 = tpu.memref_slice %arg7[%run_scoped3A, %dma_wait3A_679] : memref<4x128xf32, #tpu.memory_space<vmem>> -> memref<1x128xf32, #tpu.memory_space<vmem>>
      %dma_wait3A_681 = tpu.memref_squeeze %dma_wait3A_680 : memref<1x128xf32, #tpu.memory_space<vmem>> -> memref<128xf32, #tpu.memory_space<vmem>>
      tpu.wait_dma2 semaphore(%run_scoped3A_665 : memref<!tpu.dma_semaphore, #tpu.memory_space<semaphore_mem>>) src(%dma_wait3A_681 : memref<128xf32, #tpu.memory_space<vmem>>) dst(%dma_wait3A_678 : memref<128xf32, #tpu.memory_space<hbm>>)
      tpu.yield
    }) : () -> ()
    %dma_start3A_596 = arith.constant 1 : i32
    %dma_start3A_597 = arith.constant 1 : i32
    %dma_start3A_598 = arith.constant 0 : i32
    %dma_start3A_599 = tpu.memref_slice %arg7[%dma_start3A_597, %dma_start3A_598] : memref<4x128xf32, #tpu.memory_space<vmem>> -> memref<1x128xf32, #tpu.memory_space<vmem>>
    %dma_start3A_600 = tpu.memref_squeeze %dma_start3A_599 : memref<1x128xf32, #tpu.memory_space<vmem>> -> memref<128xf32, #tpu.memory_space<vmem>>
    %dma_start3A_601 = arith.constant 0 : i32
    %dma_start3A_602 = tpu.memref_slice %arg6[%dma_start3A_596, %dma_start3A_601] : memref<4x128xi32, #tpu.memory_space<vmem>> -> memref<1x128xi32, #tpu.memory_space<vmem>>
    %dma_start3A_603 = tpu.memref_squeeze %dma_start3A_602 : memref<1x128xi32, #tpu.memory_space<vmem>> -> memref<128xi32, #tpu.memory_space<vmem>>
    %dma_start3A_604 = arith.constant 0 : i32
    %dma_start3A_605 = tpu.memref_slice %arg2[%dma_start3A_604] : memref<16384000xf32, #tpu.memory_space<hbm>> -> memref<16384000xf32, #tpu.memory_space<hbm>>
    tpu.enqueue_indirect_dma source(%dma_start3A_605 : memref<16384000xf32, #tpu.memory_space<hbm>>) target(%dma_start3A_600 : memref<128xf32, #tpu.memory_space<vmem>>) offsets(%dma_start3A_603 : memref<128xi32, #tpu.memory_space<vmem>>) semaphore(%arg8 : memref<!tpu.dma_semaphore, #tpu.memory_space<semaphore_mem>>)
    %dma_wait3A_606 = arith.constant 1 : i32
    %dma_wait3A_607 = arith.constant 1 : i32
    %dma_wait3A_608 = arith.constant 0 : i32
    %dma_wait3A_609 = tpu.memref_slice %arg7[%dma_wait3A_607, %dma_wait3A_608] : memref<4x128xf32, #tpu.memory_space<vmem>> -> memref<1x128xf32, #tpu.memory_space<vmem>>
    %dma_wait3A_610 = tpu.memref_squeeze %dma_wait3A_609 : memref<1x128xf32, #tpu.memory_space<vmem>> -> memref<128xf32, #tpu.memory_space<vmem>>
    %dma_wait3A_611 = arith.constant 0 : i32
    %dma_wait3A_612 = tpu.memref_slice %arg6[%dma_wait3A_606, %dma_wait3A_611] : memref<4x128xi32, #tpu.memory_space<vmem>> -> memref<1x128xi32, #tpu.memory_space<vmem>>
    %dma_wait3A_613 = tpu.memref_squeeze %dma_wait3A_612 : memref<1x128xi32, #tpu.memory_space<vmem>> -> memref<128xi32, #tpu.memory_space<vmem>>
    %dma_wait3A_614 = arith.constant 0 : i32
    %dma_wait3A_615 = tpu.memref_slice %arg2[%dma_wait3A_614] : memref<16384000xf32, #tpu.memory_space<hbm>> -> memref<16384000xf32, #tpu.memory_space<hbm>>
    tpu.wait_indirect_dma semaphore(%arg8 : memref<!tpu.dma_semaphore, #tpu.memory_space<semaphore_mem>>) src(%dma_wait3A_615 : memref<16384000xf32, #tpu.memory_space<hbm>>) dst(%dma_wait3A_610 : memref<128xf32, #tpu.memory_space<vmem>>)
    %add3A_616 = arith.constant 128 : i32
    %add3A_617 = arith.addi %mul3A_2, %add3A_616 : i32
    %run_scoped3A_618 = arith.constant 1 : i32
    "tpu.region"() ({
      %run_scoped3A_665 = tpu.sem_alloc : memref<!tpu.dma_semaphore, #tpu.memory_space<semaphore_mem>>
      %dma_start3A_666 = arith.constant 0 : i32
      %dma_start3A_667 = tpu.memref_slice %arg7[%run_scoped3A_618, %dma_start3A_666] : memref<4x128xf32, #tpu.memory_space<vmem>> -> memref<1x128xf32, #tpu.memory_space<vmem>>
      %dma_start3A_668 = tpu.memref_squeeze %dma_start3A_667 : memref<1x128xf32, #tpu.memory_space<vmem>> -> memref<128xf32, #tpu.memory_space<vmem>>
      %dma_start3A_669 = tpu.memref_slice %arg4[%add3A_617] : memref<16384xf32, #tpu.memory_space<hbm>> -> memref<128xf32, #tpu.memory_space<hbm>>
      %dma_start3A_670 = tpu.memref_slice %arg4[%add3A_617] : memref<16384xf32, #tpu.memory_space<hbm>> -> memref<128xf32, #tpu.memory_space<hbm>>
      %dma_start3A_671 = arith.constant 0 : i32
      %dma_start3A_672 = tpu.memref_slice %arg7[%run_scoped3A_618, %dma_start3A_671] : memref<4x128xf32, #tpu.memory_space<vmem>> -> memref<1x128xf32, #tpu.memory_space<vmem>>
      %dma_start3A_673 = tpu.memref_squeeze %dma_start3A_672 : memref<1x128xf32, #tpu.memory_space<vmem>> -> memref<128xf32, #tpu.memory_space<vmem>>
      tpu.enqueue_dma source(%dma_start3A_673 : memref<128xf32, #tpu.memory_space<vmem>>) target(%dma_start3A_670 : memref<128xf32, #tpu.memory_space<hbm>>) target_semaphore(%run_scoped3A_665 : memref<!tpu.dma_semaphore, #tpu.memory_space<semaphore_mem>>)
      %dma_wait3A_674 = arith.constant 0 : i32
      %dma_wait3A_675 = tpu.memref_slice %arg7[%run_scoped3A_618, %dma_wait3A_674] : memref<4x128xf32, #tpu.memory_space<vmem>> -> memref<1x128xf32, #tpu.memory_space<vmem>>
      %dma_wait3A_676 = tpu.memref_squeeze %dma_wait3A_675 : memref<1x128xf32, #tpu.memory_space<vmem>> -> memref<128xf32, #tpu.memory_space<vmem>>
      %dma_wait3A_677 = tpu.memref_slice %arg4[%add3A_617] : memref<16384xf32, #tpu.memory_space<hbm>> -> memref<128xf32, #tpu.memory_space<hbm>>
      %dma_wait3A_678 = tpu.memref_slice %arg4[%add3A_617] : memref<16384xf32, #tpu.memory_space<hbm>> -> memref<128xf32, #tpu.memory_space<hbm>>
      %dma_wait3A_679 = arith.constant 0 : i32
      %dma_wait3A_680 = tpu.memref_slice %arg7[%run_scoped3A_618, %dma_wait3A_679] : memref<4x128xf32, #tpu.memory_space<vmem>> -> memref<1x128xf32, #tpu.memory_space<vmem>>
      %dma_wait3A_681 = tpu.memref_squeeze %dma_wait3A_680 : memref<1x128xf32, #tpu.memory_space<vmem>> -> memref<128xf32, #tpu.memory_space<vmem>>
      tpu.wait_dma2 semaphore(%run_scoped3A_665 : memref<!tpu.dma_semaphore, #tpu.memory_space<semaphore_mem>>) src(%dma_wait3A_681 : memref<128xf32, #tpu.memory_space<vmem>>) dst(%dma_wait3A_678 : memref<128xf32, #tpu.memory_space<hbm>>)
      tpu.yield
    }) : () -> ()
    %dma_start3A_619 = arith.constant 2 : i32
    %dma_start3A_620 = arith.constant 2 : i32
    %dma_start3A_621 = arith.constant 0 : i32
    %dma_start3A_622 = tpu.memref_slice %arg7[%dma_start3A_620, %dma_start3A_621] : memref<4x128xf32, #tpu.memory_space<vmem>> -> memref<1x128xf32, #tpu.memory_space<vmem>>
    %dma_start3A_623 = tpu.memref_squeeze %dma_start3A_622 : memref<1x128xf32, #tpu.memory_space<vmem>> -> memref<128xf32, #tpu.memory_space<vmem>>
    %dma_start3A_624 = arith.constant 0 : i32
    %dma_start3A_625 = tpu.memref_slice %arg6[%dma_start3A_619, %dma_start3A_624] : memref<4x128xi32, #tpu.memory_space<vmem>> -> memref<1x128xi32, #tpu.memory_space<vmem>>
    %dma_start3A_626 = tpu.memref_squeeze %dma_start3A_625 : memref<1x128xi32, #tpu.memory_space<vmem>> -> memref<128xi32, #tpu.memory_space<vmem>>
    %dma_start3A_627 = arith.constant 0 : i32
    %dma_start3A_628 = tpu.memref_slice %arg2[%dma_start3A_627] : memref<16384000xf32, #tpu.memory_space<hbm>> -> memref<16384000xf32, #tpu.memory_space<hbm>>
    tpu.enqueue_indirect_dma source(%dma_start3A_628 : memref<16384000xf32, #tpu.memory_space<hbm>>) target(%dma_start3A_623 : memref<128xf32, #tpu.memory_space<vmem>>) offsets(%dma_start3A_626 : memref<128xi32, #tpu.memory_space<vmem>>) semaphore(%arg8 : memref<!tpu.dma_semaphore, #tpu.memory_space<semaphore_mem>>)
    %dma_wait3A_629 = arith.constant 2 : i32
    %dma_wait3A_630 = arith.constant 2 : i32
    %dma_wait3A_631 = arith.constant 0 : i32
    %dma_wait3A_632 = tpu.memref_slice %arg7[%dma_wait3A_630, %dma_wait3A_631] : memref<4x128xf32, #tpu.memory_space<vmem>> -> memref<1x128xf32, #tpu.memory_space<vmem>>
    %dma_wait3A_633 = tpu.memref_squeeze %dma_wait3A_632 : memref<1x128xf32, #tpu.memory_space<vmem>> -> memref<128xf32, #tpu.memory_space<vmem>>
    %dma_wait3A_634 = arith.constant 0 : i32
    %dma_wait3A_635 = tpu.memref_slice %arg6[%dma_wait3A_629, %dma_wait3A_634] : memref<4x128xi32, #tpu.memory_space<vmem>> -> memref<1x128xi32, #tpu.memory_space<vmem>>
    %dma_wait3A_636 = tpu.memref_squeeze %dma_wait3A_635 : memref<1x128xi32, #tpu.memory_space<vmem>> -> memref<128xi32, #tpu.memory_space<vmem>>
    %dma_wait3A_637 = arith.constant 0 : i32
    %dma_wait3A_638 = tpu.memref_slice %arg2[%dma_wait3A_637] : memref<16384000xf32, #tpu.memory_space<hbm>> -> memref<16384000xf32, #tpu.memory_space<hbm>>
    tpu.wait_indirect_dma semaphore(%arg8 : memref<!tpu.dma_semaphore, #tpu.memory_space<semaphore_mem>>) src(%dma_wait3A_638 : memref<16384000xf32, #tpu.memory_space<hbm>>) dst(%dma_wait3A_633 : memref<128xf32, #tpu.memory_space<vmem>>)
    %add3A_639 = arith.constant 256 : i32
    %add3A_640 = arith.addi %mul3A_2, %add3A_639 : i32
    %run_scoped3A_641 = arith.constant 2 : i32
    "tpu.region"() ({
      %run_scoped3A_665 = tpu.sem_alloc : memref<!tpu.dma_semaphore, #tpu.memory_space<semaphore_mem>>
      %dma_start3A_666 = arith.constant 0 : i32
      %dma_start3A_667 = tpu.memref_slice %arg7[%run_scoped3A_641, %dma_start3A_666] : memref<4x128xf32, #tpu.memory_space<vmem>> -> memref<1x128xf32, #tpu.memory_space<vmem>>
      %dma_start3A_668 = tpu.memref_squeeze %dma_start3A_667 : memref<1x128xf32, #tpu.memory_space<vmem>> -> memref<128xf32, #tpu.memory_space<vmem>>
      %dma_start3A_669 = tpu.memref_slice %arg4[%add3A_640] : memref<16384xf32, #tpu.memory_space<hbm>> -> memref<128xf32, #tpu.memory_space<hbm>>
      %dma_start3A_670 = tpu.memref_slice %arg4[%add3A_640] : memref<16384xf32, #tpu.memory_space<hbm>> -> memref<128xf32, #tpu.memory_space<hbm>>
      %dma_start3A_671 = arith.constant 0 : i32
      %dma_start3A_672 = tpu.memref_slice %arg7[%run_scoped3A_641, %dma_start3A_671] : memref<4x128xf32, #tpu.memory_space<vmem>> -> memref<1x128xf32, #tpu.memory_space<vmem>>
      %dma_start3A_673 = tpu.memref_squeeze %dma_start3A_672 : memref<1x128xf32, #tpu.memory_space<vmem>> -> memref<128xf32, #tpu.memory_space<vmem>>
      tpu.enqueue_dma source(%dma_start3A_673 : memref<128xf32, #tpu.memory_space<vmem>>) target(%dma_start3A_670 : memref<128xf32, #tpu.memory_space<hbm>>) target_semaphore(%run_scoped3A_665 : memref<!tpu.dma_semaphore, #tpu.memory_space<semaphore_mem>>)
      %dma_wait3A_674 = arith.constant 0 : i32
      %dma_wait3A_675 = tpu.memref_slice %arg7[%run_scoped3A_641, %dma_wait3A_674] : memref<4x128xf32, #tpu.memory_space<vmem>> -> memref<1x128xf32, #tpu.memory_space<vmem>>
      %dma_wait3A_676 = tpu.memref_squeeze %dma_wait3A_675 : memref<1x128xf32, #tpu.memory_space<vmem>> -> memref<128xf32, #tpu.memory_space<vmem>>
      %dma_wait3A_677 = tpu.memref_slice %arg4[%add3A_640] : memref<16384xf32, #tpu.memory_space<hbm>> -> memref<128xf32, #tpu.memory_space<hbm>>
      %dma_wait3A_678 = tpu.memref_slice %arg4[%add3A_640] : memref<16384xf32, #tpu.memory_space<hbm>> -> memref<128xf32, #tpu.memory_space<hbm>>
      %dma_wait3A_679 = arith.constant 0 : i32
      %dma_wait3A_680 = tpu.memref_slice %arg7[%run_scoped3A_641, %dma_wait3A_679] : memref<4x128xf32, #tpu.memory_space<vmem>> -> memref<1x128xf32, #tpu.memory_space<vmem>>
      %dma_wait3A_681 = tpu.memref_squeeze %dma_wait3A_680 : memref<1x128xf32, #tpu.memory_space<vmem>> -> memref<128xf32, #tpu.memory_space<vmem>>
      tpu.wait_dma2 semaphore(%run_scoped3A_665 : memref<!tpu.dma_semaphore, #tpu.memory_space<semaphore_mem>>) src(%dma_wait3A_681 : memref<128xf32, #tpu.memory_space<vmem>>) dst(%dma_wait3A_678 : memref<128xf32, #tpu.memory_space<hbm>>)
      tpu.yield
    }) : () -> ()
    %dma_start3A_642 = arith.constant 3 : i32
    %dma_start3A_643 = arith.constant 3 : i32
    %dma_start3A_644 = arith.constant 0 : i32
    %dma_start3A_645 = tpu.memref_slice %arg7[%dma_start3A_643, %dma_start3A_644] : memref<4x128xf32, #tpu.memory_space<vmem>> -> memref<1x128xf32, #tpu.memory_space<vmem>>
    %dma_start3A_646 = tpu.memref_squeeze %dma_start3A_645 : memref<1x128xf32, #tpu.memory_space<vmem>> -> memref<128xf32, #tpu.memory_space<vmem>>
    %dma_start3A_647 = arith.constant 0 : i32
    %dma_start3A_648 = tpu.memref_slice %arg6[%dma_start3A_642, %dma_start3A_647] : memref<4x128xi32, #tpu.memory_space<vmem>> -> memref<1x128xi32, #tpu.memory_space<vmem>>
    %dma_start3A_649 = tpu.memref_squeeze %dma_start3A_648 : memref<1x128xi32, #tpu.memory_space<vmem>> -> memref<128xi32, #tpu.memory_space<vmem>>
    %dma_start3A_650 = arith.constant 0 : i32
    %dma_start3A_651 = tpu.memref_slice %arg2[%dma_start3A_650] : memref<16384000xf32, #tpu.memory_space<hbm>> -> memref<16384000xf32, #tpu.memory_space<hbm>>
    tpu.enqueue_indirect_dma source(%dma_start3A_651 : memref<16384000xf32, #tpu.memory_space<hbm>>) target(%dma_start3A_646 : memref<128xf32, #tpu.memory_space<vmem>>) offsets(%dma_start3A_649 : memref<128xi32, #tpu.memory_space<vmem>>) semaphore(%arg8 : memref<!tpu.dma_semaphore, #tpu.memory_space<semaphore_mem>>)
    %dma_wait3A_652 = arith.constant 3 : i32
    %dma_wait3A_653 = arith.constant 3 : i32
    %dma_wait3A_654 = arith.constant 0 : i32
    %dma_wait3A_655 = tpu.memref_slice %arg7[%dma_wait3A_653, %dma_wait3A_654] : memref<4x128xf32, #tpu.memory_space<vmem>> -> memref<1x128xf32, #tpu.memory_space<vmem>>
    %dma_wait3A_656 = tpu.memref_squeeze %dma_wait3A_655 : memref<1x128xf32, #tpu.memory_space<vmem>> -> memref<128xf32, #tpu.memory_space<vmem>>
    %dma_wait3A_657 = arith.constant 0 : i32
    %dma_wait3A_658 = tpu.memref_slice %arg6[%dma_wait3A_652, %dma_wait3A_657] : memref<4x128xi32, #tpu.memory_space<vmem>> -> memref<1x128xi32, #tpu.memory_space<vmem>>
    %dma_wait3A_659 = tpu.memref_squeeze %dma_wait3A_658 : memref<1x128xi32, #tpu.memory_space<vmem>> -> memref<128xi32, #tpu.memory_space<vmem>>
    %dma_wait3A_660 = arith.constant 0 : i32
    %dma_wait3A_661 = tpu.memref_slice %arg2[%dma_wait3A_660] : memref<16384000xf32, #tpu.memory_space<hbm>> -> memref<16384000xf32, #tpu.memory_space<hbm>>
    tpu.wait_indirect_dma semaphore(%arg8 : memref<!tpu.dma_semaphore, #tpu.memory_space<semaphore_mem>>) src(%dma_wait3A_661 : memref<16384000xf32, #tpu.memory_space<hbm>>) dst(%dma_wait3A_656 : memref<128xf32, #tpu.memory_space<vmem>>)
    %add3A_662 = arith.constant 384 : i32
    %add3A_663 = arith.addi %mul3A_2, %add3A_662 : i32
    %run_scoped3A_664 = arith.constant 3 : i32
    "tpu.region"() ({
      %run_scoped3A_665 = tpu.sem_alloc : memref<!tpu.dma_semaphore, #tpu.memory_space<semaphore_mem>>
      %dma_start3A_666 = arith.constant 0 : i32
      %dma_start3A_667 = tpu.memref_slice %arg7[%run_scoped3A_664, %dma_start3A_666] : memref<4x128xf32, #tpu.memory_space<vmem>> -> memref<1x128xf32, #tpu.memory_space<vmem>>
      %dma_start3A_668 = tpu.memref_squeeze %dma_start3A_667 : memref<1x128xf32, #tpu.memory_space<vmem>> -> memref<128xf32, #tpu.memory_space<vmem>>
      %dma_start3A_669 = tpu.memref_slice %arg4[%add3A_663] : memref<16384xf32, #tpu.memory_space<hbm>> -> memref<128xf32, #tpu.memory_space<hbm>>
      %dma_start3A_670 = tpu.memref_slice %arg4[%add3A_663] : memref<16384xf32, #tpu.memory_space<hbm>> -> memref<128xf32, #tpu.memory_space<hbm>>
      %dma_start3A_671 = arith.constant 0 : i32
      %dma_start3A_672 = tpu.memref_slice %arg7[%run_scoped3A_664, %dma_start3A_671] : memref<4x128xf32, #tpu.memory_space<vmem>> -> memref<1x128xf32, #tpu.memory_space<vmem>>
      %dma_start3A_673 = tpu.memref_squeeze %dma_start3A_672 : memref<1x128xf32, #tpu.memory_space<vmem>> -> memref<128xf32, #tpu.memory_space<vmem>>
      tpu.enqueue_dma source(%dma_start3A_673 : memref<128xf32, #tpu.memory_space<vmem>>) target(%dma_start3A_670 : memref<128xf32, #tpu.memory_space<hbm>>) target_semaphore(%run_scoped3A_665 : memref<!tpu.dma_semaphore, #tpu.memory_space<semaphore_mem>>)
      %dma_wait3A_674 = arith.constant 0 : i32
      %dma_wait3A_675 = tpu.memref_slice %arg7[%run_scoped3A_664, %dma_wait3A_674] : memref<4x128xf32, #tpu.memory_space<vmem>> -> memref<1x128xf32, #tpu.memory_space<vmem>>
      %dma_wait3A_676 = tpu.memref_squeeze %dma_wait3A_675 : memref<1x128xf32, #tpu.memory_space<vmem>> -> memref<128xf32, #tpu.memory_space<vmem>>
      %dma_wait3A_677 = tpu.memref_slice %arg4[%add3A_663] : memref<16384xf32, #tpu.memory_space<hbm>> -> memref<128xf32, #tpu.memory_space<hbm>>
      %dma_wait3A_678 = tpu.memref_slice %arg4[%add3A_663] : memref<16384xf32, #tpu.memory_space<hbm>> -> memref<128xf32, #tpu.memory_space<hbm>>
      %dma_wait3A_679 = arith.constant 0 : i32
      %dma_wait3A_680 = tpu.memref_slice %arg7[%run_scoped3A_664, %dma_wait3A_679] : memref<4x128xf32, #tpu.memory_space<vmem>> -> memref<1x128xf32, #tpu.memory_space<vmem>>
      %dma_wait3A_681 = tpu.memref_squeeze %dma_wait3A_680 : memref<1x128xf32, #tpu.memory_space<vmem>> -> memref<128xf32, #tpu.memory_space<vmem>>
      tpu.wait_dma2 semaphore(%run_scoped3A_665 : memref<!tpu.dma_semaphore, #tpu.memory_space<semaphore_mem>>) src(%dma_wait3A_681 : memref<128xf32, #tpu.memory_space<vmem>>) dst(%dma_wait3A_678 : memref<128xf32, #tpu.memory_space<hbm>>)
      tpu.yield
    }) : () -> ()
    return
  }
}

module attributes {stable_mosaic.version = 14 : i64} {
  func.func @_ece_kernel(%arg0: i32, %arg1: memref<16x1024xi32, #tpu.memory_space<vmem>>, %arg2: memref<16x1024xf32, #tpu.memory_space<vmem>>, %arg3: memref<1x16xf32, #tpu.memory_space<vmem>>, %arg4: memref<1x16xf32, #tpu.memory_space<vmem>>, %arg5: memref<1024x1000xf32, #tpu.memory_space<vmem>>, %arg6: memref<16x128xf32, #tpu.memory_space<vmem>>, %arg7: memref<16x128xf32, #tpu.memory_space<vmem>>, %arg8: memref<16x1000xf32, #tpu.memory_space<vmem>>, %arg9: memref<16x1000xf32, #tpu.memory_space<vmem>>, %arg10: memref<16x1000xf32, #tpu.memory_space<vmem>>) attributes {dimension_semantics = [#tpu.dimension_semantics<arbitrary>], iteration_bounds = array<i64: 16>, scalar_prefetch = 0 : i64, scratch_operands = 3 : i64, tpu.core_type = #tpu.core_type<tc>, window_params = [{pipeline_mode = #tpu.pipeline_mode<synchronous>, transform_indices = @transform_0, window_bounds = array<i64: 16, 1024>}, {pipeline_mode = #tpu.pipeline_mode<synchronous>, transform_indices = @transform_1, window_bounds = array<i64: 16, 1024>}, {pipeline_mode = #tpu.pipeline_mode<synchronous>, transform_indices = @transform_2, window_bounds = array<i64: 1, 16>}, {pipeline_mode = #tpu.pipeline_mode<synchronous>, transform_indices = @transform_3, window_bounds = array<i64: 1, 16>}, {transform_indices = @transform_4, window_bounds = array<i64: 1024, 1000>}, {pipeline_mode = #tpu.pipeline_mode<synchronous>, transform_indices = @transform_5, window_bounds = array<i64: 16, 128>}, {pipeline_mode = #tpu.pipeline_mode<synchronous>, transform_indices = @transform_6, window_bounds = array<i64: 16, 128>}]} {
    %eq3A = arith.constant 0 : i32
    %eq3A_0 = arith.cmpi eq, %arg0, %eq3A : i32
    %convert_element_type3A = arith.extui %eq3A_0 : i1 to i32
    %cond3A = arith.constant 0 : i32
    %cond3A_1 = arith.cmpi ne, %convert_element_type3A, %cond3A : i32
    scf.if %cond3A_1 {
      %broadcast_in_dim3A_545 = arith.constant 0.000000e+00 : f32
      %broadcast_in_dim3A_546 = vector.broadcast %broadcast_in_dim3A_545 : f32 to vector<16x1000xf32>
      %swap3A_547 = arith.constant 0 : index
      %swap3A_548 = arith.constant 0 : index
      %swap3A_549 = vector.load %arg8[%swap3A_547, %swap3A_548] : memref<16x1000xf32, #tpu.memory_space<vmem>>, vector<16x1000xf32>
      tpu.vector_store %arg8[%swap3A_547, %swap3A_548], %broadcast_in_dim3A_546 {strides = array<i32>} : memref<16x1000xf32, #tpu.memory_space<vmem>>, vector<16x1000xf32>,
      %broadcast_in_dim3A_550 = arith.constant 0.000000e+00 : f32
      %broadcast_in_dim3A_551 = vector.broadcast %broadcast_in_dim3A_550 : f32 to vector<16x1000xf32>
      %swap3A_552 = arith.constant 0 : index
      %swap3A_553 = arith.constant 0 : index
      %swap3A_554 = vector.load %arg9[%swap3A_552, %swap3A_553] : memref<16x1000xf32, #tpu.memory_space<vmem>>, vector<16x1000xf32>
      tpu.vector_store %arg9[%swap3A_552, %swap3A_553], %broadcast_in_dim3A_551 {strides = array<i32>} : memref<16x1000xf32, #tpu.memory_space<vmem>>, vector<16x1000xf32>,
      %broadcast_in_dim3A_555 = arith.constant 0.000000e+00 : f32
      %broadcast_in_dim3A_556 = vector.broadcast %broadcast_in_dim3A_555 : f32 to vector<16x1000xf32>
      %swap3A_557 = arith.constant 0 : index
      %swap3A_558 = arith.constant 0 : index
      %swap3A_559 = vector.load %arg10[%swap3A_557, %swap3A_558] : memref<16x1000xf32, #tpu.memory_space<vmem>>, vector<16x1000xf32>
      tpu.vector_store %arg10[%swap3A_557, %swap3A_558], %broadcast_in_dim3A_556 {strides = array<i32>} : memref<16x1000xf32, #tpu.memory_space<vmem>>, vector<16x1000xf32>,
    } else {
    }
    %get3A = arith.index_cast %arg0 : i32 to index
    %get3A_2 = arith.constant 0 : index
    %get3A_3 = vector.load %arg1[%get3A, %get3A_2] : memref<16x1024xi32, #tpu.memory_space<vmem>>, vector<1x1024xi32>
    %get3A_4 = vector.shape_cast %get3A_3 : vector<1x1024xi32> to vector<1024xi32>
    %reshape3A = vector.shape_cast %get3A_4 : vector<1024xi32> to vector<1024x1xi32>
    %get3A_5 = arith.index_cast %arg0 : i32 to index
    %get3A_6 = arith.constant 0 : index
    %get3A_7 = vector.load %arg2[%get3A_5, %get3A_6] : memref<16x1024xf32, #tpu.memory_space<vmem>>, vector<1x1024xf32>
    %get3A_8 = vector.shape_cast %get3A_7 : vector<1x1024xf32> to vector<1024xf32>
    %reshape3A_9 = vector.shape_cast %get3A_8 : vector<1024xf32> to vector<1024x1xf32>
    %iota3A = tpu.iota {dimensions = array<i32: 1>} : vector<1x1000xi32>
    %broadcast_in_dim3A = arith.constant 0.000000e+00 : f32
    %broadcast_in_dim3A_10 = vector.broadcast %broadcast_in_dim3A : f32 to vector<1x1000xf32>
    %broadcast_in_dim3A_11 = arith.constant 0.000000e+00 : f32
    %broadcast_in_dim3A_12 = vector.broadcast %broadcast_in_dim3A_11 : f32 to vector<1x1000xf32>
    %get3A_13 = arith.constant 0 : index
    %get3A_14 = arith.constant 0 : index
    %get3A_15 = vector.load %arg5[%get3A_13, %get3A_14] : memref<1024x1000xf32, #tpu.memory_space<vmem>>, vector<256x1000xf32>
    %reduce_max3A = arith.constant dense<0xFF800000> : vector<256xf32>
    %reduce_max3A_16 = vector.multi_reduction <maximumf>, %get3A_15, %reduce_max3A [1] : vector<256x1000xf32> to vector<256xf32>
    %broadcast_in_dim3A_17 = vector.shape_cast %reduce_max3A_16 : vector<256xf32> to vector<256x1xf32>
    %sub3A = vector.broadcast %broadcast_in_dim3A_17 : vector<256x1xf32> to vector<256x1000xf32>
    %sub3A_18 = arith.subf %get3A_15, %sub3A : vector<256x1000xf32>
    %exp3A = math.exp %sub3A_18 : vector<256x1000xf32>
    %reduce_sum3A = arith.constant dense<0.000000e+00> : vector<256xf32>
    %reduce_sum3A_19 = vector.multi_reduction <add>, %exp3A, %reduce_sum3A [1] : vector<256x1000xf32> to vector<256xf32>
    %broadcast_in_dim3A_20 = vector.shape_cast %reduce_sum3A_19 : vector<256xf32> to vector<256x1xf32>
    %div3A = vector.broadcast %broadcast_in_dim3A_20 : vector<256x1xf32> to vector<256x1000xf32>
    %div3A_21 = arith.divf %exp3A, %div3A : vector<256x1000xf32>
    %gt3A = arith.constant 0.000000e+00 : f32
    %gt3A_22 = vector.broadcast %gt3A : f32 to vector<256x1000xf32>
    %gt3A_23 = arith.cmpf ogt, %div3A_21, %gt3A_22 : vector<256x1000xf32>
    %convert_element_type3A_24 = arith.extui %gt3A_23 : vector<256x1000xi1> to vector<256x1000xi32>
    %convert_element_type3A_25 = arith.sitofp %convert_element_type3A_24 : vector<256x1000xi32> to vector<256x1000xf32>
    %reduce_sum3A_26 = arith.constant dense<0.000000e+00> : vector<1000xf32>
    %reduce_sum3A_27 = vector.multi_reduction <add>, %convert_element_type3A_25, %reduce_sum3A_26 [0] : vector<256x1000xf32> to vector<1000xf32>
    %broadcast_in_dim3A_28 = vector.shape_cast %reduce_sum3A_27 : vector<1000xf32> to vector<1x1000xf32>
    %add3A = arith.addf %broadcast_in_dim3A_10, %broadcast_in_dim3A_28 : vector<1x1000xf32>
    %reduce_sum3A_29 = arith.constant dense<0.000000e+00> : vector<1000xf32>
    %reduce_sum3A_30 = vector.multi_reduction <add>, %div3A_21, %reduce_sum3A_29 [0] : vector<256x1000xf32> to vector<1000xf32>
    %broadcast_in_dim3A_31 = vector.shape_cast %reduce_sum3A_30 : vector<1000xf32> to vector<1x1000xf32>
    %add3A_32 = arith.addf %broadcast_in_dim3A_12, %broadcast_in_dim3A_31 : vector<1x1000xf32>
    %reduce_min3A = vector.shape_cast %broadcast_in_dim3A_20 : vector<256x1xf32> to vector<1x256x1xf32>
    %reduce_min3A_33 = arith.constant dense<0x7F800000> : vector<1xf32>
    %reduce_min3A_34 = vector.multi_reduction <minimumf>, %reduce_min3A, %reduce_min3A_33 [1, 2] : vector<1x256x1xf32> to vector<1xf32>
    %reduce_min3A_35 = vector.shape_cast %reduce_min3A_34 : vector<1xf32> to vector<1x1x1xf32>
    %reduce_min3A_36 = vector.extract %reduce_min3A_35[0, 0, 0] : f32 from vector<1x1x1xf32>
    %div3A_37 = arith.constant 1.000000e+00 : f32
    %div3A_38 = arith.divf %div3A_37, %reduce_min3A_36 : f32
    %gt3A_39 = arith.constant 0.0666666701 : f32
    %gt3A_40 = arith.cmpf ogt, %div3A_38, %gt3A_39 : f32
    %convert_element_type3A_41 = arith.extui %gt3A_40 : i1 to i32
    %cond3A_42 = arith.constant 0 : i32
    %cond3A_43 = arith.cmpi ne, %convert_element_type3A_41, %cond3A_42 : i32
    scf.if %cond3A_43 {
      %gt3A_545 = arith.constant 0.0666666701 : f32
      %gt3A_546 = vector.broadcast %gt3A_545 : f32 to vector<256x1000xf32>
      %gt3A_547 = arith.cmpf ogt, %div3A_21, %gt3A_546 : vector<256x1000xf32>
      %convert_element_type3A_548 = arith.extui %gt3A_547 : vector<256x1000xi1> to vector<256x1000xi32>
      %convert_element_type3A_549 = arith.sitofp %convert_element_type3A_548 : vector<256x1000xi32> to vector<256x1000xf32>
      %get3A_550 = arith.constant 1 : index
      %get3A_551 = arith.constant 0 : index
      %get3A_552 = vector.load %arg8[%get3A_550, %get3A_551] : memref<16x1000xf32, #tpu.memory_space<vmem>>, vector<1x1000xf32>
      %reduce_sum3A_553 = arith.constant dense<0.000000e+00> : vector<1000xf32>
      %reduce_sum3A_554 = vector.multi_reduction <add>, %convert_element_type3A_549, %reduce_sum3A_553 [0] : vector<256x1000xf32> to vector<1000xf32>
      %broadcast_in_dim3A_555 = vector.shape_cast %reduce_sum3A_554 : vector<1000xf32> to vector<1x1000xf32>
      %add3A_556 = arith.addf %get3A_552, %broadcast_in_dim3A_555 : vector<1x1000xf32>
      %swap3A_557 = arith.constant 1 : index
      %swap3A_558 = arith.constant 0 : index
      %swap3A_559 = vector.load %arg8[%swap3A_557, %swap3A_558] : memref<16x1000xf32, #tpu.memory_space<vmem>>, vector<1x1000xf32>
      tpu.vector_store %arg8[%swap3A_557, %swap3A_558], %add3A_556 {strides = array<i32>} : memref<16x1000xf32, #tpu.memory_space<vmem>>, vector<1x1000xf32>,
      %get3A_560 = arith.constant 1 : index
      %get3A_561 = arith.constant 0 : index
      %get3A_562 = vector.load %arg9[%get3A_560, %get3A_561] : memref<16x1000xf32, #tpu.memory_space<vmem>>, vector<1x1000xf32>
      %mul3A = arith.mulf %div3A_21, %convert_element_type3A_549 : vector<256x1000xf32>
      %reduce_sum3A_563 = arith.constant dense<0.000000e+00> : vector<1000xf32>
      %reduce_sum3A_564 = vector.multi_reduction <add>, %mul3A, %reduce_sum3A_563 [0] : vector<256x1000xf32> to vector<1000xf32>
      %broadcast_in_dim3A_565 = vector.shape_cast %reduce_sum3A_564 : vector<1000xf32> to vector<1x1000xf32>
      %add3A_566 = arith.addf %get3A_562, %broadcast_in_dim3A_565 : vector<1x1000xf32>
      %swap3A_567 = arith.constant 1 : index
      %swap3A_568 = arith.constant 0 : index
      %swap3A_569 = vector.load %arg9[%swap3A_567, %swap3A_568] : memref<16x1000xf32, #tpu.memory_space<vmem>>, vector<1x1000xf32>
      tpu.vector_store %arg9[%swap3A_567, %swap3A_568], %add3A_566 {strides = array<i32>} : memref<16x1000xf32, #tpu.memory_space<vmem>>, vector<1x1000xf32>,
    } else {
    }
    %gt3A_44 = arith.constant 0.13333334 : f32
    %gt3A_45 = arith.cmpf ogt, %div3A_38, %gt3A_44 : f32
    %convert_element_type3A_46 = arith.extui %gt3A_45 : i1 to i32
    %cond3A_47 = arith.constant 0 : i32
    %cond3A_48 = arith.cmpi ne, %convert_element_type3A_46, %cond3A_47 : i32
    scf.if %cond3A_48 {
      %gt3A_545 = arith.constant 0.13333334 : f32
      %gt3A_546 = vector.broadcast %gt3A_545 : f32 to vector<256x1000xf32>
      %gt3A_547 = arith.cmpf ogt, %div3A_21, %gt3A_546 : vector<256x1000xf32>
      %convert_element_type3A_548 = arith.extui %gt3A_547 : vector<256x1000xi1> to vector<256x1000xi32>
      %convert_element_type3A_549 = arith.sitofp %convert_element_type3A_548 : vector<256x1000xi32> to vector<256x1000xf32>
      %get3A_550 = arith.constant 2 : index
      %get3A_551 = arith.constant 0 : index
      %get3A_552 = vector.load %arg8[%get3A_550, %get3A_551] : memref<16x1000xf32, #tpu.memory_space<vmem>>, vector<1x1000xf32>
      %reduce_sum3A_553 = arith.constant dense<0.000000e+00> : vector<1000xf32>
      %reduce_sum3A_554 = vector.multi_reduction <add>, %convert_element_type3A_549, %reduce_sum3A_553 [0] : vector<256x1000xf32> to vector<1000xf32>
      %broadcast_in_dim3A_555 = vector.shape_cast %reduce_sum3A_554 : vector<1000xf32> to vector<1x1000xf32>
      %add3A_556 = arith.addf %get3A_552, %broadcast_in_dim3A_555 : vector<1x1000xf32>
      %swap3A_557 = arith.constant 2 : index
      %swap3A_558 = arith.constant 0 : index
      %swap3A_559 = vector.load %arg8[%swap3A_557, %swap3A_558] : memref<16x1000xf32, #tpu.memory_space<vmem>>, vector<1x1000xf32>
      tpu.vector_store %arg8[%swap3A_557, %swap3A_558], %add3A_556 {strides = array<i32>} : memref<16x1000xf32, #tpu.memory_space<vmem>>, vector<1x1000xf32>,
      %get3A_560 = arith.constant 2 : index
      %get3A_561 = arith.constant 0 : index
      %get3A_562 = vector.load %arg9[%get3A_560, %get3A_561] : memref<16x1000xf32, #tpu.memory_space<vmem>>, vector<1x1000xf32>
      %mul3A = arith.mulf %div3A_21, %convert_element_type3A_549 : vector<256x1000xf32>
      %reduce_sum3A_563 = arith.constant dense<0.000000e+00> : vector<1000xf32>
      %reduce_sum3A_564 = vector.multi_reduction <add>, %mul3A, %reduce_sum3A_563 [0] : vector<256x1000xf32> to vector<1000xf32>
      %broadcast_in_dim3A_565 = vector.shape_cast %reduce_sum3A_564 : vector<1000xf32> to vector<1x1000xf32>
      %add3A_566 = arith.addf %get3A_562, %broadcast_in_dim3A_565 : vector<1x1000xf32>
      %swap3A_567 = arith.constant 2 : index
      %swap3A_568 = arith.constant 0 : index
      %swap3A_569 = vector.load %arg9[%swap3A_567, %swap3A_568] : memref<16x1000xf32, #tpu.memory_space<vmem>>, vector<1x1000xf32>
      tpu.vector_store %arg9[%swap3A_567, %swap3A_568], %add3A_566 {strides = array<i32>} : memref<16x1000xf32, #tpu.memory_space<vmem>>, vector<1x1000xf32>,
    } else {
    }
    %gt3A_49 = arith.constant 0.200000018 : f32
    %gt3A_50 = arith.cmpf ogt, %div3A_38, %gt3A_49 : f32
    %convert_element_type3A_51 = arith.extui %gt3A_50 : i1 to i32
    %cond3A_52 = arith.constant 0 : i32
    %cond3A_53 = arith.cmpi ne, %convert_element_type3A_51, %cond3A_52 : i32
    scf.if %cond3A_53 {
      %gt3A_545 = arith.constant 0.200000018 : f32
      %gt3A_546 = vector.broadcast %gt3A_545 : f32 to vector<256x1000xf32>
      %gt3A_547 = arith.cmpf ogt, %div3A_21, %gt3A_546 : vector<256x1000xf32>
      %convert_element_type3A_548 = arith.extui %gt3A_547 : vector<256x1000xi1> to vector<256x1000xi32>
      %convert_element_type3A_549 = arith.sitofp %convert_element_type3A_548 : vector<256x1000xi32> to vector<256x1000xf32>
      %get3A_550 = arith.constant 3 : index
      %get3A_551 = arith.constant 0 : index
      %get3A_552 = vector.load %arg8[%get3A_550, %get3A_551] : memref<16x1000xf32, #tpu.memory_space<vmem>>, vector<1x1000xf32>
      %reduce_sum3A_553 = arith.constant dense<0.000000e+00> : vector<1000xf32>
      %reduce_sum3A_554 = vector.multi_reduction <add>, %convert_element_type3A_549, %reduce_sum3A_553 [0] : vector<256x1000xf32> to vector<1000xf32>
      %broadcast_in_dim3A_555 = vector.shape_cast %reduce_sum3A_554 : vector<1000xf32> to vector<1x1000xf32>
      %add3A_556 = arith.addf %get3A_552, %broadcast_in_dim3A_555 : vector<1x1000xf32>
      %swap3A_557 = arith.constant 3 : index
      %swap3A_558 = arith.constant 0 : index
      %swap3A_559 = vector.load %arg8[%swap3A_557, %swap3A_558] : memref<16x1000xf32, #tpu.memory_space<vmem>>, vector<1x1000xf32>
      tpu.vector_store %arg8[%swap3A_557, %swap3A_558], %add3A_556 {strides = array<i32>} : memref<16x1000xf32, #tpu.memory_space<vmem>>, vector<1x1000xf32>,
      %get3A_560 = arith.constant 3 : index
      %get3A_561 = arith.constant 0 : index
      %get3A_562 = vector.load %arg9[%get3A_560, %get3A_561] : memref<16x1000xf32, #tpu.memory_space<vmem>>, vector<1x1000xf32>
      %mul3A = arith.mulf %div3A_21, %convert_element_type3A_549 : vector<256x1000xf32>
      %reduce_sum3A_563 = arith.constant dense<0.000000e+00> : vector<1000xf32>
      %reduce_sum3A_564 = vector.multi_reduction <add>, %mul3A, %reduce_sum3A_563 [0] : vector<256x1000xf32> to vector<1000xf32>
      %broadcast_in_dim3A_565 = vector.shape_cast %reduce_sum3A_564 : vector<1000xf32> to vector<1x1000xf32>
      %add3A_566 = arith.addf %get3A_562, %broadcast_in_dim3A_565 : vector<1x1000xf32>
      %swap3A_567 = arith.constant 3 : index
      %swap3A_568 = arith.constant 0 : index
      %swap3A_569 = vector.load %arg9[%swap3A_567, %swap3A_568] : memref<16x1000xf32, #tpu.memory_space<vmem>>, vector<1x1000xf32>
      tpu.vector_store %arg9[%swap3A_567, %swap3A_568], %add3A_566 {strides = array<i32>} : memref<16x1000xf32, #tpu.memory_space<vmem>>, vector<1x1000xf32>,
    } else {
    }
    %gt3A_54 = arith.constant 0.266666681 : f32
    %gt3A_55 = arith.cmpf ogt, %div3A_38, %gt3A_54 : f32
    %convert_element_type3A_56 = arith.extui %gt3A_55 : i1 to i32
    %cond3A_57 = arith.constant 0 : i32
    %cond3A_58 = arith.cmpi ne, %convert_element_type3A_56, %cond3A_57 : i32
    scf.if %cond3A_58 {
      %gt3A_545 = arith.constant 0.266666681 : f32
      %gt3A_546 = vector.broadcast %gt3A_545 : f32 to vector<256x1000xf32>
      %gt3A_547 = arith.cmpf ogt, %div3A_21, %gt3A_546 : vector<256x1000xf32>
      %convert_element_type3A_548 = arith.extui %gt3A_547 : vector<256x1000xi1> to vector<256x1000xi32>
      %convert_element_type3A_549 = arith.sitofp %convert_element_type3A_548 : vector<256x1000xi32> to vector<256x1000xf32>
      %get3A_550 = arith.constant 4 : index
      %get3A_551 = arith.constant 0 : index
      %get3A_552 = vector.load %arg8[%get3A_550, %get3A_551] : memref<16x1000xf32, #tpu.memory_space<vmem>>, vector<1x1000xf32>
      %reduce_sum3A_553 = arith.constant dense<0.000000e+00> : vector<1000xf32>
      %reduce_sum3A_554 = vector.multi_reduction <add>, %convert_element_type3A_549, %reduce_sum3A_553 [0] : vector<256x1000xf32> to vector<1000xf32>
      %broadcast_in_dim3A_555 = vector.shape_cast %reduce_sum3A_554 : vector<1000xf32> to vector<1x1000xf32>
      %add3A_556 = arith.addf %get3A_552, %broadcast_in_dim3A_555 : vector<1x1000xf32>
      %swap3A_557 = arith.constant 4 : index
      %swap3A_558 = arith.constant 0 : index
      %swap3A_559 = vector.load %arg8[%swap3A_557, %swap3A_558] : memref<16x1000xf32, #tpu.memory_space<vmem>>, vector<1x1000xf32>
      tpu.vector_store %arg8[%swap3A_557, %swap3A_558], %add3A_556 {strides = array<i32>} : memref<16x1000xf32, #tpu.memory_space<vmem>>, vector<1x1000xf32>,
      %get3A_560 = arith.constant 4 : index
      %get3A_561 = arith.constant 0 : index
      %get3A_562 = vector.load %arg9[%get3A_560, %get3A_561] : memref<16x1000xf32, #tpu.memory_space<vmem>>, vector<1x1000xf32>
      %mul3A = arith.mulf %div3A_21, %convert_element_type3A_549 : vector<256x1000xf32>
      %reduce_sum3A_563 = arith.constant dense<0.000000e+00> : vector<1000xf32>
      %reduce_sum3A_564 = vector.multi_reduction <add>, %mul3A, %reduce_sum3A_563 [0] : vector<256x1000xf32> to vector<1000xf32>
      %broadcast_in_dim3A_565 = vector.shape_cast %reduce_sum3A_564 : vector<1000xf32> to vector<1x1000xf32>
      %add3A_566 = arith.addf %get3A_562, %broadcast_in_dim3A_565 : vector<1x1000xf32>
      %swap3A_567 = arith.constant 4 : index
      %swap3A_568 = arith.constant 0 : index
      %swap3A_569 = vector.load %arg9[%swap3A_567, %swap3A_568] : memref<16x1000xf32, #tpu.memory_space<vmem>>, vector<1x1000xf32>
      tpu.vector_store %arg9[%swap3A_567, %swap3A_568], %add3A_566 {strides = array<i32>} : memref<16x1000xf32, #tpu.memory_space<vmem>>, vector<1x1000xf32>,
    } else {
    }
    %gt3A_59 = arith.constant 0.333333343 : f32
    %gt3A_60 = arith.cmpf ogt, %div3A_38, %gt3A_59 : f32
    %convert_element_type3A_61 = arith.extui %gt3A_60 : i1 to i32
    %cond3A_62 = arith.constant 0 : i32
    %cond3A_63 = arith.cmpi ne, %convert_element_type3A_61, %cond3A_62 : i32
    scf.if %cond3A_63 {
      %gt3A_545 = arith.constant 0.333333343 : f32
      %gt3A_546 = vector.broadcast %gt3A_545 : f32 to vector<256x1000xf32>
      %gt3A_547 = arith.cmpf ogt, %div3A_21, %gt3A_546 : vector<256x1000xf32>
      %convert_element_type3A_548 = arith.extui %gt3A_547 : vector<256x1000xi1> to vector<256x1000xi32>
      %convert_element_type3A_549 = arith.sitofp %convert_element_type3A_548 : vector<256x1000xi32> to vector<256x1000xf32>
      %get3A_550 = arith.constant 5 : index
      %get3A_551 = arith.constant 0 : index
      %get3A_552 = vector.load %arg8[%get3A_550, %get3A_551] : memref<16x1000xf32, #tpu.memory_space<vmem>>, vector<1x1000xf32>
      %reduce_sum3A_553 = arith.constant dense<0.000000e+00> : vector<1000xf32>
      %reduce_sum3A_554 = vector.multi_reduction <add>, %convert_element_type3A_549, %reduce_sum3A_553 [0] : vector<256x1000xf32> to vector<1000xf32>
      %broadcast_in_dim3A_555 = vector.shape_cast %reduce_sum3A_554 : vector<1000xf32> to vector<1x1000xf32>
      %add3A_556 = arith.addf %get3A_552, %broadcast_in_dim3A_555 : vector<1x1000xf32>
      %swap3A_557 = arith.constant 5 : index
      %swap3A_558 = arith.constant 0 : index
      %swap3A_559 = vector.load %arg8[%swap3A_557, %swap3A_558] : memref<16x1000xf32, #tpu.memory_space<vmem>>, vector<1x1000xf32>
      tpu.vector_store %arg8[%swap3A_557, %swap3A_558], %add3A_556 {strides = array<i32>} : memref<16x1000xf32, #tpu.memory_space<vmem>>, vector<1x1000xf32>,
      %get3A_560 = arith.constant 5 : index
      %get3A_561 = arith.constant 0 : index
      %get3A_562 = vector.load %arg9[%get3A_560, %get3A_561] : memref<16x1000xf32, #tpu.memory_space<vmem>>, vector<1x1000xf32>
      %mul3A = arith.mulf %div3A_21, %convert_element_type3A_549 : vector<256x1000xf32>
      %reduce_sum3A_563 = arith.constant dense<0.000000e+00> : vector<1000xf32>
      %reduce_sum3A_564 = vector.multi_reduction <add>, %mul3A, %reduce_sum3A_563 [0] : vector<256x1000xf32> to vector<1000xf32>
      %broadcast_in_dim3A_565 = vector.shape_cast %reduce_sum3A_564 : vector<1000xf32> to vector<1x1000xf32>
      %add3A_566 = arith.addf %get3A_562, %broadcast_in_dim3A_565 : vector<1x1000xf32>
      %swap3A_567 = arith.constant 5 : index
      %swap3A_568 = arith.constant 0 : index
      %swap3A_569 = vector.load %arg9[%swap3A_567, %swap3A_568] : memref<16x1000xf32, #tpu.memory_space<vmem>>, vector<1x1000xf32>
      tpu.vector_store %arg9[%swap3A_567, %swap3A_568], %add3A_566 {strides = array<i32>} : memref<16x1000xf32, #tpu.memory_space<vmem>>, vector<1x1000xf32>,
    } else {
    }
    %gt3A_64 = arith.constant 0.400000036 : f32
    %gt3A_65 = arith.cmpf ogt, %div3A_38, %gt3A_64 : f32
    %convert_element_type3A_66 = arith.extui %gt3A_65 : i1 to i32
    %cond3A_67 = arith.constant 0 : i32
    %cond3A_68 = arith.cmpi ne, %convert_element_type3A_66, %cond3A_67 : i32
    scf.if %cond3A_68 {
      %gt3A_545 = arith.constant 0.400000036 : f32
      %gt3A_546 = vector.broadcast %gt3A_545 : f32 to vector<256x1000xf32>
      %gt3A_547 = arith.cmpf ogt, %div3A_21, %gt3A_546 : vector<256x1000xf32>
      %convert_element_type3A_548 = arith.extui %gt3A_547 : vector<256x1000xi1> to vector<256x1000xi32>
      %convert_element_type3A_549 = arith.sitofp %convert_element_type3A_548 : vector<256x1000xi32> to vector<256x1000xf32>
      %get3A_550 = arith.constant 6 : index
      %get3A_551 = arith.constant 0 : index
      %get3A_552 = vector.load %arg8[%get3A_550, %get3A_551] : memref<16x1000xf32, #tpu.memory_space<vmem>>, vector<1x1000xf32>
      %reduce_sum3A_553 = arith.constant dense<0.000000e+00> : vector<1000xf32>
      %reduce_sum3A_554 = vector.multi_reduction <add>, %convert_element_type3A_549, %reduce_sum3A_553 [0] : vector<256x1000xf32> to vector<1000xf32>
      %broadcast_in_dim3A_555 = vector.shape_cast %reduce_sum3A_554 : vector<1000xf32> to vector<1x1000xf32>
      %add3A_556 = arith.addf %get3A_552, %broadcast_in_dim3A_555 : vector<1x1000xf32>
      %swap3A_557 = arith.constant 6 : index
      %swap3A_558 = arith.constant 0 : index
      %swap3A_559 = vector.load %arg8[%swap3A_557, %swap3A_558] : memref<16x1000xf32, #tpu.memory_space<vmem>>, vector<1x1000xf32>
      tpu.vector_store %arg8[%swap3A_557, %swap3A_558], %add3A_556 {strides = array<i32>} : memref<16x1000xf32, #tpu.memory_space<vmem>>, vector<1x1000xf32>,
      %get3A_560 = arith.constant 6 : index
      %get3A_561 = arith.constant 0 : index
      %get3A_562 = vector.load %arg9[%get3A_560, %get3A_561] : memref<16x1000xf32, #tpu.memory_space<vmem>>, vector<1x1000xf32>
      %mul3A = arith.mulf %div3A_21, %convert_element_type3A_549 : vector<256x1000xf32>
      %reduce_sum3A_563 = arith.constant dense<0.000000e+00> : vector<1000xf32>
      %reduce_sum3A_564 = vector.multi_reduction <add>, %mul3A, %reduce_sum3A_563 [0] : vector<256x1000xf32> to vector<1000xf32>
      %broadcast_in_dim3A_565 = vector.shape_cast %reduce_sum3A_564 : vector<1000xf32> to vector<1x1000xf32>
      %add3A_566 = arith.addf %get3A_562, %broadcast_in_dim3A_565 : vector<1x1000xf32>
      %swap3A_567 = arith.constant 6 : index
      %swap3A_568 = arith.constant 0 : index
      %swap3A_569 = vector.load %arg9[%swap3A_567, %swap3A_568] : memref<16x1000xf32, #tpu.memory_space<vmem>>, vector<1x1000xf32>
      tpu.vector_store %arg9[%swap3A_567, %swap3A_568], %add3A_566 {strides = array<i32>} : memref<16x1000xf32, #tpu.memory_space<vmem>>, vector<1x1000xf32>,
    } else {
    }
    %gt3A_69 = arith.constant 0.466666698 : f32
    %gt3A_70 = arith.cmpf ogt, %div3A_38, %gt3A_69 : f32
    %convert_element_type3A_71 = arith.extui %gt3A_70 : i1 to i32
    %cond3A_72 = arith.constant 0 : i32
    %cond3A_73 = arith.cmpi ne, %convert_element_type3A_71, %cond3A_72 : i32
    scf.if %cond3A_73 {
      %gt3A_545 = arith.constant 0.466666698 : f32
      %gt3A_546 = vector.broadcast %gt3A_545 : f32 to vector<256x1000xf32>
      %gt3A_547 = arith.cmpf ogt, %div3A_21, %gt3A_546 : vector<256x1000xf32>
      %convert_element_type3A_548 = arith.extui %gt3A_547 : vector<256x1000xi1> to vector<256x1000xi32>
      %convert_element_type3A_549 = arith.sitofp %convert_element_type3A_548 : vector<256x1000xi32> to vector<256x1000xf32>
      %get3A_550 = arith.constant 7 : index
      %get3A_551 = arith.constant 0 : index
      %get3A_552 = vector.load %arg8[%get3A_550, %get3A_551] : memref<16x1000xf32, #tpu.memory_space<vmem>>, vector<1x1000xf32>
      %reduce_sum3A_553 = arith.constant dense<0.000000e+00> : vector<1000xf32>
      %reduce_sum3A_554 = vector.multi_reduction <add>, %convert_element_type3A_549, %reduce_sum3A_553 [0] : vector<256x1000xf32> to vector<1000xf32>
      %broadcast_in_dim3A_555 = vector.shape_cast %reduce_sum3A_554 : vector<1000xf32> to vector<1x1000xf32>
      %add3A_556 = arith.addf %get3A_552, %broadcast_in_dim3A_555 : vector<1x1000xf32>
      %swap3A_557 = arith.constant 7 : index
      %swap3A_558 = arith.constant 0 : index
      %swap3A_559 = vector.load %arg8[%swap3A_557, %swap3A_558] : memref<16x1000xf32, #tpu.memory_space<vmem>>, vector<1x1000xf32>
      tpu.vector_store %arg8[%swap3A_557, %swap3A_558], %add3A_556 {strides = array<i32>} : memref<16x1000xf32, #tpu.memory_space<vmem>>, vector<1x1000xf32>,
      %get3A_560 = arith.constant 7 : index
      %get3A_561 = arith.constant 0 : index
      %get3A_562 = vector.load %arg9[%get3A_560, %get3A_561] : memref<16x1000xf32, #tpu.memory_space<vmem>>, vector<1x1000xf32>
      %mul3A = arith.mulf %div3A_21, %convert_element_type3A_549 : vector<256x1000xf32>
      %reduce_sum3A_563 = arith.constant dense<0.000000e+00> : vector<1000xf32>
      %reduce_sum3A_564 = vector.multi_reduction <add>, %mul3A, %reduce_sum3A_563 [0] : vector<256x1000xf32> to vector<1000xf32>
      %broadcast_in_dim3A_565 = vector.shape_cast %reduce_sum3A_564 : vector<1000xf32> to vector<1x1000xf32>
      %add3A_566 = arith.addf %get3A_562, %broadcast_in_dim3A_565 : vector<1x1000xf32>
      %swap3A_567 = arith.constant 7 : index
      %swap3A_568 = arith.constant 0 : index
      %swap3A_569 = vector.load %arg9[%swap3A_567, %swap3A_568] : memref<16x1000xf32, #tpu.memory_space<vmem>>, vector<1x1000xf32>
      tpu.vector_store %arg9[%swap3A_567, %swap3A_568], %add3A_566 {strides = array<i32>} : memref<16x1000xf32, #tpu.memory_space<vmem>>, vector<1x1000xf32>,
    } else {
    }
    %gt3A_74 = arith.constant 0.533333361 : f32
    %gt3A_75 = arith.cmpf ogt, %div3A_38, %gt3A_74 : f32
    %convert_element_type3A_76 = arith.extui %gt3A_75 : i1 to i32
    %cond3A_77 = arith.constant 0 : i32
    %cond3A_78 = arith.cmpi ne, %convert_element_type3A_76, %cond3A_77 : i32
    scf.if %cond3A_78 {
      %gt3A_545 = arith.constant 0.533333361 : f32
      %gt3A_546 = vector.broadcast %gt3A_545 : f32 to vector<256x1000xf32>
      %gt3A_547 = arith.cmpf ogt, %div3A_21, %gt3A_546 : vector<256x1000xf32>
      %convert_element_type3A_548 = arith.extui %gt3A_547 : vector<256x1000xi1> to vector<256x1000xi32>
      %convert_element_type3A_549 = arith.sitofp %convert_element_type3A_548 : vector<256x1000xi32> to vector<256x1000xf32>
      %get3A_550 = arith.constant 8 : index
      %get3A_551 = arith.constant 0 : index
      %get3A_552 = vector.load %arg8[%get3A_550, %get3A_551] : memref<16x1000xf32, #tpu.memory_space<vmem>>, vector<1x1000xf32>
      %reduce_sum3A_553 = arith.constant dense<0.000000e+00> : vector<1000xf32>
      %reduce_sum3A_554 = vector.multi_reduction <add>, %convert_element_type3A_549, %reduce_sum3A_553 [0] : vector<256x1000xf32> to vector<1000xf32>
      %broadcast_in_dim3A_555 = vector.shape_cast %reduce_sum3A_554 : vector<1000xf32> to vector<1x1000xf32>
      %add3A_556 = arith.addf %get3A_552, %broadcast_in_dim3A_555 : vector<1x1000xf32>
      %swap3A_557 = arith.constant 8 : index
      %swap3A_558 = arith.constant 0 : index
      %swap3A_559 = vector.load %arg8[%swap3A_557, %swap3A_558] : memref<16x1000xf32, #tpu.memory_space<vmem>>, vector<1x1000xf32>
      tpu.vector_store %arg8[%swap3A_557, %swap3A_558], %add3A_556 {strides = array<i32>} : memref<16x1000xf32, #tpu.memory_space<vmem>>, vector<1x1000xf32>,
      %get3A_560 = arith.constant 8 : index
      %get3A_561 = arith.constant 0 : index
      %get3A_562 = vector.load %arg9[%get3A_560, %get3A_561] : memref<16x1000xf32, #tpu.memory_space<vmem>>, vector<1x1000xf32>
      %mul3A = arith.mulf %div3A_21, %convert_element_type3A_549 : vector<256x1000xf32>
      %reduce_sum3A_563 = arith.constant dense<0.000000e+00> : vector<1000xf32>
      %reduce_sum3A_564 = vector.multi_reduction <add>, %mul3A, %reduce_sum3A_563 [0] : vector<256x1000xf32> to vector<1000xf32>
      %broadcast_in_dim3A_565 = vector.shape_cast %reduce_sum3A_564 : vector<1000xf32> to vector<1x1000xf32>
      %add3A_566 = arith.addf %get3A_562, %broadcast_in_dim3A_565 : vector<1x1000xf32>
      %swap3A_567 = arith.constant 8 : index
      %swap3A_568 = arith.constant 0 : index
      %swap3A_569 = vector.load %arg9[%swap3A_567, %swap3A_568] : memref<16x1000xf32, #tpu.memory_space<vmem>>, vector<1x1000xf32>
      tpu.vector_store %arg9[%swap3A_567, %swap3A_568], %add3A_566 {strides = array<i32>} : memref<16x1000xf32, #tpu.memory_space<vmem>>, vector<1x1000xf32>,
    } else {
    }
    %gt3A_79 = arith.constant 6.000000e-01 : f32
    %gt3A_80 = arith.cmpf ogt, %div3A_38, %gt3A_79 : f32
    %convert_element_type3A_81 = arith.extui %gt3A_80 : i1 to i32
    %cond3A_82 = arith.constant 0 : i32
    %cond3A_83 = arith.cmpi ne, %convert_element_type3A_81, %cond3A_82 : i32
    scf.if %cond3A_83 {
      %gt3A_545 = arith.constant 6.000000e-01 : f32
      %gt3A_546 = vector.broadcast %gt3A_545 : f32 to vector<256x1000xf32>
      %gt3A_547 = arith.cmpf ogt, %div3A_21, %gt3A_546 : vector<256x1000xf32>
      %convert_element_type3A_548 = arith.extui %gt3A_547 : vector<256x1000xi1> to vector<256x1000xi32>
      %convert_element_type3A_549 = arith.sitofp %convert_element_type3A_548 : vector<256x1000xi32> to vector<256x1000xf32>
      %get3A_550 = arith.constant 9 : index
      %get3A_551 = arith.constant 0 : index
      %get3A_552 = vector.load %arg8[%get3A_550, %get3A_551] : memref<16x1000xf32, #tpu.memory_space<vmem>>, vector<1x1000xf32>
      %reduce_sum3A_553 = arith.constant dense<0.000000e+00> : vector<1000xf32>
      %reduce_sum3A_554 = vector.multi_reduction <add>, %convert_element_type3A_549, %reduce_sum3A_553 [0] : vector<256x1000xf32> to vector<1000xf32>
      %broadcast_in_dim3A_555 = vector.shape_cast %reduce_sum3A_554 : vector<1000xf32> to vector<1x1000xf32>
      %add3A_556 = arith.addf %get3A_552, %broadcast_in_dim3A_555 : vector<1x1000xf32>
      %swap3A_557 = arith.constant 9 : index
      %swap3A_558 = arith.constant 0 : index
      %swap3A_559 = vector.load %arg8[%swap3A_557, %swap3A_558] : memref<16x1000xf32, #tpu.memory_space<vmem>>, vector<1x1000xf32>
      tpu.vector_store %arg8[%swap3A_557, %swap3A_558], %add3A_556 {strides = array<i32>} : memref<16x1000xf32, #tpu.memory_space<vmem>>, vector<1x1000xf32>,
      %get3A_560 = arith.constant 9 : index
      %get3A_561 = arith.constant 0 : index
      %get3A_562 = vector.load %arg9[%get3A_560, %get3A_561] : memref<16x1000xf32, #tpu.memory_space<vmem>>, vector<1x1000xf32>
      %mul3A = arith.mulf %div3A_21, %convert_element_type3A_549 : vector<256x1000xf32>
      %reduce_sum3A_563 = arith.constant dense<0.000000e+00> : vector<1000xf32>
      %reduce_sum3A_564 = vector.multi_reduction <add>, %mul3A, %reduce_sum3A_563 [0] : vector<256x1000xf32> to vector<1000xf32>
      %broadcast_in_dim3A_565 = vector.shape_cast %reduce_sum3A_564 : vector<1000xf32> to vector<1x1000xf32>
      %add3A_566 = arith.addf %get3A_562, %broadcast_in_dim3A_565 : vector<1x1000xf32>
      %swap3A_567 = arith.constant 9 : index
      %swap3A_568 = arith.constant 0 : index
      %swap3A_569 = vector.load %arg9[%swap3A_567, %swap3A_568] : memref<16x1000xf32, #tpu.memory_space<vmem>>, vector<1x1000xf32>
      tpu.vector_store %arg9[%swap3A_567, %swap3A_568], %add3A_566 {strides = array<i32>} : memref<16x1000xf32, #tpu.memory_space<vmem>>, vector<1x1000xf32>,
    } else {
    }
    %gt3A_84 = arith.constant 0.666666686 : f32
    %gt3A_85 = arith.cmpf ogt, %div3A_38, %gt3A_84 : f32
    %convert_element_type3A_86 = arith.extui %gt3A_85 : i1 to i32
    %cond3A_87 = arith.constant 0 : i32
    %cond3A_88 = arith.cmpi ne, %convert_element_type3A_86, %cond3A_87 : i32
    scf.if %cond3A_88 {
      %gt3A_545 = arith.constant 0.666666686 : f32
      %gt3A_546 = vector.broadcast %gt3A_545 : f32 to vector<256x1000xf32>
      %gt3A_547 = arith.cmpf ogt, %div3A_21, %gt3A_546 : vector<256x1000xf32>
      %convert_element_type3A_548 = arith.extui %gt3A_547 : vector<256x1000xi1> to vector<256x1000xi32>
      %convert_element_type3A_549 = arith.sitofp %convert_element_type3A_548 : vector<256x1000xi32> to vector<256x1000xf32>
      %get3A_550 = arith.constant 10 : index
      %get3A_551 = arith.constant 0 : index
      %get3A_552 = vector.load %arg8[%get3A_550, %get3A_551] : memref<16x1000xf32, #tpu.memory_space<vmem>>, vector<1x1000xf32>
      %reduce_sum3A_553 = arith.constant dense<0.000000e+00> : vector<1000xf32>
      %reduce_sum3A_554 = vector.multi_reduction <add>, %convert_element_type3A_549, %reduce_sum3A_553 [0] : vector<256x1000xf32> to vector<1000xf32>
      %broadcast_in_dim3A_555 = vector.shape_cast %reduce_sum3A_554 : vector<1000xf32> to vector<1x1000xf32>
      %add3A_556 = arith.addf %get3A_552, %broadcast_in_dim3A_555 : vector<1x1000xf32>
      %swap3A_557 = arith.constant 10 : index
      %swap3A_558 = arith.constant 0 : index
      %swap3A_559 = vector.load %arg8[%swap3A_557, %swap3A_558] : memref<16x1000xf32, #tpu.memory_space<vmem>>, vector<1x1000xf32>
      tpu.vector_store %arg8[%swap3A_557, %swap3A_558], %add3A_556 {strides = array<i32>} : memref<16x1000xf32, #tpu.memory_space<vmem>>, vector<1x1000xf32>,
      %get3A_560 = arith.constant 10 : index
      %get3A_561 = arith.constant 0 : index
      %get3A_562 = vector.load %arg9[%get3A_560, %get3A_561] : memref<16x1000xf32, #tpu.memory_space<vmem>>, vector<1x1000xf32>
      %mul3A = arith.mulf %div3A_21, %convert_element_type3A_549 : vector<256x1000xf32>
      %reduce_sum3A_563 = arith.constant dense<0.000000e+00> : vector<1000xf32>
      %reduce_sum3A_564 = vector.multi_reduction <add>, %mul3A, %reduce_sum3A_563 [0] : vector<256x1000xf32> to vector<1000xf32>
      %broadcast_in_dim3A_565 = vector.shape_cast %reduce_sum3A_564 : vector<1000xf32> to vector<1x1000xf32>
      %add3A_566 = arith.addf %get3A_562, %broadcast_in_dim3A_565 : vector<1x1000xf32>
      %swap3A_567 = arith.constant 10 : index
      %swap3A_568 = arith.constant 0 : index
      %swap3A_569 = vector.load %arg9[%swap3A_567, %swap3A_568] : memref<16x1000xf32, #tpu.memory_space<vmem>>, vector<1x1000xf32>
      tpu.vector_store %arg9[%swap3A_567, %swap3A_568], %add3A_566 {strides = array<i32>} : memref<16x1000xf32, #tpu.memory_space<vmem>>, vector<1x1000xf32>,
    } else {
    }
    %gt3A_89 = arith.constant 0.733333349 : f32
    %gt3A_90 = arith.cmpf ogt, %div3A_38, %gt3A_89 : f32
    %convert_element_type3A_91 = arith.extui %gt3A_90 : i1 to i32
    %cond3A_92 = arith.constant 0 : i32
    %cond3A_93 = arith.cmpi ne, %convert_element_type3A_91, %cond3A_92 : i32
    scf.if %cond3A_93 {
      %gt3A_545 = arith.constant 0.733333349 : f32
      %gt3A_546 = vector.broadcast %gt3A_545 : f32 to vector<256x1000xf32>
      %gt3A_547 = arith.cmpf ogt, %div3A_21, %gt3A_546 : vector<256x1000xf32>
      %convert_element_type3A_548 = arith.extui %gt3A_547 : vector<256x1000xi1> to vector<256x1000xi32>
      %convert_element_type3A_549 = arith.sitofp %convert_element_type3A_548 : vector<256x1000xi32> to vector<256x1000xf32>
      %get3A_550 = arith.constant 11 : index
      %get3A_551 = arith.constant 0 : index
      %get3A_552 = vector.load %arg8[%get3A_550, %get3A_551] : memref<16x1000xf32, #tpu.memory_space<vmem>>, vector<1x1000xf32>
      %reduce_sum3A_553 = arith.constant dense<0.000000e+00> : vector<1000xf32>
      %reduce_sum3A_554 = vector.multi_reduction <add>, %convert_element_type3A_549, %reduce_sum3A_553 [0] : vector<256x1000xf32> to vector<1000xf32>
      %broadcast_in_dim3A_555 = vector.shape_cast %reduce_sum3A_554 : vector<1000xf32> to vector<1x1000xf32>
      %add3A_556 = arith.addf %get3A_552, %broadcast_in_dim3A_555 : vector<1x1000xf32>
      %swap3A_557 = arith.constant 11 : index
      %swap3A_558 = arith.constant 0 : index
      %swap3A_559 = vector.load %arg8[%swap3A_557, %swap3A_558] : memref<16x1000xf32, #tpu.memory_space<vmem>>, vector<1x1000xf32>
      tpu.vector_store %arg8[%swap3A_557, %swap3A_558], %add3A_556 {strides = array<i32>} : memref<16x1000xf32, #tpu.memory_space<vmem>>, vector<1x1000xf32>,
      %get3A_560 = arith.constant 11 : index
      %get3A_561 = arith.constant 0 : index
      %get3A_562 = vector.load %arg9[%get3A_560, %get3A_561] : memref<16x1000xf32, #tpu.memory_space<vmem>>, vector<1x1000xf32>
      %mul3A = arith.mulf %div3A_21, %convert_element_type3A_549 : vector<256x1000xf32>
      %reduce_sum3A_563 = arith.constant dense<0.000000e+00> : vector<1000xf32>
      %reduce_sum3A_564 = vector.multi_reduction <add>, %mul3A, %reduce_sum3A_563 [0] : vector<256x1000xf32> to vector<1000xf32>
      %broadcast_in_dim3A_565 = vector.shape_cast %reduce_sum3A_564 : vector<1000xf32> to vector<1x1000xf32>
      %add3A_566 = arith.addf %get3A_562, %broadcast_in_dim3A_565 : vector<1x1000xf32>
      %swap3A_567 = arith.constant 11 : index
      %swap3A_568 = arith.constant 0 : index
      %swap3A_569 = vector.load %arg9[%swap3A_567, %swap3A_568] : memref<16x1000xf32, #tpu.memory_space<vmem>>, vector<1x1000xf32>
      tpu.vector_store %arg9[%swap3A_567, %swap3A_568], %add3A_566 {strides = array<i32>} : memref<16x1000xf32, #tpu.memory_space<vmem>>, vector<1x1000xf32>,
    } else {
    }
    %gt3A_94 = arith.constant 0.800000071 : f32
    %gt3A_95 = arith.cmpf ogt, %div3A_38, %gt3A_94 : f32
    %convert_element_type3A_96 = arith.extui %gt3A_95 : i1 to i32
    %cond3A_97 = arith.constant 0 : i32
    %cond3A_98 = arith.cmpi ne, %convert_element_type3A_96, %cond3A_97 : i32
    scf.if %cond3A_98 {
      %gt3A_545 = arith.constant 0.800000071 : f32
      %gt3A_546 = vector.broadcast %gt3A_545 : f32 to vector<256x1000xf32>
      %gt3A_547 = arith.cmpf ogt, %div3A_21, %gt3A_546 : vector<256x1000xf32>
      %convert_element_type3A_548 = arith.extui %gt3A_547 : vector<256x1000xi1> to vector<256x1000xi32>
      %convert_element_type3A_549 = arith.sitofp %convert_element_type3A_548 : vector<256x1000xi32> to vector<256x1000xf32>
      %get3A_550 = arith.constant 12 : index
      %get3A_551 = arith.constant 0 : index
      %get3A_552 = vector.load %arg8[%get3A_550, %get3A_551] : memref<16x1000xf32, #tpu.memory_space<vmem>>, vector<1x1000xf32>
      %reduce_sum3A_553 = arith.constant dense<0.000000e+00> : vector<1000xf32>
      %reduce_sum3A_554 = vector.multi_reduction <add>, %convert_element_type3A_549, %reduce_sum3A_553 [0] : vector<256x1000xf32> to vector<1000xf32>
      %broadcast_in_dim3A_555 = vector.shape_cast %reduce_sum3A_554 : vector<1000xf32> to vector<1x1000xf32>
      %add3A_556 = arith.addf %get3A_552, %broadcast_in_dim3A_555 : vector<1x1000xf32>
      %swap3A_557 = arith.constant 12 : index
      %swap3A_558 = arith.constant 0 : index
      %swap3A_559 = vector.load %arg8[%swap3A_557, %swap3A_558] : memref<16x1000xf32, #tpu.memory_space<vmem>>, vector<1x1000xf32>
      tpu.vector_store %arg8[%swap3A_557, %swap3A_558], %add3A_556 {strides = array<i32>} : memref<16x1000xf32, #tpu.memory_space<vmem>>, vector<1x1000xf32>,
      %get3A_560 = arith.constant 12 : index
      %get3A_561 = arith.constant 0 : index
      %get3A_562 = vector.load %arg9[%get3A_560, %get3A_561] : memref<16x1000xf32, #tpu.memory_space<vmem>>, vector<1x1000xf32>
      %mul3A = arith.mulf %div3A_21, %convert_element_type3A_549 : vector<256x1000xf32>
      %reduce_sum3A_563 = arith.constant dense<0.000000e+00> : vector<1000xf32>
      %reduce_sum3A_564 = vector.multi_reduction <add>, %mul3A, %reduce_sum3A_563 [0] : vector<256x1000xf32> to vector<1000xf32>
      %broadcast_in_dim3A_565 = vector.shape_cast %reduce_sum3A_564 : vector<1000xf32> to vector<1x1000xf32>
      %add3A_566 = arith.addf %get3A_562, %broadcast_in_dim3A_565 : vector<1x1000xf32>
      %swap3A_567 = arith.constant 12 : index
      %swap3A_568 = arith.constant 0 : index
      %swap3A_569 = vector.load %arg9[%swap3A_567, %swap3A_568] : memref<16x1000xf32, #tpu.memory_space<vmem>>, vector<1x1000xf32>
      tpu.vector_store %arg9[%swap3A_567, %swap3A_568], %add3A_566 {strides = array<i32>} : memref<16x1000xf32, #tpu.memory_space<vmem>>, vector<1x1000xf32>,
    } else {
    }
    %gt3A_99 = arith.constant 0.866666734 : f32
    %gt3A_100 = arith.cmpf ogt, %div3A_38, %gt3A_99 : f32
    %convert_element_type3A_101 = arith.extui %gt3A_100 : i1 to i32
    %cond3A_102 = arith.constant 0 : i32
    %cond3A_103 = arith.cmpi ne, %convert_element_type3A_101, %cond3A_102 : i32
    scf.if %cond3A_103 {
      %gt3A_545 = arith.constant 0.866666734 : f32
      %gt3A_546 = vector.broadcast %gt3A_545 : f32 to vector<256x1000xf32>
      %gt3A_547 = arith.cmpf ogt, %div3A_21, %gt3A_546 : vector<256x1000xf32>
      %convert_element_type3A_548 = arith.extui %gt3A_547 : vector<256x1000xi1> to vector<256x1000xi32>
      %convert_element_type3A_549 = arith.sitofp %convert_element_type3A_548 : vector<256x1000xi32> to vector<256x1000xf32>
      %get3A_550 = arith.constant 13 : index
      %get3A_551 = arith.constant 0 : index
      %get3A_552 = vector.load %arg8[%get3A_550, %get3A_551] : memref<16x1000xf32, #tpu.memory_space<vmem>>, vector<1x1000xf32>
      %reduce_sum3A_553 = arith.constant dense<0.000000e+00> : vector<1000xf32>
      %reduce_sum3A_554 = vector.multi_reduction <add>, %convert_element_type3A_549, %reduce_sum3A_553 [0] : vector<256x1000xf32> to vector<1000xf32>
      %broadcast_in_dim3A_555 = vector.shape_cast %reduce_sum3A_554 : vector<1000xf32> to vector<1x1000xf32>
      %add3A_556 = arith.addf %get3A_552, %broadcast_in_dim3A_555 : vector<1x1000xf32>
      %swap3A_557 = arith.constant 13 : index
      %swap3A_558 = arith.constant 0 : index
      %swap3A_559 = vector.load %arg8[%swap3A_557, %swap3A_558] : memref<16x1000xf32, #tpu.memory_space<vmem>>, vector<1x1000xf32>
      tpu.vector_store %arg8[%swap3A_557, %swap3A_558], %add3A_556 {strides = array<i32>} : memref<16x1000xf32, #tpu.memory_space<vmem>>, vector<1x1000xf32>,
      %get3A_560 = arith.constant 13 : index
      %get3A_561 = arith.constant 0 : index
      %get3A_562 = vector.load %arg9[%get3A_560, %get3A_561] : memref<16x1000xf32, #tpu.memory_space<vmem>>, vector<1x1000xf32>
      %mul3A = arith.mulf %div3A_21, %convert_element_type3A_549 : vector<256x1000xf32>
      %reduce_sum3A_563 = arith.constant dense<0.000000e+00> : vector<1000xf32>
      %reduce_sum3A_564 = vector.multi_reduction <add>, %mul3A, %reduce_sum3A_563 [0] : vector<256x1000xf32> to vector<1000xf32>
      %broadcast_in_dim3A_565 = vector.shape_cast %reduce_sum3A_564 : vector<1000xf32> to vector<1x1000xf32>
      %add3A_566 = arith.addf %get3A_562, %broadcast_in_dim3A_565 : vector<1x1000xf32>
      %swap3A_567 = arith.constant 13 : index
      %swap3A_568 = arith.constant 0 : index
      %swap3A_569 = vector.load %arg9[%swap3A_567, %swap3A_568] : memref<16x1000xf32, #tpu.memory_space<vmem>>, vector<1x1000xf32>
      tpu.vector_store %arg9[%swap3A_567, %swap3A_568], %add3A_566 {strides = array<i32>} : memref<16x1000xf32, #tpu.memory_space<vmem>>, vector<1x1000xf32>,
    } else {
    }
    %gt3A_104 = arith.constant 0.933333396 : f32
    %gt3A_105 = arith.cmpf ogt, %div3A_38, %gt3A_104 : f32
    %convert_element_type3A_106 = arith.extui %gt3A_105 : i1 to i32
    %cond3A_107 = arith.constant 0 : i32
    %cond3A_108 = arith.cmpi ne, %convert_element_type3A_106, %cond3A_107 : i32
    scf.if %cond3A_108 {
      %gt3A_545 = arith.constant 0.933333396 : f32
      %gt3A_546 = vector.broadcast %gt3A_545 : f32 to vector<256x1000xf32>
      %gt3A_547 = arith.cmpf ogt, %div3A_21, %gt3A_546 : vector<256x1000xf32>
      %convert_element_type3A_548 = arith.extui %gt3A_547 : vector<256x1000xi1> to vector<256x1000xi32>
      %convert_element_type3A_549 = arith.sitofp %convert_element_type3A_548 : vector<256x1000xi32> to vector<256x1000xf32>
      %get3A_550 = arith.constant 14 : index
      %get3A_551 = arith.constant 0 : index
      %get3A_552 = vector.load %arg8[%get3A_550, %get3A_551] : memref<16x1000xf32, #tpu.memory_space<vmem>>, vector<1x1000xf32>
      %reduce_sum3A_553 = arith.constant dense<0.000000e+00> : vector<1000xf32>
      %reduce_sum3A_554 = vector.multi_reduction <add>, %convert_element_type3A_549, %reduce_sum3A_553 [0] : vector<256x1000xf32> to vector<1000xf32>
      %broadcast_in_dim3A_555 = vector.shape_cast %reduce_sum3A_554 : vector<1000xf32> to vector<1x1000xf32>
      %add3A_556 = arith.addf %get3A_552, %broadcast_in_dim3A_555 : vector<1x1000xf32>
      %swap3A_557 = arith.constant 14 : index
      %swap3A_558 = arith.constant 0 : index
      %swap3A_559 = vector.load %arg8[%swap3A_557, %swap3A_558] : memref<16x1000xf32, #tpu.memory_space<vmem>>, vector<1x1000xf32>
      tpu.vector_store %arg8[%swap3A_557, %swap3A_558], %add3A_556 {strides = array<i32>} : memref<16x1000xf32, #tpu.memory_space<vmem>>, vector<1x1000xf32>,
      %get3A_560 = arith.constant 14 : index
      %get3A_561 = arith.constant 0 : index
      %get3A_562 = vector.load %arg9[%get3A_560, %get3A_561] : memref<16x1000xf32, #tpu.memory_space<vmem>>, vector<1x1000xf32>
      %mul3A = arith.mulf %div3A_21, %convert_element_type3A_549 : vector<256x1000xf32>
      %reduce_sum3A_563 = arith.constant dense<0.000000e+00> : vector<1000xf32>
      %reduce_sum3A_564 = vector.multi_reduction <add>, %mul3A, %reduce_sum3A_563 [0] : vector<256x1000xf32> to vector<1000xf32>
      %broadcast_in_dim3A_565 = vector.shape_cast %reduce_sum3A_564 : vector<1000xf32> to vector<1x1000xf32>
      %add3A_566 = arith.addf %get3A_562, %broadcast_in_dim3A_565 : vector<1x1000xf32>
      %swap3A_567 = arith.constant 14 : index
      %swap3A_568 = arith.constant 0 : index
      %swap3A_569 = vector.load %arg9[%swap3A_567, %swap3A_568] : memref<16x1000xf32, #tpu.memory_space<vmem>>, vector<1x1000xf32>
      tpu.vector_store %arg9[%swap3A_567, %swap3A_568], %add3A_566 {strides = array<i32>} : memref<16x1000xf32, #tpu.memory_space<vmem>>, vector<1x1000xf32>,
    } else {
    }
    %slice3A = vector.extract_strided_slice %reshape3A {offsets = [0, 0], sizes = [256, 1], strides = [1, 1]} : vector<1024x1xi32> to vector<256x1xi32>
    %eq3A_109 = vector.broadcast %slice3A : vector<256x1xi32> to vector<256x1000xi32>
    %eq3A_110 = vector.broadcast %iota3A : vector<1x1000xi32> to vector<256x1000xi32>
    %eq3A_111 = arith.cmpi eq, %eq3A_109, %eq3A_110 : vector<256x1000xi32>
    %convert_element_type3A_112 = arith.extui %eq3A_111 : vector<256x1000xi1> to vector<256x1000xi32>
    %convert_element_type3A_113 = arith.sitofp %convert_element_type3A_112 : vector<256x1000xi32> to vector<256x1000xf32>
    %slice3A_114 = vector.extract_strided_slice %reshape3A_9 {offsets = [0, 0], sizes = [256, 1], strides = [1, 1]} : vector<1024x1xf32> to vector<256x1xf32>
    %sub3A_115 = arith.subf %slice3A_114, %broadcast_in_dim3A_17 : vector<256x1xf32>
    %exp3A_116 = math.exp %sub3A_115 : vector<256x1xf32>
    %div3A_117 = arith.divf %exp3A_116, %broadcast_in_dim3A_20 : vector<256x1xf32>
    %get3A_118 = arith.constant 0 : index
    %get3A_119 = arith.constant 0 : index
    %get3A_120 = vector.load %arg3[%get3A_118, %get3A_119] : memref<1x16xf32, #tpu.memory_space<vmem>>, vector<1x16xf32>
    %gt3A_121 = vector.broadcast %div3A_117 : vector<256x1xf32> to vector<256x16xf32>
    %gt3A_122 = vector.broadcast %get3A_120 : vector<1x16xf32> to vector<256x16xf32>
    %gt3A_123 = arith.cmpf ogt, %gt3A_121, %gt3A_122 : vector<256x16xf32>
    %get3A_124 = arith.constant 0 : index
    %get3A_125 = arith.constant 0 : index
    %get3A_126 = vector.load %arg4[%get3A_124, %get3A_125] : memref<1x16xf32, #tpu.memory_space<vmem>>, vector<1x16xf32>
    %le3A = vector.broadcast %div3A_117 : vector<256x1xf32> to vector<256x16xf32>
    %le3A_127 = vector.broadcast %get3A_126 : vector<1x16xf32> to vector<256x16xf32>
    %le3A_128 = arith.cmpf ole, %le3A, %le3A_127 : vector<256x16xf32>
    %and3A = arith.andi %gt3A_123, %le3A_128 : vector<256x16xi1>
    %convert_element_type3A_129 = arith.extui %and3A : vector<256x16xi1> to vector<256x16xi32>
    %convert_element_type3A_130 = arith.sitofp %convert_element_type3A_129 : vector<256x16xi32> to vector<256x16xf32>
    %get3A_131 = arith.constant 256 : index
    %get3A_132 = arith.constant 0 : index
    %get3A_133 = vector.load %arg5[%get3A_131, %get3A_132] : memref<1024x1000xf32, #tpu.memory_space<vmem>>, vector<256x1000xf32>
    %reduce_max3A_134 = arith.constant dense<0xFF800000> : vector<256xf32>
    %reduce_max3A_135 = vector.multi_reduction <maximumf>, %get3A_133, %reduce_max3A_134 [1] : vector<256x1000xf32> to vector<256xf32>
    %broadcast_in_dim3A_136 = vector.shape_cast %reduce_max3A_135 : vector<256xf32> to vector<256x1xf32>
    %sub3A_137 = vector.broadcast %broadcast_in_dim3A_136 : vector<256x1xf32> to vector<256x1000xf32>
    %sub3A_138 = arith.subf %get3A_133, %sub3A_137 : vector<256x1000xf32>
    %exp3A_139 = math.exp %sub3A_138 : vector<256x1000xf32>
    %reduce_sum3A_140 = arith.constant dense<0.000000e+00> : vector<256xf32>
    %reduce_sum3A_141 = vector.multi_reduction <add>, %exp3A_139, %reduce_sum3A_140 [1] : vector<256x1000xf32> to vector<256xf32>
    %broadcast_in_dim3A_142 = vector.shape_cast %reduce_sum3A_141 : vector<256xf32> to vector<256x1xf32>
    %div3A_143 = vector.broadcast %broadcast_in_dim3A_142 : vector<256x1xf32> to vector<256x1000xf32>
    %div3A_144 = arith.divf %exp3A_139, %div3A_143 : vector<256x1000xf32>
    %gt3A_145 = arith.constant 0.000000e+00 : f32
    %gt3A_146 = vector.broadcast %gt3A_145 : f32 to vector<256x1000xf32>
    %gt3A_147 = arith.cmpf ogt, %div3A_144, %gt3A_146 : vector<256x1000xf32>
    %convert_element_type3A_148 = arith.extui %gt3A_147 : vector<256x1000xi1> to vector<256x1000xi32>
    %convert_element_type3A_149 = arith.sitofp %convert_element_type3A_148 : vector<256x1000xi32> to vector<256x1000xf32>
    %reduce_sum3A_150 = arith.constant dense<0.000000e+00> : vector<1000xf32>
    %reduce_sum3A_151 = vector.multi_reduction <add>, %convert_element_type3A_149, %reduce_sum3A_150 [0] : vector<256x1000xf32> to vector<1000xf32>
    %broadcast_in_dim3A_152 = vector.shape_cast %reduce_sum3A_151 : vector<1000xf32> to vector<1x1000xf32>
    %add3A_153 = arith.addf %add3A, %broadcast_in_dim3A_152 : vector<1x1000xf32>
    %reduce_sum3A_154 = arith.constant dense<0.000000e+00> : vector<1000xf32>
    %reduce_sum3A_155 = vector.multi_reduction <add>, %div3A_144, %reduce_sum3A_154 [0] : vector<256x1000xf32> to vector<1000xf32>
    %broadcast_in_dim3A_156 = vector.shape_cast %reduce_sum3A_155 : vector<1000xf32> to vector<1x1000xf32>
    %add3A_157 = arith.addf %add3A_32, %broadcast_in_dim3A_156 : vector<1x1000xf32>
    %reduce_min3A_158 = vector.shape_cast %broadcast_in_dim3A_142 : vector<256x1xf32> to vector<1x256x1xf32>
    %reduce_min3A_159 = arith.constant dense<0x7F800000> : vector<1xf32>
    %reduce_min3A_160 = vector.multi_reduction <minimumf>, %reduce_min3A_158, %reduce_min3A_159 [1, 2] : vector<1x256x1xf32> to vector<1xf32>
    %reduce_min3A_161 = vector.shape_cast %reduce_min3A_160 : vector<1xf32> to vector<1x1x1xf32>
    %reduce_min3A_162 = vector.extract %reduce_min3A_161[0, 0, 0] : f32 from vector<1x1x1xf32>
    %div3A_163 = arith.constant 1.000000e+00 : f32
    %div3A_164 = arith.divf %div3A_163, %reduce_min3A_162 : f32
    %gt3A_165 = arith.constant 0.0666666701 : f32
    %gt3A_166 = arith.cmpf ogt, %div3A_164, %gt3A_165 : f32
    %convert_element_type3A_167 = arith.extui %gt3A_166 : i1 to i32
    %cond3A_168 = arith.constant 0 : i32
    %cond3A_169 = arith.cmpi ne, %convert_element_type3A_167, %cond3A_168 : i32
    scf.if %cond3A_169 {
      %gt3A_545 = arith.constant 0.0666666701 : f32
      %gt3A_546 = vector.broadcast %gt3A_545 : f32 to vector<256x1000xf32>
      %gt3A_547 = arith.cmpf ogt, %div3A_144, %gt3A_546 : vector<256x1000xf32>
      %convert_element_type3A_548 = arith.extui %gt3A_547 : vector<256x1000xi1> to vector<256x1000xi32>
      %convert_element_type3A_549 = arith.sitofp %convert_element_type3A_548 : vector<256x1000xi32> to vector<256x1000xf32>
      %get3A_550 = arith.constant 1 : index
      %get3A_551 = arith.constant 0 : index
      %get3A_552 = vector.load %arg8[%get3A_550, %get3A_551] : memref<16x1000xf32, #tpu.memory_space<vmem>>, vector<1x1000xf32>
      %reduce_sum3A_553 = arith.constant dense<0.000000e+00> : vector<1000xf32>
      %reduce_sum3A_554 = vector.multi_reduction <add>, %convert_element_type3A_549, %reduce_sum3A_553 [0] : vector<256x1000xf32> to vector<1000xf32>
      %broadcast_in_dim3A_555 = vector.shape_cast %reduce_sum3A_554 : vector<1000xf32> to vector<1x1000xf32>
      %add3A_556 = arith.addf %get3A_552, %broadcast_in_dim3A_555 : vector<1x1000xf32>
      %swap3A_557 = arith.constant 1 : index
      %swap3A_558 = arith.constant 0 : index
      %swap3A_559 = vector.load %arg8[%swap3A_557, %swap3A_558] : memref<16x1000xf32, #tpu.memory_space<vmem>>, vector<1x1000xf32>
      tpu.vector_store %arg8[%swap3A_557, %swap3A_558], %add3A_556 {strides = array<i32>} : memref<16x1000xf32, #tpu.memory_space<vmem>>, vector<1x1000xf32>,
      %get3A_560 = arith.constant 1 : index
      %get3A_561 = arith.constant 0 : index
      %get3A_562 = vector.load %arg9[%get3A_560, %get3A_561] : memref<16x1000xf32, #tpu.memory_space<vmem>>, vector<1x1000xf32>
      %mul3A = arith.mulf %div3A_144, %convert_element_type3A_549 : vector<256x1000xf32>
      %reduce_sum3A_563 = arith.constant dense<0.000000e+00> : vector<1000xf32>
      %reduce_sum3A_564 = vector.multi_reduction <add>, %mul3A, %reduce_sum3A_563 [0] : vector<256x1000xf32> to vector<1000xf32>
      %broadcast_in_dim3A_565 = vector.shape_cast %reduce_sum3A_564 : vector<1000xf32> to vector<1x1000xf32>
      %add3A_566 = arith.addf %get3A_562, %broadcast_in_dim3A_565 : vector<1x1000xf32>
      %swap3A_567 = arith.constant 1 : index
      %swap3A_568 = arith.constant 0 : index
      %swap3A_569 = vector.load %arg9[%swap3A_567, %swap3A_568] : memref<16x1000xf32, #tpu.memory_space<vmem>>, vector<1x1000xf32>
      tpu.vector_store %arg9[%swap3A_567, %swap3A_568], %add3A_566 {strides = array<i32>} : memref<16x1000xf32, #tpu.memory_space<vmem>>, vector<1x1000xf32>,
    } else {
    }
    %gt3A_170 = arith.constant 0.13333334 : f32
    %gt3A_171 = arith.cmpf ogt, %div3A_164, %gt3A_170 : f32
    %convert_element_type3A_172 = arith.extui %gt3A_171 : i1 to i32
    %cond3A_173 = arith.constant 0 : i32
    %cond3A_174 = arith.cmpi ne, %convert_element_type3A_172, %cond3A_173 : i32
    scf.if %cond3A_174 {
      %gt3A_545 = arith.constant 0.13333334 : f32
      %gt3A_546 = vector.broadcast %gt3A_545 : f32 to vector<256x1000xf32>
      %gt3A_547 = arith.cmpf ogt, %div3A_144, %gt3A_546 : vector<256x1000xf32>
      %convert_element_type3A_548 = arith.extui %gt3A_547 : vector<256x1000xi1> to vector<256x1000xi32>
      %convert_element_type3A_549 = arith.sitofp %convert_element_type3A_548 : vector<256x1000xi32> to vector<256x1000xf32>
      %get3A_550 = arith.constant 2 : index
      %get3A_551 = arith.constant 0 : index
      %get3A_552 = vector.load %arg8[%get3A_550, %get3A_551] : memref<16x1000xf32, #tpu.memory_space<vmem>>, vector<1x1000xf32>
      %reduce_sum3A_553 = arith.constant dense<0.000000e+00> : vector<1000xf32>
      %reduce_sum3A_554 = vector.multi_reduction <add>, %convert_element_type3A_549, %reduce_sum3A_553 [0] : vector<256x1000xf32> to vector<1000xf32>
      %broadcast_in_dim3A_555 = vector.shape_cast %reduce_sum3A_554 : vector<1000xf32> to vector<1x1000xf32>
      %add3A_556 = arith.addf %get3A_552, %broadcast_in_dim3A_555 : vector<1x1000xf32>
      %swap3A_557 = arith.constant 2 : index
      %swap3A_558 = arith.constant 0 : index
      %swap3A_559 = vector.load %arg8[%swap3A_557, %swap3A_558] : memref<16x1000xf32, #tpu.memory_space<vmem>>, vector<1x1000xf32>
      tpu.vector_store %arg8[%swap3A_557, %swap3A_558], %add3A_556 {strides = array<i32>} : memref<16x1000xf32, #tpu.memory_space<vmem>>, vector<1x1000xf32>,
      %get3A_560 = arith.constant 2 : index
      %get3A_561 = arith.constant 0 : index
      %get3A_562 = vector.load %arg9[%get3A_560, %get3A_561] : memref<16x1000xf32, #tpu.memory_space<vmem>>, vector<1x1000xf32>
      %mul3A = arith.mulf %div3A_144, %convert_element_type3A_549 : vector<256x1000xf32>
      %reduce_sum3A_563 = arith.constant dense<0.000000e+00> : vector<1000xf32>
      %reduce_sum3A_564 = vector.multi_reduction <add>, %mul3A, %reduce_sum3A_563 [0] : vector<256x1000xf32> to vector<1000xf32>
      %broadcast_in_dim3A_565 = vector.shape_cast %reduce_sum3A_564 : vector<1000xf32> to vector<1x1000xf32>
      %add3A_566 = arith.addf %get3A_562, %broadcast_in_dim3A_565 : vector<1x1000xf32>
      %swap3A_567 = arith.constant 2 : index
      %swap3A_568 = arith.constant 0 : index
      %swap3A_569 = vector.load %arg9[%swap3A_567, %swap3A_568] : memref<16x1000xf32, #tpu.memory_space<vmem>>, vector<1x1000xf32>
      tpu.vector_store %arg9[%swap3A_567, %swap3A_568], %add3A_566 {strides = array<i32>} : memref<16x1000xf32, #tpu.memory_space<vmem>>, vector<1x1000xf32>,
    } else {
    }
    %gt3A_175 = arith.constant 0.200000018 : f32
    %gt3A_176 = arith.cmpf ogt, %div3A_164, %gt3A_175 : f32
    %convert_element_type3A_177 = arith.extui %gt3A_176 : i1 to i32
    %cond3A_178 = arith.constant 0 : i32
    %cond3A_179 = arith.cmpi ne, %convert_element_type3A_177, %cond3A_178 : i32
    scf.if %cond3A_179 {
      %gt3A_545 = arith.constant 0.200000018 : f32
      %gt3A_546 = vector.broadcast %gt3A_545 : f32 to vector<256x1000xf32>
      %gt3A_547 = arith.cmpf ogt, %div3A_144, %gt3A_546 : vector<256x1000xf32>
      %convert_element_type3A_548 = arith.extui %gt3A_547 : vector<256x1000xi1> to vector<256x1000xi32>
      %convert_element_type3A_549 = arith.sitofp %convert_element_type3A_548 : vector<256x1000xi32> to vector<256x1000xf32>
      %get3A_550 = arith.constant 3 : index
      %get3A_551 = arith.constant 0 : index
      %get3A_552 = vector.load %arg8[%get3A_550, %get3A_551] : memref<16x1000xf32, #tpu.memory_space<vmem>>, vector<1x1000xf32>
      %reduce_sum3A_553 = arith.constant dense<0.000000e+00> : vector<1000xf32>
      %reduce_sum3A_554 = vector.multi_reduction <add>, %convert_element_type3A_549, %reduce_sum3A_553 [0] : vector<256x1000xf32> to vector<1000xf32>
      %broadcast_in_dim3A_555 = vector.shape_cast %reduce_sum3A_554 : vector<1000xf32> to vector<1x1000xf32>
      %add3A_556 = arith.addf %get3A_552, %broadcast_in_dim3A_555 : vector<1x1000xf32>
      %swap3A_557 = arith.constant 3 : index
      %swap3A_558 = arith.constant 0 : index
      %swap3A_559 = vector.load %arg8[%swap3A_557, %swap3A_558] : memref<16x1000xf32, #tpu.memory_space<vmem>>, vector<1x1000xf32>
      tpu.vector_store %arg8[%swap3A_557, %swap3A_558], %add3A_556 {strides = array<i32>} : memref<16x1000xf32, #tpu.memory_space<vmem>>, vector<1x1000xf32>,
      %get3A_560 = arith.constant 3 : index
      %get3A_561 = arith.constant 0 : index
      %get3A_562 = vector.load %arg9[%get3A_560, %get3A_561] : memref<16x1000xf32, #tpu.memory_space<vmem>>, vector<1x1000xf32>
      %mul3A = arith.mulf %div3A_144, %convert_element_type3A_549 : vector<256x1000xf32>
      %reduce_sum3A_563 = arith.constant dense<0.000000e+00> : vector<1000xf32>
      %reduce_sum3A_564 = vector.multi_reduction <add>, %mul3A, %reduce_sum3A_563 [0] : vector<256x1000xf32> to vector<1000xf32>
      %broadcast_in_dim3A_565 = vector.shape_cast %reduce_sum3A_564 : vector<1000xf32> to vector<1x1000xf32>
      %add3A_566 = arith.addf %get3A_562, %broadcast_in_dim3A_565 : vector<1x1000xf32>
      %swap3A_567 = arith.constant 3 : index
      %swap3A_568 = arith.constant 0 : index
      %swap3A_569 = vector.load %arg9[%swap3A_567, %swap3A_568] : memref<16x1000xf32, #tpu.memory_space<vmem>>, vector<1x1000xf32>
      tpu.vector_store %arg9[%swap3A_567, %swap3A_568], %add3A_566 {strides = array<i32>} : memref<16x1000xf32, #tpu.memory_space<vmem>>, vector<1x1000xf32>,
    } else {
    }
    %gt3A_180 = arith.constant 0.266666681 : f32
    %gt3A_181 = arith.cmpf ogt, %div3A_164, %gt3A_180 : f32
    %convert_element_type3A_182 = arith.extui %gt3A_181 : i1 to i32
    %cond3A_183 = arith.constant 0 : i32
    %cond3A_184 = arith.cmpi ne, %convert_element_type3A_182, %cond3A_183 : i32
    scf.if %cond3A_184 {
      %gt3A_545 = arith.constant 0.266666681 : f32
      %gt3A_546 = vector.broadcast %gt3A_545 : f32 to vector<256x1000xf32>
      %gt3A_547 = arith.cmpf ogt, %div3A_144, %gt3A_546 : vector<256x1000xf32>
      %convert_element_type3A_548 = arith.extui %gt3A_547 : vector<256x1000xi1> to vector<256x1000xi32>
      %convert_element_type3A_549 = arith.sitofp %convert_element_type3A_548 : vector<256x1000xi32> to vector<256x1000xf32>
      %get3A_550 = arith.constant 4 : index
      %get3A_551 = arith.constant 0 : index
      %get3A_552 = vector.load %arg8[%get3A_550, %get3A_551] : memref<16x1000xf32, #tpu.memory_space<vmem>>, vector<1x1000xf32>
      %reduce_sum3A_553 = arith.constant dense<0.000000e+00> : vector<1000xf32>
      %reduce_sum3A_554 = vector.multi_reduction <add>, %convert_element_type3A_549, %reduce_sum3A_553 [0] : vector<256x1000xf32> to vector<1000xf32>
      %broadcast_in_dim3A_555 = vector.shape_cast %reduce_sum3A_554 : vector<1000xf32> to vector<1x1000xf32>
      %add3A_556 = arith.addf %get3A_552, %broadcast_in_dim3A_555 : vector<1x1000xf32>
      %swap3A_557 = arith.constant 4 : index
      %swap3A_558 = arith.constant 0 : index
      %swap3A_559 = vector.load %arg8[%swap3A_557, %swap3A_558] : memref<16x1000xf32, #tpu.memory_space<vmem>>, vector<1x1000xf32>
      tpu.vector_store %arg8[%swap3A_557, %swap3A_558], %add3A_556 {strides = array<i32>} : memref<16x1000xf32, #tpu.memory_space<vmem>>, vector<1x1000xf32>,
      %get3A_560 = arith.constant 4 : index
      %get3A_561 = arith.constant 0 : index
      %get3A_562 = vector.load %arg9[%get3A_560, %get3A_561] : memref<16x1000xf32, #tpu.memory_space<vmem>>, vector<1x1000xf32>
      %mul3A = arith.mulf %div3A_144, %convert_element_type3A_549 : vector<256x1000xf32>
      %reduce_sum3A_563 = arith.constant dense<0.000000e+00> : vector<1000xf32>
      %reduce_sum3A_564 = vector.multi_reduction <add>, %mul3A, %reduce_sum3A_563 [0] : vector<256x1000xf32> to vector<1000xf32>
      %broadcast_in_dim3A_565 = vector.shape_cast %reduce_sum3A_564 : vector<1000xf32> to vector<1x1000xf32>
      %add3A_566 = arith.addf %get3A_562, %broadcast_in_dim3A_565 : vector<1x1000xf32>
      %swap3A_567 = arith.constant 4 : index
      %swap3A_568 = arith.constant 0 : index
      %swap3A_569 = vector.load %arg9[%swap3A_567, %swap3A_568] : memref<16x1000xf32, #tpu.memory_space<vmem>>, vector<1x1000xf32>
      tpu.vector_store %arg9[%swap3A_567, %swap3A_568], %add3A_566 {strides = array<i32>} : memref<16x1000xf32, #tpu.memory_space<vmem>>, vector<1x1000xf32>,
    } else {
    }
    %gt3A_185 = arith.constant 0.333333343 : f32
    %gt3A_186 = arith.cmpf ogt, %div3A_164, %gt3A_185 : f32
    %convert_element_type3A_187 = arith.extui %gt3A_186 : i1 to i32
    %cond3A_188 = arith.constant 0 : i32
    %cond3A_189 = arith.cmpi ne, %convert_element_type3A_187, %cond3A_188 : i32
    scf.if %cond3A_189 {
      %gt3A_545 = arith.constant 0.333333343 : f32
      %gt3A_546 = vector.broadcast %gt3A_545 : f32 to vector<256x1000xf32>
      %gt3A_547 = arith.cmpf ogt, %div3A_144, %gt3A_546 : vector<256x1000xf32>
      %convert_element_type3A_548 = arith.extui %gt3A_547 : vector<256x1000xi1> to vector<256x1000xi32>
      %convert_element_type3A_549 = arith.sitofp %convert_element_type3A_548 : vector<256x1000xi32> to vector<256x1000xf32>
      %get3A_550 = arith.constant 5 : index
      %get3A_551 = arith.constant 0 : index
      %get3A_552 = vector.load %arg8[%get3A_550, %get3A_551] : memref<16x1000xf32, #tpu.memory_space<vmem>>, vector<1x1000xf32>
      %reduce_sum3A_553 = arith.constant dense<0.000000e+00> : vector<1000xf32>
      %reduce_sum3A_554 = vector.multi_reduction <add>, %convert_element_type3A_549, %reduce_sum3A_553 [0] : vector<256x1000xf32> to vector<1000xf32>
      %broadcast_in_dim3A_555 = vector.shape_cast %reduce_sum3A_554 : vector<1000xf32> to vector<1x1000xf32>
      %add3A_556 = arith.addf %get3A_552, %broadcast_in_dim3A_555 : vector<1x1000xf32>
      %swap3A_557 = arith.constant 5 : index
      %swap3A_558 = arith.constant 0 : index
      %swap3A_559 = vector.load %arg8[%swap3A_557, %swap3A_558] : memref<16x1000xf32, #tpu.memory_space<vmem>>, vector<1x1000xf32>
      tpu.vector_store %arg8[%swap3A_557, %swap3A_558], %add3A_556 {strides = array<i32>} : memref<16x1000xf32, #tpu.memory_space<vmem>>, vector<1x1000xf32>,
      %get3A_560 = arith.constant 5 : index
      %get3A_561 = arith.constant 0 : index
      %get3A_562 = vector.load %arg9[%get3A_560, %get3A_561] : memref<16x1000xf32, #tpu.memory_space<vmem>>, vector<1x1000xf32>
      %mul3A = arith.mulf %div3A_144, %convert_element_type3A_549 : vector<256x1000xf32>
      %reduce_sum3A_563 = arith.constant dense<0.000000e+00> : vector<1000xf32>
      %reduce_sum3A_564 = vector.multi_reduction <add>, %mul3A, %reduce_sum3A_563 [0] : vector<256x1000xf32> to vector<1000xf32>
      %broadcast_in_dim3A_565 = vector.shape_cast %reduce_sum3A_564 : vector<1000xf32> to vector<1x1000xf32>
      %add3A_566 = arith.addf %get3A_562, %broadcast_in_dim3A_565 : vector<1x1000xf32>
      %swap3A_567 = arith.constant 5 : index
      %swap3A_568 = arith.constant 0 : index
      %swap3A_569 = vector.load %arg9[%swap3A_567, %swap3A_568] : memref<16x1000xf32, #tpu.memory_space<vmem>>, vector<1x1000xf32>
      tpu.vector_store %arg9[%swap3A_567, %swap3A_568], %add3A_566 {strides = array<i32>} : memref<16x1000xf32, #tpu.memory_space<vmem>>, vector<1x1000xf32>,
    } else {
    }
    %gt3A_190 = arith.constant 0.400000036 : f32
    %gt3A_191 = arith.cmpf ogt, %div3A_164, %gt3A_190 : f32
    %convert_element_type3A_192 = arith.extui %gt3A_191 : i1 to i32
    %cond3A_193 = arith.constant 0 : i32
    %cond3A_194 = arith.cmpi ne, %convert_element_type3A_192, %cond3A_193 : i32
    scf.if %cond3A_194 {
      %gt3A_545 = arith.constant 0.400000036 : f32
      %gt3A_546 = vector.broadcast %gt3A_545 : f32 to vector<256x1000xf32>
      %gt3A_547 = arith.cmpf ogt, %div3A_144, %gt3A_546 : vector<256x1000xf32>
      %convert_element_type3A_548 = arith.extui %gt3A_547 : vector<256x1000xi1> to vector<256x1000xi32>
      %convert_element_type3A_549 = arith.sitofp %convert_element_type3A_548 : vector<256x1000xi32> to vector<256x1000xf32>
      %get3A_550 = arith.constant 6 : index
      %get3A_551 = arith.constant 0 : index
      %get3A_552 = vector.load %arg8[%get3A_550, %get3A_551] : memref<16x1000xf32, #tpu.memory_space<vmem>>, vector<1x1000xf32>
      %reduce_sum3A_553 = arith.constant dense<0.000000e+00> : vector<1000xf32>
      %reduce_sum3A_554 = vector.multi_reduction <add>, %convert_element_type3A_549, %reduce_sum3A_553 [0] : vector<256x1000xf32> to vector<1000xf32>
      %broadcast_in_dim3A_555 = vector.shape_cast %reduce_sum3A_554 : vector<1000xf32> to vector<1x1000xf32>
      %add3A_556 = arith.addf %get3A_552, %broadcast_in_dim3A_555 : vector<1x1000xf32>
      %swap3A_557 = arith.constant 6 : index
      %swap3A_558 = arith.constant 0 : index
      %swap3A_559 = vector.load %arg8[%swap3A_557, %swap3A_558] : memref<16x1000xf32, #tpu.memory_space<vmem>>, vector<1x1000xf32>
      tpu.vector_store %arg8[%swap3A_557, %swap3A_558], %add3A_556 {strides = array<i32>} : memref<16x1000xf32, #tpu.memory_space<vmem>>, vector<1x1000xf32>,
      %get3A_560 = arith.constant 6 : index
      %get3A_561 = arith.constant 0 : index
      %get3A_562 = vector.load %arg9[%get3A_560, %get3A_561] : memref<16x1000xf32, #tpu.memory_space<vmem>>, vector<1x1000xf32>
      %mul3A = arith.mulf %div3A_144, %convert_element_type3A_549 : vector<256x1000xf32>
      %reduce_sum3A_563 = arith.constant dense<0.000000e+00> : vector<1000xf32>
      %reduce_sum3A_564 = vector.multi_reduction <add>, %mul3A, %reduce_sum3A_563 [0] : vector<256x1000xf32> to vector<1000xf32>
      %broadcast_in_dim3A_565 = vector.shape_cast %reduce_sum3A_564 : vector<1000xf32> to vector<1x1000xf32>
      %add3A_566 = arith.addf %get3A_562, %broadcast_in_dim3A_565 : vector<1x1000xf32>
      %swap3A_567 = arith.constant 6 : index
      %swap3A_568 = arith.constant 0 : index
      %swap3A_569 = vector.load %arg9[%swap3A_567, %swap3A_568] : memref<16x1000xf32, #tpu.memory_space<vmem>>, vector<1x1000xf32>
      tpu.vector_store %arg9[%swap3A_567, %swap3A_568], %add3A_566 {strides = array<i32>} : memref<16x1000xf32, #tpu.memory_space<vmem>>, vector<1x1000xf32>,
    } else {
    }
    %gt3A_195 = arith.constant 0.466666698 : f32
    %gt3A_196 = arith.cmpf ogt, %div3A_164, %gt3A_195 : f32
    %convert_element_type3A_197 = arith.extui %gt3A_196 : i1 to i32
    %cond3A_198 = arith.constant 0 : i32
    %cond3A_199 = arith.cmpi ne, %convert_element_type3A_197, %cond3A_198 : i32
    scf.if %cond3A_199 {
      %gt3A_545 = arith.constant 0.466666698 : f32
      %gt3A_546 = vector.broadcast %gt3A_545 : f32 to vector<256x1000xf32>
      %gt3A_547 = arith.cmpf ogt, %div3A_144, %gt3A_546 : vector<256x1000xf32>
      %convert_element_type3A_548 = arith.extui %gt3A_547 : vector<256x1000xi1> to vector<256x1000xi32>
      %convert_element_type3A_549 = arith.sitofp %convert_element_type3A_548 : vector<256x1000xi32> to vector<256x1000xf32>
      %get3A_550 = arith.constant 7 : index
      %get3A_551 = arith.constant 0 : index
      %get3A_552 = vector.load %arg8[%get3A_550, %get3A_551] : memref<16x1000xf32, #tpu.memory_space<vmem>>, vector<1x1000xf32>
      %reduce_sum3A_553 = arith.constant dense<0.000000e+00> : vector<1000xf32>
      %reduce_sum3A_554 = vector.multi_reduction <add>, %convert_element_type3A_549, %reduce_sum3A_553 [0] : vector<256x1000xf32> to vector<1000xf32>
      %broadcast_in_dim3A_555 = vector.shape_cast %reduce_sum3A_554 : vector<1000xf32> to vector<1x1000xf32>
      %add3A_556 = arith.addf %get3A_552, %broadcast_in_dim3A_555 : vector<1x1000xf32>
      %swap3A_557 = arith.constant 7 : index
      %swap3A_558 = arith.constant 0 : index
      %swap3A_559 = vector.load %arg8[%swap3A_557, %swap3A_558] : memref<16x1000xf32, #tpu.memory_space<vmem>>, vector<1x1000xf32>
      tpu.vector_store %arg8[%swap3A_557, %swap3A_558], %add3A_556 {strides = array<i32>} : memref<16x1000xf32, #tpu.memory_space<vmem>>, vector<1x1000xf32>,
      %get3A_560 = arith.constant 7 : index
      %get3A_561 = arith.constant 0 : index
      %get3A_562 = vector.load %arg9[%get3A_560, %get3A_561] : memref<16x1000xf32, #tpu.memory_space<vmem>>, vector<1x1000xf32>
      %mul3A = arith.mulf %div3A_144, %convert_element_type3A_549 : vector<256x1000xf32>
      %reduce_sum3A_563 = arith.constant dense<0.000000e+00> : vector<1000xf32>
      %reduce_sum3A_564 = vector.multi_reduction <add>, %mul3A, %reduce_sum3A_563 [0] : vector<256x1000xf32> to vector<1000xf32>
      %broadcast_in_dim3A_565 = vector.shape_cast %reduce_sum3A_564 : vector<1000xf32> to vector<1x1000xf32>
      %add3A_566 = arith.addf %get3A_562, %broadcast_in_dim3A_565 : vector<1x1000xf32>
      %swap3A_567 = arith.constant 7 : index
      %swap3A_568 = arith.constant 0 : index
      %swap3A_569 = vector.load %arg9[%swap3A_567, %swap3A_568] : memref<16x1000xf32, #tpu.memory_space<vmem>>, vector<1x1000xf32>
      tpu.vector_store %arg9[%swap3A_567, %swap3A_568], %add3A_566 {strides = array<i32>} : memref<16x1000xf32, #tpu.memory_space<vmem>>, vector<1x1000xf32>,
    } else {
    }
    %gt3A_200 = arith.constant 0.533333361 : f32
    %gt3A_201 = arith.cmpf ogt, %div3A_164, %gt3A_200 : f32
    %convert_element_type3A_202 = arith.extui %gt3A_201 : i1 to i32
    %cond3A_203 = arith.constant 0 : i32
    %cond3A_204 = arith.cmpi ne, %convert_element_type3A_202, %cond3A_203 : i32
    scf.if %cond3A_204 {
      %gt3A_545 = arith.constant 0.533333361 : f32
      %gt3A_546 = vector.broadcast %gt3A_545 : f32 to vector<256x1000xf32>
      %gt3A_547 = arith.cmpf ogt, %div3A_144, %gt3A_546 : vector<256x1000xf32>
      %convert_element_type3A_548 = arith.extui %gt3A_547 : vector<256x1000xi1> to vector<256x1000xi32>
      %convert_element_type3A_549 = arith.sitofp %convert_element_type3A_548 : vector<256x1000xi32> to vector<256x1000xf32>
      %get3A_550 = arith.constant 8 : index
      %get3A_551 = arith.constant 0 : index
      %get3A_552 = vector.load %arg8[%get3A_550, %get3A_551] : memref<16x1000xf32, #tpu.memory_space<vmem>>, vector<1x1000xf32>
      %reduce_sum3A_553 = arith.constant dense<0.000000e+00> : vector<1000xf32>
      %reduce_sum3A_554 = vector.multi_reduction <add>, %convert_element_type3A_549, %reduce_sum3A_553 [0] : vector<256x1000xf32> to vector<1000xf32>
      %broadcast_in_dim3A_555 = vector.shape_cast %reduce_sum3A_554 : vector<1000xf32> to vector<1x1000xf32>
      %add3A_556 = arith.addf %get3A_552, %broadcast_in_dim3A_555 : vector<1x1000xf32>
      %swap3A_557 = arith.constant 8 : index
      %swap3A_558 = arith.constant 0 : index
      %swap3A_559 = vector.load %arg8[%swap3A_557, %swap3A_558] : memref<16x1000xf32, #tpu.memory_space<vmem>>, vector<1x1000xf32>
      tpu.vector_store %arg8[%swap3A_557, %swap3A_558], %add3A_556 {strides = array<i32>} : memref<16x1000xf32, #tpu.memory_space<vmem>>, vector<1x1000xf32>,
      %get3A_560 = arith.constant 8 : index
      %get3A_561 = arith.constant 0 : index
      %get3A_562 = vector.load %arg9[%get3A_560, %get3A_561] : memref<16x1000xf32, #tpu.memory_space<vmem>>, vector<1x1000xf32>
      %mul3A = arith.mulf %div3A_144, %convert_element_type3A_549 : vector<256x1000xf32>
      %reduce_sum3A_563 = arith.constant dense<0.000000e+00> : vector<1000xf32>
      %reduce_sum3A_564 = vector.multi_reduction <add>, %mul3A, %reduce_sum3A_563 [0] : vector<256x1000xf32> to vector<1000xf32>
      %broadcast_in_dim3A_565 = vector.shape_cast %reduce_sum3A_564 : vector<1000xf32> to vector<1x1000xf32>
      %add3A_566 = arith.addf %get3A_562, %broadcast_in_dim3A_565 : vector<1x1000xf32>
      %swap3A_567 = arith.constant 8 : index
      %swap3A_568 = arith.constant 0 : index
      %swap3A_569 = vector.load %arg9[%swap3A_567, %swap3A_568] : memref<16x1000xf32, #tpu.memory_space<vmem>>, vector<1x1000xf32>
      tpu.vector_store %arg9[%swap3A_567, %swap3A_568], %add3A_566 {strides = array<i32>} : memref<16x1000xf32, #tpu.memory_space<vmem>>, vector<1x1000xf32>,
    } else {
    }
    %gt3A_205 = arith.constant 6.000000e-01 : f32
    %gt3A_206 = arith.cmpf ogt, %div3A_164, %gt3A_205 : f32
    %convert_element_type3A_207 = arith.extui %gt3A_206 : i1 to i32
    %cond3A_208 = arith.constant 0 : i32
    %cond3A_209 = arith.cmpi ne, %convert_element_type3A_207, %cond3A_208 : i32
    scf.if %cond3A_209 {
      %gt3A_545 = arith.constant 6.000000e-01 : f32
      %gt3A_546 = vector.broadcast %gt3A_545 : f32 to vector<256x1000xf32>
      %gt3A_547 = arith.cmpf ogt, %div3A_144, %gt3A_546 : vector<256x1000xf32>
      %convert_element_type3A_548 = arith.extui %gt3A_547 : vector<256x1000xi1> to vector<256x1000xi32>
      %convert_element_type3A_549 = arith.sitofp %convert_element_type3A_548 : vector<256x1000xi32> to vector<256x1000xf32>
      %get3A_550 = arith.constant 9 : index
      %get3A_551 = arith.constant 0 : index
      %get3A_552 = vector.load %arg8[%get3A_550, %get3A_551] : memref<16x1000xf32, #tpu.memory_space<vmem>>, vector<1x1000xf32>
      %reduce_sum3A_553 = arith.constant dense<0.000000e+00> : vector<1000xf32>
      %reduce_sum3A_554 = vector.multi_reduction <add>, %convert_element_type3A_549, %reduce_sum3A_553 [0] : vector<256x1000xf32> to vector<1000xf32>
      %broadcast_in_dim3A_555 = vector.shape_cast %reduce_sum3A_554 : vector<1000xf32> to vector<1x1000xf32>
      %add3A_556 = arith.addf %get3A_552, %broadcast_in_dim3A_555 : vector<1x1000xf32>
      %swap3A_557 = arith.constant 9 : index
      %swap3A_558 = arith.constant 0 : index
      %swap3A_559 = vector.load %arg8[%swap3A_557, %swap3A_558] : memref<16x1000xf32, #tpu.memory_space<vmem>>, vector<1x1000xf32>
      tpu.vector_store %arg8[%swap3A_557, %swap3A_558], %add3A_556 {strides = array<i32>} : memref<16x1000xf32, #tpu.memory_space<vmem>>, vector<1x1000xf32>,
      %get3A_560 = arith.constant 9 : index
      %get3A_561 = arith.constant 0 : index
      %get3A_562 = vector.load %arg9[%get3A_560, %get3A_561] : memref<16x1000xf32, #tpu.memory_space<vmem>>, vector<1x1000xf32>
      %mul3A = arith.mulf %div3A_144, %convert_element_type3A_549 : vector<256x1000xf32>
      %reduce_sum3A_563 = arith.constant dense<0.000000e+00> : vector<1000xf32>
      %reduce_sum3A_564 = vector.multi_reduction <add>, %mul3A, %reduce_sum3A_563 [0] : vector<256x1000xf32> to vector<1000xf32>
      %broadcast_in_dim3A_565 = vector.shape_cast %reduce_sum3A_564 : vector<1000xf32> to vector<1x1000xf32>
      %add3A_566 = arith.addf %get3A_562, %broadcast_in_dim3A_565 : vector<1x1000xf32>
      %swap3A_567 = arith.constant 9 : index
      %swap3A_568 = arith.constant 0 : index
      %swap3A_569 = vector.load %arg9[%swap3A_567, %swap3A_568] : memref<16x1000xf32, #tpu.memory_space<vmem>>, vector<1x1000xf32>
      tpu.vector_store %arg9[%swap3A_567, %swap3A_568], %add3A_566 {strides = array<i32>} : memref<16x1000xf32, #tpu.memory_space<vmem>>, vector<1x1000xf32>,
    } else {
    }
    %gt3A_210 = arith.constant 0.666666686 : f32
    %gt3A_211 = arith.cmpf ogt, %div3A_164, %gt3A_210 : f32
    %convert_element_type3A_212 = arith.extui %gt3A_211 : i1 to i32
    %cond3A_213 = arith.constant 0 : i32
    %cond3A_214 = arith.cmpi ne, %convert_element_type3A_212, %cond3A_213 : i32
    scf.if %cond3A_214 {
      %gt3A_545 = arith.constant 0.666666686 : f32
      %gt3A_546 = vector.broadcast %gt3A_545 : f32 to vector<256x1000xf32>
      %gt3A_547 = arith.cmpf ogt, %div3A_144, %gt3A_546 : vector<256x1000xf32>
      %convert_element_type3A_548 = arith.extui %gt3A_547 : vector<256x1000xi1> to vector<256x1000xi32>
      %convert_element_type3A_549 = arith.sitofp %convert_element_type3A_548 : vector<256x1000xi32> to vector<256x1000xf32>
      %get3A_550 = arith.constant 10 : index
      %get3A_551 = arith.constant 0 : index
      %get3A_552 = vector.load %arg8[%get3A_550, %get3A_551] : memref<16x1000xf32, #tpu.memory_space<vmem>>, vector<1x1000xf32>
      %reduce_sum3A_553 = arith.constant dense<0.000000e+00> : vector<1000xf32>
      %reduce_sum3A_554 = vector.multi_reduction <add>, %convert_element_type3A_549, %reduce_sum3A_553 [0] : vector<256x1000xf32> to vector<1000xf32>
      %broadcast_in_dim3A_555 = vector.shape_cast %reduce_sum3A_554 : vector<1000xf32> to vector<1x1000xf32>
      %add3A_556 = arith.addf %get3A_552, %broadcast_in_dim3A_555 : vector<1x1000xf32>
      %swap3A_557 = arith.constant 10 : index
      %swap3A_558 = arith.constant 0 : index
      %swap3A_559 = vector.load %arg8[%swap3A_557, %swap3A_558] : memref<16x1000xf32, #tpu.memory_space<vmem>>, vector<1x1000xf32>
      tpu.vector_store %arg8[%swap3A_557, %swap3A_558], %add3A_556 {strides = array<i32>} : memref<16x1000xf32, #tpu.memory_space<vmem>>, vector<1x1000xf32>,
      %get3A_560 = arith.constant 10 : index
      %get3A_561 = arith.constant 0 : index
      %get3A_562 = vector.load %arg9[%get3A_560, %get3A_561] : memref<16x1000xf32, #tpu.memory_space<vmem>>, vector<1x1000xf32>
      %mul3A = arith.mulf %div3A_144, %convert_element_type3A_549 : vector<256x1000xf32>
      %reduce_sum3A_563 = arith.constant dense<0.000000e+00> : vector<1000xf32>
      %reduce_sum3A_564 = vector.multi_reduction <add>, %mul3A, %reduce_sum3A_563 [0] : vector<256x1000xf32> to vector<1000xf32>
      %broadcast_in_dim3A_565 = vector.shape_cast %reduce_sum3A_564 : vector<1000xf32> to vector<1x1000xf32>
      %add3A_566 = arith.addf %get3A_562, %broadcast_in_dim3A_565 : vector<1x1000xf32>
      %swap3A_567 = arith.constant 10 : index
      %swap3A_568 = arith.constant 0 : index
      %swap3A_569 = vector.load %arg9[%swap3A_567, %swap3A_568] : memref<16x1000xf32, #tpu.memory_space<vmem>>, vector<1x1000xf32>
      tpu.vector_store %arg9[%swap3A_567, %swap3A_568], %add3A_566 {strides = array<i32>} : memref<16x1000xf32, #tpu.memory_space<vmem>>, vector<1x1000xf32>,
    } else {
    }
    %gt3A_215 = arith.constant 0.733333349 : f32
    %gt3A_216 = arith.cmpf ogt, %div3A_164, %gt3A_215 : f32
    %convert_element_type3A_217 = arith.extui %gt3A_216 : i1 to i32
    %cond3A_218 = arith.constant 0 : i32
    %cond3A_219 = arith.cmpi ne, %convert_element_type3A_217, %cond3A_218 : i32
    scf.if %cond3A_219 {
      %gt3A_545 = arith.constant 0.733333349 : f32
      %gt3A_546 = vector.broadcast %gt3A_545 : f32 to vector<256x1000xf32>
      %gt3A_547 = arith.cmpf ogt, %div3A_144, %gt3A_546 : vector<256x1000xf32>
      %convert_element_type3A_548 = arith.extui %gt3A_547 : vector<256x1000xi1> to vector<256x1000xi32>
      %convert_element_type3A_549 = arith.sitofp %convert_element_type3A_548 : vector<256x1000xi32> to vector<256x1000xf32>
      %get3A_550 = arith.constant 11 : index
      %get3A_551 = arith.constant 0 : index
      %get3A_552 = vector.load %arg8[%get3A_550, %get3A_551] : memref<16x1000xf32, #tpu.memory_space<vmem>>, vector<1x1000xf32>
      %reduce_sum3A_553 = arith.constant dense<0.000000e+00> : vector<1000xf32>
      %reduce_sum3A_554 = vector.multi_reduction <add>, %convert_element_type3A_549, %reduce_sum3A_553 [0] : vector<256x1000xf32> to vector<1000xf32>
      %broadcast_in_dim3A_555 = vector.shape_cast %reduce_sum3A_554 : vector<1000xf32> to vector<1x1000xf32>
      %add3A_556 = arith.addf %get3A_552, %broadcast_in_dim3A_555 : vector<1x1000xf32>
      %swap3A_557 = arith.constant 11 : index
      %swap3A_558 = arith.constant 0 : index
      %swap3A_559 = vector.load %arg8[%swap3A_557, %swap3A_558] : memref<16x1000xf32, #tpu.memory_space<vmem>>, vector<1x1000xf32>
      tpu.vector_store %arg8[%swap3A_557, %swap3A_558], %add3A_556 {strides = array<i32>} : memref<16x1000xf32, #tpu.memory_space<vmem>>, vector<1x1000xf32>,
      %get3A_560 = arith.constant 11 : index
      %get3A_561 = arith.constant 0 : index
      %get3A_562 = vector.load %arg9[%get3A_560, %get3A_561] : memref<16x1000xf32, #tpu.memory_space<vmem>>, vector<1x1000xf32>
      %mul3A = arith.mulf %div3A_144, %convert_element_type3A_549 : vector<256x1000xf32>
      %reduce_sum3A_563 = arith.constant dense<0.000000e+00> : vector<1000xf32>
      %reduce_sum3A_564 = vector.multi_reduction <add>, %mul3A, %reduce_sum3A_563 [0] : vector<256x1000xf32> to vector<1000xf32>
      %broadcast_in_dim3A_565 = vector.shape_cast %reduce_sum3A_564 : vector<1000xf32> to vector<1x1000xf32>
      %add3A_566 = arith.addf %get3A_562, %broadcast_in_dim3A_565 : vector<1x1000xf32>
      %swap3A_567 = arith.constant 11 : index
      %swap3A_568 = arith.constant 0 : index
      %swap3A_569 = vector.load %arg9[%swap3A_567, %swap3A_568] : memref<16x1000xf32, #tpu.memory_space<vmem>>, vector<1x1000xf32>
      tpu.vector_store %arg9[%swap3A_567, %swap3A_568], %add3A_566 {strides = array<i32>} : memref<16x1000xf32, #tpu.memory_space<vmem>>, vector<1x1000xf32>,
    } else {
    }
    %gt3A_220 = arith.constant 0.800000071 : f32
    %gt3A_221 = arith.cmpf ogt, %div3A_164, %gt3A_220 : f32
    %convert_element_type3A_222 = arith.extui %gt3A_221 : i1 to i32
    %cond3A_223 = arith.constant 0 : i32
    %cond3A_224 = arith.cmpi ne, %convert_element_type3A_222, %cond3A_223 : i32
    scf.if %cond3A_224 {
      %gt3A_545 = arith.constant 0.800000071 : f32
      %gt3A_546 = vector.broadcast %gt3A_545 : f32 to vector<256x1000xf32>
      %gt3A_547 = arith.cmpf ogt, %div3A_144, %gt3A_546 : vector<256x1000xf32>
      %convert_element_type3A_548 = arith.extui %gt3A_547 : vector<256x1000xi1> to vector<256x1000xi32>
      %convert_element_type3A_549 = arith.sitofp %convert_element_type3A_548 : vector<256x1000xi32> to vector<256x1000xf32>
      %get3A_550 = arith.constant 12 : index
      %get3A_551 = arith.constant 0 : index
      %get3A_552 = vector.load %arg8[%get3A_550, %get3A_551] : memref<16x1000xf32, #tpu.memory_space<vmem>>, vector<1x1000xf32>
      %reduce_sum3A_553 = arith.constant dense<0.000000e+00> : vector<1000xf32>
      %reduce_sum3A_554 = vector.multi_reduction <add>, %convert_element_type3A_549, %reduce_sum3A_553 [0] : vector<256x1000xf32> to vector<1000xf32>
      %broadcast_in_dim3A_555 = vector.shape_cast %reduce_sum3A_554 : vector<1000xf32> to vector<1x1000xf32>
      %add3A_556 = arith.addf %get3A_552, %broadcast_in_dim3A_555 : vector<1x1000xf32>
      %swap3A_557 = arith.constant 12 : index
      %swap3A_558 = arith.constant 0 : index
      %swap3A_559 = vector.load %arg8[%swap3A_557, %swap3A_558] : memref<16x1000xf32, #tpu.memory_space<vmem>>, vector<1x1000xf32>
      tpu.vector_store %arg8[%swap3A_557, %swap3A_558], %add3A_556 {strides = array<i32>} : memref<16x1000xf32, #tpu.memory_space<vmem>>, vector<1x1000xf32>,
      %get3A_560 = arith.constant 12 : index
      %get3A_561 = arith.constant 0 : index
      %get3A_562 = vector.load %arg9[%get3A_560, %get3A_561] : memref<16x1000xf32, #tpu.memory_space<vmem>>, vector<1x1000xf32>
      %mul3A = arith.mulf %div3A_144, %convert_element_type3A_549 : vector<256x1000xf32>
      %reduce_sum3A_563 = arith.constant dense<0.000000e+00> : vector<1000xf32>
      %reduce_sum3A_564 = vector.multi_reduction <add>, %mul3A, %reduce_sum3A_563 [0] : vector<256x1000xf32> to vector<1000xf32>
      %broadcast_in_dim3A_565 = vector.shape_cast %reduce_sum3A_564 : vector<1000xf32> to vector<1x1000xf32>
      %add3A_566 = arith.addf %get3A_562, %broadcast_in_dim3A_565 : vector<1x1000xf32>
      %swap3A_567 = arith.constant 12 : index
      %swap3A_568 = arith.constant 0 : index
      %swap3A_569 = vector.load %arg9[%swap3A_567, %swap3A_568] : memref<16x1000xf32, #tpu.memory_space<vmem>>, vector<1x1000xf32>
      tpu.vector_store %arg9[%swap3A_567, %swap3A_568], %add3A_566 {strides = array<i32>} : memref<16x1000xf32, #tpu.memory_space<vmem>>, vector<1x1000xf32>,
    } else {
    }
    %gt3A_225 = arith.constant 0.866666734 : f32
    %gt3A_226 = arith.cmpf ogt, %div3A_164, %gt3A_225 : f32
    %convert_element_type3A_227 = arith.extui %gt3A_226 : i1 to i32
    %cond3A_228 = arith.constant 0 : i32
    %cond3A_229 = arith.cmpi ne, %convert_element_type3A_227, %cond3A_228 : i32
    scf.if %cond3A_229 {
      %gt3A_545 = arith.constant 0.866666734 : f32
      %gt3A_546 = vector.broadcast %gt3A_545 : f32 to vector<256x1000xf32>
      %gt3A_547 = arith.cmpf ogt, %div3A_144, %gt3A_546 : vector<256x1000xf32>
      %convert_element_type3A_548 = arith.extui %gt3A_547 : vector<256x1000xi1> to vector<256x1000xi32>
      %convert_element_type3A_549 = arith.sitofp %convert_element_type3A_548 : vector<256x1000xi32> to vector<256x1000xf32>
      %get3A_550 = arith.constant 13 : index
      %get3A_551 = arith.constant 0 : index
      %get3A_552 = vector.load %arg8[%get3A_550, %get3A_551] : memref<16x1000xf32, #tpu.memory_space<vmem>>, vector<1x1000xf32>
      %reduce_sum3A_553 = arith.constant dense<0.000000e+00> : vector<1000xf32>
      %reduce_sum3A_554 = vector.multi_reduction <add>, %convert_element_type3A_549, %reduce_sum3A_553 [0] : vector<256x1000xf32> to vector<1000xf32>
      %broadcast_in_dim3A_555 = vector.shape_cast %reduce_sum3A_554 : vector<1000xf32> to vector<1x1000xf32>
      %add3A_556 = arith.addf %get3A_552, %broadcast_in_dim3A_555 : vector<1x1000xf32>
      %swap3A_557 = arith.constant 13 : index
      %swap3A_558 = arith.constant 0 : index
      %swap3A_559 = vector.load %arg8[%swap3A_557, %swap3A_558] : memref<16x1000xf32, #tpu.memory_space<vmem>>, vector<1x1000xf32>
      tpu.vector_store %arg8[%swap3A_557, %swap3A_558], %add3A_556 {strides = array<i32>} : memref<16x1000xf32, #tpu.memory_space<vmem>>, vector<1x1000xf32>,
      %get3A_560 = arith.constant 13 : index
      %get3A_561 = arith.constant 0 : index
      %get3A_562 = vector.load %arg9[%get3A_560, %get3A_561] : memref<16x1000xf32, #tpu.memory_space<vmem>>, vector<1x1000xf32>
      %mul3A = arith.mulf %div3A_144, %convert_element_type3A_549 : vector<256x1000xf32>
      %reduce_sum3A_563 = arith.constant dense<0.000000e+00> : vector<1000xf32>
      %reduce_sum3A_564 = vector.multi_reduction <add>, %mul3A, %reduce_sum3A_563 [0] : vector<256x1000xf32> to vector<1000xf32>
      %broadcast_in_dim3A_565 = vector.shape_cast %reduce_sum3A_564 : vector<1000xf32> to vector<1x1000xf32>
      %add3A_566 = arith.addf %get3A_562, %broadcast_in_dim3A_565 : vector<1x1000xf32>
      %swap3A_567 = arith.constant 13 : index
      %swap3A_568 = arith.constant 0 : index
      %swap3A_569 = vector.load %arg9[%swap3A_567, %swap3A_568] : memref<16x1000xf32, #tpu.memory_space<vmem>>, vector<1x1000xf32>
      tpu.vector_store %arg9[%swap3A_567, %swap3A_568], %add3A_566 {strides = array<i32>} : memref<16x1000xf32, #tpu.memory_space<vmem>>, vector<1x1000xf32>,
    } else {
    }
    %gt3A_230 = arith.constant 0.933333396 : f32
    %gt3A_231 = arith.cmpf ogt, %div3A_164, %gt3A_230 : f32
    %convert_element_type3A_232 = arith.extui %gt3A_231 : i1 to i32
    %cond3A_233 = arith.constant 0 : i32
    %cond3A_234 = arith.cmpi ne, %convert_element_type3A_232, %cond3A_233 : i32
    scf.if %cond3A_234 {
      %gt3A_545 = arith.constant 0.933333396 : f32
      %gt3A_546 = vector.broadcast %gt3A_545 : f32 to vector<256x1000xf32>
      %gt3A_547 = arith.cmpf ogt, %div3A_144, %gt3A_546 : vector<256x1000xf32>
      %convert_element_type3A_548 = arith.extui %gt3A_547 : vector<256x1000xi1> to vector<256x1000xi32>
      %convert_element_type3A_549 = arith.sitofp %convert_element_type3A_548 : vector<256x1000xi32> to vector<256x1000xf32>
      %get3A_550 = arith.constant 14 : index
      %get3A_551 = arith.constant 0 : index
      %get3A_552 = vector.load %arg8[%get3A_550, %get3A_551] : memref<16x1000xf32, #tpu.memory_space<vmem>>, vector<1x1000xf32>
      %reduce_sum3A_553 = arith.constant dense<0.000000e+00> : vector<1000xf32>
      %reduce_sum3A_554 = vector.multi_reduction <add>, %convert_element_type3A_549, %reduce_sum3A_553 [0] : vector<256x1000xf32> to vector<1000xf32>
      %broadcast_in_dim3A_555 = vector.shape_cast %reduce_sum3A_554 : vector<1000xf32> to vector<1x1000xf32>
      %add3A_556 = arith.addf %get3A_552, %broadcast_in_dim3A_555 : vector<1x1000xf32>
      %swap3A_557 = arith.constant 14 : index
      %swap3A_558 = arith.constant 0 : index
      %swap3A_559 = vector.load %arg8[%swap3A_557, %swap3A_558] : memref<16x1000xf32, #tpu.memory_space<vmem>>, vector<1x1000xf32>
      tpu.vector_store %arg8[%swap3A_557, %swap3A_558], %add3A_556 {strides = array<i32>} : memref<16x1000xf32, #tpu.memory_space<vmem>>, vector<1x1000xf32>,
      %get3A_560 = arith.constant 14 : index
      %get3A_561 = arith.constant 0 : index
      %get3A_562 = vector.load %arg9[%get3A_560, %get3A_561] : memref<16x1000xf32, #tpu.memory_space<vmem>>, vector<1x1000xf32>
      %mul3A = arith.mulf %div3A_144, %convert_element_type3A_549 : vector<256x1000xf32>
      %reduce_sum3A_563 = arith.constant dense<0.000000e+00> : vector<1000xf32>
      %reduce_sum3A_564 = vector.multi_reduction <add>, %mul3A, %reduce_sum3A_563 [0] : vector<256x1000xf32> to vector<1000xf32>
      %broadcast_in_dim3A_565 = vector.shape_cast %reduce_sum3A_564 : vector<1000xf32> to vector<1x1000xf32>
      %add3A_566 = arith.addf %get3A_562, %broadcast_in_dim3A_565 : vector<1x1000xf32>
      %swap3A_567 = arith.constant 14 : index
      %swap3A_568 = arith.constant 0 : index
      %swap3A_569 = vector.load %arg9[%swap3A_567, %swap3A_568] : memref<16x1000xf32, #tpu.memory_space<vmem>>, vector<1x1000xf32>
      tpu.vector_store %arg9[%swap3A_567, %swap3A_568], %add3A_566 {strides = array<i32>} : memref<16x1000xf32, #tpu.memory_space<vmem>>, vector<1x1000xf32>,
    } else {
    }
    %slice3A_235 = vector.extract_strided_slice %reshape3A {offsets = [256, 0], sizes = [256, 1], strides = [1, 1]} : vector<1024x1xi32> to vector<256x1xi32>
    %eq3A_236 = vector.broadcast %slice3A_235 : vector<256x1xi32> to vector<256x1000xi32>
    %eq3A_237 = vector.broadcast %iota3A : vector<1x1000xi32> to vector<256x1000xi32>
    %eq3A_238 = arith.cmpi eq, %eq3A_236, %eq3A_237 : vector<256x1000xi32>
    %convert_element_type3A_239 = arith.extui %eq3A_238 : vector<256x1000xi1> to vector<256x1000xi32>
    %convert_element_type3A_240 = arith.sitofp %convert_element_type3A_239 : vector<256x1000xi32> to vector<256x1000xf32>
    %slice3A_241 = vector.extract_strided_slice %reshape3A_9 {offsets = [256, 0], sizes = [256, 1], strides = [1, 1]} : vector<1024x1xf32> to vector<256x1xf32>
    %sub3A_242 = arith.subf %slice3A_241, %broadcast_in_dim3A_136 : vector<256x1xf32>
    %exp3A_243 = math.exp %sub3A_242 : vector<256x1xf32>
    %div3A_244 = arith.divf %exp3A_243, %broadcast_in_dim3A_142 : vector<256x1xf32>
    %get3A_245 = arith.constant 0 : index
    %get3A_246 = arith.constant 0 : index
    %get3A_247 = vector.load %arg3[%get3A_245, %get3A_246] : memref<1x16xf32, #tpu.memory_space<vmem>>, vector<1x16xf32>
    %gt3A_248 = vector.broadcast %div3A_244 : vector<256x1xf32> to vector<256x16xf32>
    %gt3A_249 = vector.broadcast %get3A_247 : vector<1x16xf32> to vector<256x16xf32>
    %gt3A_250 = arith.cmpf ogt, %gt3A_248, %gt3A_249 : vector<256x16xf32>
    %get3A_251 = arith.constant 0 : index
    %get3A_252 = arith.constant 0 : index
    %get3A_253 = vector.load %arg4[%get3A_251, %get3A_252] : memref<1x16xf32, #tpu.memory_space<vmem>>, vector<1x16xf32>
    %le3A_254 = vector.broadcast %div3A_244 : vector<256x1xf32> to vector<256x16xf32>
    %le3A_255 = vector.broadcast %get3A_253 : vector<1x16xf32> to vector<256x16xf32>
    %le3A_256 = arith.cmpf ole, %le3A_254, %le3A_255 : vector<256x16xf32>
    %and3A_257 = arith.andi %gt3A_250, %le3A_256 : vector<256x16xi1>
    %convert_element_type3A_258 = arith.extui %and3A_257 : vector<256x16xi1> to vector<256x16xi32>
    %convert_element_type3A_259 = arith.sitofp %convert_element_type3A_258 : vector<256x16xi32> to vector<256x16xf32>
    %get3A_260 = arith.constant 512 : index
    %get3A_261 = arith.constant 0 : index
    %get3A_262 = vector.load %arg5[%get3A_260, %get3A_261] : memref<1024x1000xf32, #tpu.memory_space<vmem>>, vector<256x1000xf32>
    %reduce_max3A_263 = arith.constant dense<0xFF800000> : vector<256xf32>
    %reduce_max3A_264 = vector.multi_reduction <maximumf>, %get3A_262, %reduce_max3A_263 [1] : vector<256x1000xf32> to vector<256xf32>
    %broadcast_in_dim3A_265 = vector.shape_cast %reduce_max3A_264 : vector<256xf32> to vector<256x1xf32>
    %sub3A_266 = vector.broadcast %broadcast_in_dim3A_265 : vector<256x1xf32> to vector<256x1000xf32>
    %sub3A_267 = arith.subf %get3A_262, %sub3A_266 : vector<256x1000xf32>
    %exp3A_268 = math.exp %sub3A_267 : vector<256x1000xf32>
    %reduce_sum3A_269 = arith.constant dense<0.000000e+00> : vector<256xf32>
    %reduce_sum3A_270 = vector.multi_reduction <add>, %exp3A_268, %reduce_sum3A_269 [1] : vector<256x1000xf32> to vector<256xf32>
    %broadcast_in_dim3A_271 = vector.shape_cast %reduce_sum3A_270 : vector<256xf32> to vector<256x1xf32>
    %div3A_272 = vector.broadcast %broadcast_in_dim3A_271 : vector<256x1xf32> to vector<256x1000xf32>
    %div3A_273 = arith.divf %exp3A_268, %div3A_272 : vector<256x1000xf32>
    %gt3A_274 = arith.constant 0.000000e+00 : f32
    %gt3A_275 = vector.broadcast %gt3A_274 : f32 to vector<256x1000xf32>
    %gt3A_276 = arith.cmpf ogt, %div3A_273, %gt3A_275 : vector<256x1000xf32>
    %convert_element_type3A_277 = arith.extui %gt3A_276 : vector<256x1000xi1> to vector<256x1000xi32>
    %convert_element_type3A_278 = arith.sitofp %convert_element_type3A_277 : vector<256x1000xi32> to vector<256x1000xf32>
    %reduce_sum3A_279 = arith.constant dense<0.000000e+00> : vector<1000xf32>
    %reduce_sum3A_280 = vector.multi_reduction <add>, %convert_element_type3A_278, %reduce_sum3A_279 [0] : vector<256x1000xf32> to vector<1000xf32>
    %broadcast_in_dim3A_281 = vector.shape_cast %reduce_sum3A_280 : vector<1000xf32> to vector<1x1000xf32>
    %add3A_282 = arith.addf %add3A_153, %broadcast_in_dim3A_281 : vector<1x1000xf32>
    %reduce_sum3A_283 = arith.constant dense<0.000000e+00> : vector<1000xf32>
    %reduce_sum3A_284 = vector.multi_reduction <add>, %div3A_273, %reduce_sum3A_283 [0] : vector<256x1000xf32> to vector<1000xf32>
    %broadcast_in_dim3A_285 = vector.shape_cast %reduce_sum3A_284 : vector<1000xf32> to vector<1x1000xf32>
    %add3A_286 = arith.addf %add3A_157, %broadcast_in_dim3A_285 : vector<1x1000xf32>
    %reduce_min3A_287 = vector.shape_cast %broadcast_in_dim3A_271 : vector<256x1xf32> to vector<1x256x1xf32>
    %reduce_min3A_288 = arith.constant dense<0x7F800000> : vector<1xf32>
    %reduce_min3A_289 = vector.multi_reduction <minimumf>, %reduce_min3A_287, %reduce_min3A_288 [1, 2] : vector<1x256x1xf32> to vector<1xf32>
    %reduce_min3A_290 = vector.shape_cast %reduce_min3A_289 : vector<1xf32> to vector<1x1x1xf32>
    %reduce_min3A_291 = vector.extract %reduce_min3A_290[0, 0, 0] : f32 from vector<1x1x1xf32>
    %div3A_292 = arith.constant 1.000000e+00 : f32
    %div3A_293 = arith.divf %div3A_292, %reduce_min3A_291 : f32
    %gt3A_294 = arith.constant 0.0666666701 : f32
    %gt3A_295 = arith.cmpf ogt, %div3A_293, %gt3A_294 : f32
    %convert_element_type3A_296 = arith.extui %gt3A_295 : i1 to i32
    %cond3A_297 = arith.constant 0 : i32
    %cond3A_298 = arith.cmpi ne, %convert_element_type3A_296, %cond3A_297 : i32
    scf.if %cond3A_298 {
      %gt3A_545 = arith.constant 0.0666666701 : f32
      %gt3A_546 = vector.broadcast %gt3A_545 : f32 to vector<256x1000xf32>
      %gt3A_547 = arith.cmpf ogt, %div3A_273, %gt3A_546 : vector<256x1000xf32>
      %convert_element_type3A_548 = arith.extui %gt3A_547 : vector<256x1000xi1> to vector<256x1000xi32>
      %convert_element_type3A_549 = arith.sitofp %convert_element_type3A_548 : vector<256x1000xi32> to vector<256x1000xf32>
      %get3A_550 = arith.constant 1 : index
      %get3A_551 = arith.constant 0 : index
      %get3A_552 = vector.load %arg8[%get3A_550, %get3A_551] : memref<16x1000xf32, #tpu.memory_space<vmem>>, vector<1x1000xf32>
      %reduce_sum3A_553 = arith.constant dense<0.000000e+00> : vector<1000xf32>
      %reduce_sum3A_554 = vector.multi_reduction <add>, %convert_element_type3A_549, %reduce_sum3A_553 [0] : vector<256x1000xf32> to vector<1000xf32>
      %broadcast_in_dim3A_555 = vector.shape_cast %reduce_sum3A_554 : vector<1000xf32> to vector<1x1000xf32>
      %add3A_556 = arith.addf %get3A_552, %broadcast_in_dim3A_555 : vector<1x1000xf32>
      %swap3A_557 = arith.constant 1 : index
      %swap3A_558 = arith.constant 0 : index
      %swap3A_559 = vector.load %arg8[%swap3A_557, %swap3A_558] : memref<16x1000xf32, #tpu.memory_space<vmem>>, vector<1x1000xf32>
      tpu.vector_store %arg8[%swap3A_557, %swap3A_558], %add3A_556 {strides = array<i32>} : memref<16x1000xf32, #tpu.memory_space<vmem>>, vector<1x1000xf32>,
      %get3A_560 = arith.constant 1 : index
      %get3A_561 = arith.constant 0 : index
      %get3A_562 = vector.load %arg9[%get3A_560, %get3A_561] : memref<16x1000xf32, #tpu.memory_space<vmem>>, vector<1x1000xf32>
      %mul3A = arith.mulf %div3A_273, %convert_element_type3A_549 : vector<256x1000xf32>
      %reduce_sum3A_563 = arith.constant dense<0.000000e+00> : vector<1000xf32>
      %reduce_sum3A_564 = vector.multi_reduction <add>, %mul3A, %reduce_sum3A_563 [0] : vector<256x1000xf32> to vector<1000xf32>
      %broadcast_in_dim3A_565 = vector.shape_cast %reduce_sum3A_564 : vector<1000xf32> to vector<1x1000xf32>
      %add3A_566 = arith.addf %get3A_562, %broadcast_in_dim3A_565 : vector<1x1000xf32>
      %swap3A_567 = arith.constant 1 : index
      %swap3A_568 = arith.constant 0 : index
      %swap3A_569 = vector.load %arg9[%swap3A_567, %swap3A_568] : memref<16x1000xf32, #tpu.memory_space<vmem>>, vector<1x1000xf32>
      tpu.vector_store %arg9[%swap3A_567, %swap3A_568], %add3A_566 {strides = array<i32>} : memref<16x1000xf32, #tpu.memory_space<vmem>>, vector<1x1000xf32>,
    } else {
    }
    %gt3A_299 = arith.constant 0.13333334 : f32
    %gt3A_300 = arith.cmpf ogt, %div3A_293, %gt3A_299 : f32
    %convert_element_type3A_301 = arith.extui %gt3A_300 : i1 to i32
    %cond3A_302 = arith.constant 0 : i32
    %cond3A_303 = arith.cmpi ne, %convert_element_type3A_301, %cond3A_302 : i32
    scf.if %cond3A_303 {
      %gt3A_545 = arith.constant 0.13333334 : f32
      %gt3A_546 = vector.broadcast %gt3A_545 : f32 to vector<256x1000xf32>
      %gt3A_547 = arith.cmpf ogt, %div3A_273, %gt3A_546 : vector<256x1000xf32>
      %convert_element_type3A_548 = arith.extui %gt3A_547 : vector<256x1000xi1> to vector<256x1000xi32>
      %convert_element_type3A_549 = arith.sitofp %convert_element_type3A_548 : vector<256x1000xi32> to vector<256x1000xf32>
      %get3A_550 = arith.constant 2 : index
      %get3A_551 = arith.constant 0 : index
      %get3A_552 = vector.load %arg8[%get3A_550, %get3A_551] : memref<16x1000xf32, #tpu.memory_space<vmem>>, vector<1x1000xf32>
      %reduce_sum3A_553 = arith.constant dense<0.000000e+00> : vector<1000xf32>
      %reduce_sum3A_554 = vector.multi_reduction <add>, %convert_element_type3A_549, %reduce_sum3A_553 [0] : vector<256x1000xf32> to vector<1000xf32>
      %broadcast_in_dim3A_555 = vector.shape_cast %reduce_sum3A_554 : vector<1000xf32> to vector<1x1000xf32>
      %add3A_556 = arith.addf %get3A_552, %broadcast_in_dim3A_555 : vector<1x1000xf32>
      %swap3A_557 = arith.constant 2 : index
      %swap3A_558 = arith.constant 0 : index
      %swap3A_559 = vector.load %arg8[%swap3A_557, %swap3A_558] : memref<16x1000xf32, #tpu.memory_space<vmem>>, vector<1x1000xf32>
      tpu.vector_store %arg8[%swap3A_557, %swap3A_558], %add3A_556 {strides = array<i32>} : memref<16x1000xf32, #tpu.memory_space<vmem>>, vector<1x1000xf32>,
      %get3A_560 = arith.constant 2 : index
      %get3A_561 = arith.constant 0 : index
      %get3A_562 = vector.load %arg9[%get3A_560, %get3A_561] : memref<16x1000xf32, #tpu.memory_space<vmem>>, vector<1x1000xf32>
      %mul3A = arith.mulf %div3A_273, %convert_element_type3A_549 : vector<256x1000xf32>
      %reduce_sum3A_563 = arith.constant dense<0.000000e+00> : vector<1000xf32>
      %reduce_sum3A_564 = vector.multi_reduction <add>, %mul3A, %reduce_sum3A_563 [0] : vector<256x1000xf32> to vector<1000xf32>
      %broadcast_in_dim3A_565 = vector.shape_cast %reduce_sum3A_564 : vector<1000xf32> to vector<1x1000xf32>
      %add3A_566 = arith.addf %get3A_562, %broadcast_in_dim3A_565 : vector<1x1000xf32>
      %swap3A_567 = arith.constant 2 : index
      %swap3A_568 = arith.constant 0 : index
      %swap3A_569 = vector.load %arg9[%swap3A_567, %swap3A_568] : memref<16x1000xf32, #tpu.memory_space<vmem>>, vector<1x1000xf32>
      tpu.vector_store %arg9[%swap3A_567, %swap3A_568], %add3A_566 {strides = array<i32>} : memref<16x1000xf32, #tpu.memory_space<vmem>>, vector<1x1000xf32>,
    } else {
    }
    %gt3A_304 = arith.constant 0.200000018 : f32
    %gt3A_305 = arith.cmpf ogt, %div3A_293, %gt3A_304 : f32
    %convert_element_type3A_306 = arith.extui %gt3A_305 : i1 to i32
    %cond3A_307 = arith.constant 0 : i32
    %cond3A_308 = arith.cmpi ne, %convert_element_type3A_306, %cond3A_307 : i32
    scf.if %cond3A_308 {
      %gt3A_545 = arith.constant 0.200000018 : f32
      %gt3A_546 = vector.broadcast %gt3A_545 : f32 to vector<256x1000xf32>
      %gt3A_547 = arith.cmpf ogt, %div3A_273, %gt3A_546 : vector<256x1000xf32>
      %convert_element_type3A_548 = arith.extui %gt3A_547 : vector<256x1000xi1> to vector<256x1000xi32>
      %convert_element_type3A_549 = arith.sitofp %convert_element_type3A_548 : vector<256x1000xi32> to vector<256x1000xf32>
      %get3A_550 = arith.constant 3 : index
      %get3A_551 = arith.constant 0 : index
      %get3A_552 = vector.load %arg8[%get3A_550, %get3A_551] : memref<16x1000xf32, #tpu.memory_space<vmem>>, vector<1x1000xf32>
      %reduce_sum3A_553 = arith.constant dense<0.000000e+00> : vector<1000xf32>
      %reduce_sum3A_554 = vector.multi_reduction <add>, %convert_element_type3A_549, %reduce_sum3A_553 [0] : vector<256x1000xf32> to vector<1000xf32>
      %broadcast_in_dim3A_555 = vector.shape_cast %reduce_sum3A_554 : vector<1000xf32> to vector<1x1000xf32>
      %add3A_556 = arith.addf %get3A_552, %broadcast_in_dim3A_555 : vector<1x1000xf32>
      %swap3A_557 = arith.constant 3 : index
      %swap3A_558 = arith.constant 0 : index
      %swap3A_559 = vector.load %arg8[%swap3A_557, %swap3A_558] : memref<16x1000xf32, #tpu.memory_space<vmem>>, vector<1x1000xf32>
      tpu.vector_store %arg8[%swap3A_557, %swap3A_558], %add3A_556 {strides = array<i32>} : memref<16x1000xf32, #tpu.memory_space<vmem>>, vector<1x1000xf32>,
      %get3A_560 = arith.constant 3 : index
      %get3A_561 = arith.constant 0 : index
      %get3A_562 = vector.load %arg9[%get3A_560, %get3A_561] : memref<16x1000xf32, #tpu.memory_space<vmem>>, vector<1x1000xf32>
      %mul3A = arith.mulf %div3A_273, %convert_element_type3A_549 : vector<256x1000xf32>
      %reduce_sum3A_563 = arith.constant dense<0.000000e+00> : vector<1000xf32>
      %reduce_sum3A_564 = vector.multi_reduction <add>, %mul3A, %reduce_sum3A_563 [0] : vector<256x1000xf32> to vector<1000xf32>
      %broadcast_in_dim3A_565 = vector.shape_cast %reduce_sum3A_564 : vector<1000xf32> to vector<1x1000xf32>
      %add3A_566 = arith.addf %get3A_562, %broadcast_in_dim3A_565 : vector<1x1000xf32>
      %swap3A_567 = arith.constant 3 : index
      %swap3A_568 = arith.constant 0 : index
      %swap3A_569 = vector.load %arg9[%swap3A_567, %swap3A_568] : memref<16x1000xf32, #tpu.memory_space<vmem>>, vector<1x1000xf32>
      tpu.vector_store %arg9[%swap3A_567, %swap3A_568], %add3A_566 {strides = array<i32>} : memref<16x1000xf32, #tpu.memory_space<vmem>>, vector<1x1000xf32>,
    } else {
    }
    %gt3A_309 = arith.constant 0.266666681 : f32
    %gt3A_310 = arith.cmpf ogt, %div3A_293, %gt3A_309 : f32
    %convert_element_type3A_311 = arith.extui %gt3A_310 : i1 to i32
    %cond3A_312 = arith.constant 0 : i32
    %cond3A_313 = arith.cmpi ne, %convert_element_type3A_311, %cond3A_312 : i32
    scf.if %cond3A_313 {
      %gt3A_545 = arith.constant 0.266666681 : f32
      %gt3A_546 = vector.broadcast %gt3A_545 : f32 to vector<256x1000xf32>
      %gt3A_547 = arith.cmpf ogt, %div3A_273, %gt3A_546 : vector<256x1000xf32>
      %convert_element_type3A_548 = arith.extui %gt3A_547 : vector<256x1000xi1> to vector<256x1000xi32>
      %convert_element_type3A_549 = arith.sitofp %convert_element_type3A_548 : vector<256x1000xi32> to vector<256x1000xf32>
      %get3A_550 = arith.constant 4 : index
      %get3A_551 = arith.constant 0 : index
      %get3A_552 = vector.load %arg8[%get3A_550, %get3A_551] : memref<16x1000xf32, #tpu.memory_space<vmem>>, vector<1x1000xf32>
      %reduce_sum3A_553 = arith.constant dense<0.000000e+00> : vector<1000xf32>
      %reduce_sum3A_554 = vector.multi_reduction <add>, %convert_element_type3A_549, %reduce_sum3A_553 [0] : vector<256x1000xf32> to vector<1000xf32>
      %broadcast_in_dim3A_555 = vector.shape_cast %reduce_sum3A_554 : vector<1000xf32> to vector<1x1000xf32>
      %add3A_556 = arith.addf %get3A_552, %broadcast_in_dim3A_555 : vector<1x1000xf32>
      %swap3A_557 = arith.constant 4 : index
      %swap3A_558 = arith.constant 0 : index
      %swap3A_559 = vector.load %arg8[%swap3A_557, %swap3A_558] : memref<16x1000xf32, #tpu.memory_space<vmem>>, vector<1x1000xf32>
      tpu.vector_store %arg8[%swap3A_557, %swap3A_558], %add3A_556 {strides = array<i32>} : memref<16x1000xf32, #tpu.memory_space<vmem>>, vector<1x1000xf32>,
      %get3A_560 = arith.constant 4 : index
      %get3A_561 = arith.constant 0 : index
      %get3A_562 = vector.load %arg9[%get3A_560, %get3A_561] : memref<16x1000xf32, #tpu.memory_space<vmem>>, vector<1x1000xf32>
      %mul3A = arith.mulf %div3A_273, %convert_element_type3A_549 : vector<256x1000xf32>
      %reduce_sum3A_563 = arith.constant dense<0.000000e+00> : vector<1000xf32>
      %reduce_sum3A_564 = vector.multi_reduction <add>, %mul3A, %reduce_sum3A_563 [0] : vector<256x1000xf32> to vector<1000xf32>
      %broadcast_in_dim3A_565 = vector.shape_cast %reduce_sum3A_564 : vector<1000xf32> to vector<1x1000xf32>
      %add3A_566 = arith.addf %get3A_562, %broadcast_in_dim3A_565 : vector<1x1000xf32>
      %swap3A_567 = arith.constant 4 : index
      %swap3A_568 = arith.constant 0 : index
      %swap3A_569 = vector.load %arg9[%swap3A_567, %swap3A_568] : memref<16x1000xf32, #tpu.memory_space<vmem>>, vector<1x1000xf32>
      tpu.vector_store %arg9[%swap3A_567, %swap3A_568], %add3A_566 {strides = array<i32>} : memref<16x1000xf32, #tpu.memory_space<vmem>>, vector<1x1000xf32>,
    } else {
    }
    %gt3A_314 = arith.constant 0.333333343 : f32
    %gt3A_315 = arith.cmpf ogt, %div3A_293, %gt3A_314 : f32
    %convert_element_type3A_316 = arith.extui %gt3A_315 : i1 to i32
    %cond3A_317 = arith.constant 0 : i32
    %cond3A_318 = arith.cmpi ne, %convert_element_type3A_316, %cond3A_317 : i32
    scf.if %cond3A_318 {
      %gt3A_545 = arith.constant 0.333333343 : f32
      %gt3A_546 = vector.broadcast %gt3A_545 : f32 to vector<256x1000xf32>
      %gt3A_547 = arith.cmpf ogt, %div3A_273, %gt3A_546 : vector<256x1000xf32>
      %convert_element_type3A_548 = arith.extui %gt3A_547 : vector<256x1000xi1> to vector<256x1000xi32>
      %convert_element_type3A_549 = arith.sitofp %convert_element_type3A_548 : vector<256x1000xi32> to vector<256x1000xf32>
      %get3A_550 = arith.constant 5 : index
      %get3A_551 = arith.constant 0 : index
      %get3A_552 = vector.load %arg8[%get3A_550, %get3A_551] : memref<16x1000xf32, #tpu.memory_space<vmem>>, vector<1x1000xf32>
      %reduce_sum3A_553 = arith.constant dense<0.000000e+00> : vector<1000xf32>
      %reduce_sum3A_554 = vector.multi_reduction <add>, %convert_element_type3A_549, %reduce_sum3A_553 [0] : vector<256x1000xf32> to vector<1000xf32>
      %broadcast_in_dim3A_555 = vector.shape_cast %reduce_sum3A_554 : vector<1000xf32> to vector<1x1000xf32>
      %add3A_556 = arith.addf %get3A_552, %broadcast_in_dim3A_555 : vector<1x1000xf32>
      %swap3A_557 = arith.constant 5 : index
      %swap3A_558 = arith.constant 0 : index
      %swap3A_559 = vector.load %arg8[%swap3A_557, %swap3A_558] : memref<16x1000xf32, #tpu.memory_space<vmem>>, vector<1x1000xf32>
      tpu.vector_store %arg8[%swap3A_557, %swap3A_558], %add3A_556 {strides = array<i32>} : memref<16x1000xf32, #tpu.memory_space<vmem>>, vector<1x1000xf32>,
      %get3A_560 = arith.constant 5 : index
      %get3A_561 = arith.constant 0 : index
      %get3A_562 = vector.load %arg9[%get3A_560, %get3A_561] : memref<16x1000xf32, #tpu.memory_space<vmem>>, vector<1x1000xf32>
      %mul3A = arith.mulf %div3A_273, %convert_element_type3A_549 : vector<256x1000xf32>
      %reduce_sum3A_563 = arith.constant dense<0.000000e+00> : vector<1000xf32>
      %reduce_sum3A_564 = vector.multi_reduction <add>, %mul3A, %reduce_sum3A_563 [0] : vector<256x1000xf32> to vector<1000xf32>
      %broadcast_in_dim3A_565 = vector.shape_cast %reduce_sum3A_564 : vector<1000xf32> to vector<1x1000xf32>
      %add3A_566 = arith.addf %get3A_562, %broadcast_in_dim3A_565 : vector<1x1000xf32>
      %swap3A_567 = arith.constant 5 : index
      %swap3A_568 = arith.constant 0 : index
      %swap3A_569 = vector.load %arg9[%swap3A_567, %swap3A_568] : memref<16x1000xf32, #tpu.memory_space<vmem>>, vector<1x1000xf32>
      tpu.vector_store %arg9[%swap3A_567, %swap3A_568], %add3A_566 {strides = array<i32>} : memref<16x1000xf32, #tpu.memory_space<vmem>>, vector<1x1000xf32>,
    } else {
    }
    %gt3A_319 = arith.constant 0.400000036 : f32
    %gt3A_320 = arith.cmpf ogt, %div3A_293, %gt3A_319 : f32
    %convert_element_type3A_321 = arith.extui %gt3A_320 : i1 to i32
    %cond3A_322 = arith.constant 0 : i32
    %cond3A_323 = arith.cmpi ne, %convert_element_type3A_321, %cond3A_322 : i32
    scf.if %cond3A_323 {
      %gt3A_545 = arith.constant 0.400000036 : f32
      %gt3A_546 = vector.broadcast %gt3A_545 : f32 to vector<256x1000xf32>
      %gt3A_547 = arith.cmpf ogt, %div3A_273, %gt3A_546 : vector<256x1000xf32>
      %convert_element_type3A_548 = arith.extui %gt3A_547 : vector<256x1000xi1> to vector<256x1000xi32>
      %convert_element_type3A_549 = arith.sitofp %convert_element_type3A_548 : vector<256x1000xi32> to vector<256x1000xf32>
      %get3A_550 = arith.constant 6 : index
      %get3A_551 = arith.constant 0 : index
      %get3A_552 = vector.load %arg8[%get3A_550, %get3A_551] : memref<16x1000xf32, #tpu.memory_space<vmem>>, vector<1x1000xf32>
      %reduce_sum3A_553 = arith.constant dense<0.000000e+00> : vector<1000xf32>
      %reduce_sum3A_554 = vector.multi_reduction <add>, %convert_element_type3A_549, %reduce_sum3A_553 [0] : vector<256x1000xf32> to vector<1000xf32>
      %broadcast_in_dim3A_555 = vector.shape_cast %reduce_sum3A_554 : vector<1000xf32> to vector<1x1000xf32>
      %add3A_556 = arith.addf %get3A_552, %broadcast_in_dim3A_555 : vector<1x1000xf32>
      %swap3A_557 = arith.constant 6 : index
      %swap3A_558 = arith.constant 0 : index
      %swap3A_559 = vector.load %arg8[%swap3A_557, %swap3A_558] : memref<16x1000xf32, #tpu.memory_space<vmem>>, vector<1x1000xf32>
      tpu.vector_store %arg8[%swap3A_557, %swap3A_558], %add3A_556 {strides = array<i32>} : memref<16x1000xf32, #tpu.memory_space<vmem>>, vector<1x1000xf32>,
      %get3A_560 = arith.constant 6 : index
      %get3A_561 = arith.constant 0 : index
      %get3A_562 = vector.load %arg9[%get3A_560, %get3A_561] : memref<16x1000xf32, #tpu.memory_space<vmem>>, vector<1x1000xf32>
      %mul3A = arith.mulf %div3A_273, %convert_element_type3A_549 : vector<256x1000xf32>
      %reduce_sum3A_563 = arith.constant dense<0.000000e+00> : vector<1000xf32>
      %reduce_sum3A_564 = vector.multi_reduction <add>, %mul3A, %reduce_sum3A_563 [0] : vector<256x1000xf32> to vector<1000xf32>
      %broadcast_in_dim3A_565 = vector.shape_cast %reduce_sum3A_564 : vector<1000xf32> to vector<1x1000xf32>
      %add3A_566 = arith.addf %get3A_562, %broadcast_in_dim3A_565 : vector<1x1000xf32>
      %swap3A_567 = arith.constant 6 : index
      %swap3A_568 = arith.constant 0 : index
      %swap3A_569 = vector.load %arg9[%swap3A_567, %swap3A_568] : memref<16x1000xf32, #tpu.memory_space<vmem>>, vector<1x1000xf32>
      tpu.vector_store %arg9[%swap3A_567, %swap3A_568], %add3A_566 {strides = array<i32>} : memref<16x1000xf32, #tpu.memory_space<vmem>>, vector<1x1000xf32>,
    } else {
    }
    %gt3A_324 = arith.constant 0.466666698 : f32
    %gt3A_325 = arith.cmpf ogt, %div3A_293, %gt3A_324 : f32
    %convert_element_type3A_326 = arith.extui %gt3A_325 : i1 to i32
    %cond3A_327 = arith.constant 0 : i32
    %cond3A_328 = arith.cmpi ne, %convert_element_type3A_326, %cond3A_327 : i32
    scf.if %cond3A_328 {
      %gt3A_545 = arith.constant 0.466666698 : f32
      %gt3A_546 = vector.broadcast %gt3A_545 : f32 to vector<256x1000xf32>
      %gt3A_547 = arith.cmpf ogt, %div3A_273, %gt3A_546 : vector<256x1000xf32>
      %convert_element_type3A_548 = arith.extui %gt3A_547 : vector<256x1000xi1> to vector<256x1000xi32>
      %convert_element_type3A_549 = arith.sitofp %convert_element_type3A_548 : vector<256x1000xi32> to vector<256x1000xf32>
      %get3A_550 = arith.constant 7 : index
      %get3A_551 = arith.constant 0 : index
      %get3A_552 = vector.load %arg8[%get3A_550, %get3A_551] : memref<16x1000xf32, #tpu.memory_space<vmem>>, vector<1x1000xf32>
      %reduce_sum3A_553 = arith.constant dense<0.000000e+00> : vector<1000xf32>
      %reduce_sum3A_554 = vector.multi_reduction <add>, %convert_element_type3A_549, %reduce_sum3A_553 [0] : vector<256x1000xf32> to vector<1000xf32>
      %broadcast_in_dim3A_555 = vector.shape_cast %reduce_sum3A_554 : vector<1000xf32> to vector<1x1000xf32>
      %add3A_556 = arith.addf %get3A_552, %broadcast_in_dim3A_555 : vector<1x1000xf32>
      %swap3A_557 = arith.constant 7 : index
      %swap3A_558 = arith.constant 0 : index
      %swap3A_559 = vector.load %arg8[%swap3A_557, %swap3A_558] : memref<16x1000xf32, #tpu.memory_space<vmem>>, vector<1x1000xf32>
      tpu.vector_store %arg8[%swap3A_557, %swap3A_558], %add3A_556 {strides = array<i32>} : memref<16x1000xf32, #tpu.memory_space<vmem>>, vector<1x1000xf32>,
      %get3A_560 = arith.constant 7 : index
      %get3A_561 = arith.constant 0 : index
      %get3A_562 = vector.load %arg9[%get3A_560, %get3A_561] : memref<16x1000xf32, #tpu.memory_space<vmem>>, vector<1x1000xf32>
      %mul3A = arith.mulf %div3A_273, %convert_element_type3A_549 : vector<256x1000xf32>
      %reduce_sum3A_563 = arith.constant dense<0.000000e+00> : vector<1000xf32>
      %reduce_sum3A_564 = vector.multi_reduction <add>, %mul3A, %reduce_sum3A_563 [0] : vector<256x1000xf32> to vector<1000xf32>
      %broadcast_in_dim3A_565 = vector.shape_cast %reduce_sum3A_564 : vector<1000xf32> to vector<1x1000xf32>
      %add3A_566 = arith.addf %get3A_562, %broadcast_in_dim3A_565 : vector<1x1000xf32>
      %swap3A_567 = arith.constant 7 : index
      %swap3A_568 = arith.constant 0 : index
      %swap3A_569 = vector.load %arg9[%swap3A_567, %swap3A_568] : memref<16x1000xf32, #tpu.memory_space<vmem>>, vector<1x1000xf32>
      tpu.vector_store %arg9[%swap3A_567, %swap3A_568], %add3A_566 {strides = array<i32>} : memref<16x1000xf32, #tpu.memory_space<vmem>>, vector<1x1000xf32>,
    } else {
    }
    %gt3A_329 = arith.constant 0.533333361 : f32
    %gt3A_330 = arith.cmpf ogt, %div3A_293, %gt3A_329 : f32
    %convert_element_type3A_331 = arith.extui %gt3A_330 : i1 to i32
    %cond3A_332 = arith.constant 0 : i32
    %cond3A_333 = arith.cmpi ne, %convert_element_type3A_331, %cond3A_332 : i32
    scf.if %cond3A_333 {
      %gt3A_545 = arith.constant 0.533333361 : f32
      %gt3A_546 = vector.broadcast %gt3A_545 : f32 to vector<256x1000xf32>
      %gt3A_547 = arith.cmpf ogt, %div3A_273, %gt3A_546 : vector<256x1000xf32>
      %convert_element_type3A_548 = arith.extui %gt3A_547 : vector<256x1000xi1> to vector<256x1000xi32>
      %convert_element_type3A_549 = arith.sitofp %convert_element_type3A_548 : vector<256x1000xi32> to vector<256x1000xf32>
      %get3A_550 = arith.constant 8 : index
      %get3A_551 = arith.constant 0 : index
      %get3A_552 = vector.load %arg8[%get3A_550, %get3A_551] : memref<16x1000xf32, #tpu.memory_space<vmem>>, vector<1x1000xf32>
      %reduce_sum3A_553 = arith.constant dense<0.000000e+00> : vector<1000xf32>
      %reduce_sum3A_554 = vector.multi_reduction <add>, %convert_element_type3A_549, %reduce_sum3A_553 [0] : vector<256x1000xf32> to vector<1000xf32>
      %broadcast_in_dim3A_555 = vector.shape_cast %reduce_sum3A_554 : vector<1000xf32> to vector<1x1000xf32>
      %add3A_556 = arith.addf %get3A_552, %broadcast_in_dim3A_555 : vector<1x1000xf32>
      %swap3A_557 = arith.constant 8 : index
      %swap3A_558 = arith.constant 0 : index
      %swap3A_559 = vector.load %arg8[%swap3A_557, %swap3A_558] : memref<16x1000xf32, #tpu.memory_space<vmem>>, vector<1x1000xf32>
      tpu.vector_store %arg8[%swap3A_557, %swap3A_558], %add3A_556 {strides = array<i32>} : memref<16x1000xf32, #tpu.memory_space<vmem>>, vector<1x1000xf32>,
      %get3A_560 = arith.constant 8 : index
      %get3A_561 = arith.constant 0 : index
      %get3A_562 = vector.load %arg9[%get3A_560, %get3A_561] : memref<16x1000xf32, #tpu.memory_space<vmem>>, vector<1x1000xf32>
      %mul3A = arith.mulf %div3A_273, %convert_element_type3A_549 : vector<256x1000xf32>
      %reduce_sum3A_563 = arith.constant dense<0.000000e+00> : vector<1000xf32>
      %reduce_sum3A_564 = vector.multi_reduction <add>, %mul3A, %reduce_sum3A_563 [0] : vector<256x1000xf32> to vector<1000xf32>
      %broadcast_in_dim3A_565 = vector.shape_cast %reduce_sum3A_564 : vector<1000xf32> to vector<1x1000xf32>
      %add3A_566 = arith.addf %get3A_562, %broadcast_in_dim3A_565 : vector<1x1000xf32>
      %swap3A_567 = arith.constant 8 : index
      %swap3A_568 = arith.constant 0 : index
      %swap3A_569 = vector.load %arg9[%swap3A_567, %swap3A_568] : memref<16x1000xf32, #tpu.memory_space<vmem>>, vector<1x1000xf32>
      tpu.vector_store %arg9[%swap3A_567, %swap3A_568], %add3A_566 {strides = array<i32>} : memref<16x1000xf32, #tpu.memory_space<vmem>>, vector<1x1000xf32>,
    } else {
    }
    %gt3A_334 = arith.constant 6.000000e-01 : f32
    %gt3A_335 = arith.cmpf ogt, %div3A_293, %gt3A_334 : f32
    %convert_element_type3A_336 = arith.extui %gt3A_335 : i1 to i32
    %cond3A_337 = arith.constant 0 : i32
    %cond3A_338 = arith.cmpi ne, %convert_element_type3A_336, %cond3A_337 : i32
    scf.if %cond3A_338 {
      %gt3A_545 = arith.constant 6.000000e-01 : f32
      %gt3A_546 = vector.broadcast %gt3A_545 : f32 to vector<256x1000xf32>
      %gt3A_547 = arith.cmpf ogt, %div3A_273, %gt3A_546 : vector<256x1000xf32>
      %convert_element_type3A_548 = arith.extui %gt3A_547 : vector<256x1000xi1> to vector<256x1000xi32>
      %convert_element_type3A_549 = arith.sitofp %convert_element_type3A_548 : vector<256x1000xi32> to vector<256x1000xf32>
      %get3A_550 = arith.constant 9 : index
      %get3A_551 = arith.constant 0 : index
      %get3A_552 = vector.load %arg8[%get3A_550, %get3A_551] : memref<16x1000xf32, #tpu.memory_space<vmem>>, vector<1x1000xf32>
      %reduce_sum3A_553 = arith.constant dense<0.000000e+00> : vector<1000xf32>
      %reduce_sum3A_554 = vector.multi_reduction <add>, %convert_element_type3A_549, %reduce_sum3A_553 [0] : vector<256x1000xf32> to vector<1000xf32>
      %broadcast_in_dim3A_555 = vector.shape_cast %reduce_sum3A_554 : vector<1000xf32> to vector<1x1000xf32>
      %add3A_556 = arith.addf %get3A_552, %broadcast_in_dim3A_555 : vector<1x1000xf32>
      %swap3A_557 = arith.constant 9 : index
      %swap3A_558 = arith.constant 0 : index
      %swap3A_559 = vector.load %arg8[%swap3A_557, %swap3A_558] : memref<16x1000xf32, #tpu.memory_space<vmem>>, vector<1x1000xf32>
      tpu.vector_store %arg8[%swap3A_557, %swap3A_558], %add3A_556 {strides = array<i32>} : memref<16x1000xf32, #tpu.memory_space<vmem>>, vector<1x1000xf32>,
      %get3A_560 = arith.constant 9 : index
      %get3A_561 = arith.constant 0 : index
      %get3A_562 = vector.load %arg9[%get3A_560, %get3A_561] : memref<16x1000xf32, #tpu.memory_space<vmem>>, vector<1x1000xf32>
      %mul3A = arith.mulf %div3A_273, %convert_element_type3A_549 : vector<256x1000xf32>
      %reduce_sum3A_563 = arith.constant dense<0.000000e+00> : vector<1000xf32>
      %reduce_sum3A_564 = vector.multi_reduction <add>, %mul3A, %reduce_sum3A_563 [0] : vector<256x1000xf32> to vector<1000xf32>
      %broadcast_in_dim3A_565 = vector.shape_cast %reduce_sum3A_564 : vector<1000xf32> to vector<1x1000xf32>
      %add3A_566 = arith.addf %get3A_562, %broadcast_in_dim3A_565 : vector<1x1000xf32>
      %swap3A_567 = arith.constant 9 : index
      %swap3A_568 = arith.constant 0 : index
      %swap3A_569 = vector.load %arg9[%swap3A_567, %swap3A_568] : memref<16x1000xf32, #tpu.memory_space<vmem>>, vector<1x1000xf32>
      tpu.vector_store %arg9[%swap3A_567, %swap3A_568], %add3A_566 {strides = array<i32>} : memref<16x1000xf32, #tpu.memory_space<vmem>>, vector<1x1000xf32>,
    } else {
    }
    %gt3A_339 = arith.constant 0.666666686 : f32
    %gt3A_340 = arith.cmpf ogt, %div3A_293, %gt3A_339 : f32
    %convert_element_type3A_341 = arith.extui %gt3A_340 : i1 to i32
    %cond3A_342 = arith.constant 0 : i32
    %cond3A_343 = arith.cmpi ne, %convert_element_type3A_341, %cond3A_342 : i32
    scf.if %cond3A_343 {
      %gt3A_545 = arith.constant 0.666666686 : f32
      %gt3A_546 = vector.broadcast %gt3A_545 : f32 to vector<256x1000xf32>
      %gt3A_547 = arith.cmpf ogt, %div3A_273, %gt3A_546 : vector<256x1000xf32>
      %convert_element_type3A_548 = arith.extui %gt3A_547 : vector<256x1000xi1> to vector<256x1000xi32>
      %convert_element_type3A_549 = arith.sitofp %convert_element_type3A_548 : vector<256x1000xi32> to vector<256x1000xf32>
      %get3A_550 = arith.constant 10 : index
      %get3A_551 = arith.constant 0 : index
      %get3A_552 = vector.load %arg8[%get3A_550, %get3A_551] : memref<16x1000xf32, #tpu.memory_space<vmem>>, vector<1x1000xf32>
      %reduce_sum3A_553 = arith.constant dense<0.000000e+00> : vector<1000xf32>
      %reduce_sum3A_554 = vector.multi_reduction <add>, %convert_element_type3A_549, %reduce_sum3A_553 [0] : vector<256x1000xf32> to vector<1000xf32>
      %broadcast_in_dim3A_555 = vector.shape_cast %reduce_sum3A_554 : vector<1000xf32> to vector<1x1000xf32>
      %add3A_556 = arith.addf %get3A_552, %broadcast_in_dim3A_555 : vector<1x1000xf32>
      %swap3A_557 = arith.constant 10 : index
      %swap3A_558 = arith.constant 0 : index
      %swap3A_559 = vector.load %arg8[%swap3A_557, %swap3A_558] : memref<16x1000xf32, #tpu.memory_space<vmem>>, vector<1x1000xf32>
      tpu.vector_store %arg8[%swap3A_557, %swap3A_558], %add3A_556 {strides = array<i32>} : memref<16x1000xf32, #tpu.memory_space<vmem>>, vector<1x1000xf32>,
      %get3A_560 = arith.constant 10 : index
      %get3A_561 = arith.constant 0 : index
      %get3A_562 = vector.load %arg9[%get3A_560, %get3A_561] : memref<16x1000xf32, #tpu.memory_space<vmem>>, vector<1x1000xf32>
      %mul3A = arith.mulf %div3A_273, %convert_element_type3A_549 : vector<256x1000xf32>
      %reduce_sum3A_563 = arith.constant dense<0.000000e+00> : vector<1000xf32>
      %reduce_sum3A_564 = vector.multi_reduction <add>, %mul3A, %reduce_sum3A_563 [0] : vector<256x1000xf32> to vector<1000xf32>
      %broadcast_in_dim3A_565 = vector.shape_cast %reduce_sum3A_564 : vector<1000xf32> to vector<1x1000xf32>
      %add3A_566 = arith.addf %get3A_562, %broadcast_in_dim3A_565 : vector<1x1000xf32>
      %swap3A_567 = arith.constant 10 : index
      %swap3A_568 = arith.constant 0 : index
      %swap3A_569 = vector.load %arg9[%swap3A_567, %swap3A_568] : memref<16x1000xf32, #tpu.memory_space<vmem>>, vector<1x1000xf32>
      tpu.vector_store %arg9[%swap3A_567, %swap3A_568], %add3A_566 {strides = array<i32>} : memref<16x1000xf32, #tpu.memory_space<vmem>>, vector<1x1000xf32>,
    } else {
    }
    %gt3A_344 = arith.constant 0.733333349 : f32
    %gt3A_345 = arith.cmpf ogt, %div3A_293, %gt3A_344 : f32
    %convert_element_type3A_346 = arith.extui %gt3A_345 : i1 to i32
    %cond3A_347 = arith.constant 0 : i32
    %cond3A_348 = arith.cmpi ne, %convert_element_type3A_346, %cond3A_347 : i32
    scf.if %cond3A_348 {
      %gt3A_545 = arith.constant 0.733333349 : f32
      %gt3A_546 = vector.broadcast %gt3A_545 : f32 to vector<256x1000xf32>
      %gt3A_547 = arith.cmpf ogt, %div3A_273, %gt3A_546 : vector<256x1000xf32>
      %convert_element_type3A_548 = arith.extui %gt3A_547 : vector<256x1000xi1> to vector<256x1000xi32>
      %convert_element_type3A_549 = arith.sitofp %convert_element_type3A_548 : vector<256x1000xi32> to vector<256x1000xf32>
      %get3A_550 = arith.constant 11 : index
      %get3A_551 = arith.constant 0 : index
      %get3A_552 = vector.load %arg8[%get3A_550, %get3A_551] : memref<16x1000xf32, #tpu.memory_space<vmem>>, vector<1x1000xf32>
      %reduce_sum3A_553 = arith.constant dense<0.000000e+00> : vector<1000xf32>
      %reduce_sum3A_554 = vector.multi_reduction <add>, %convert_element_type3A_549, %reduce_sum3A_553 [0] : vector<256x1000xf32> to vector<1000xf32>
      %broadcast_in_dim3A_555 = vector.shape_cast %reduce_sum3A_554 : vector<1000xf32> to vector<1x1000xf32>
      %add3A_556 = arith.addf %get3A_552, %broadcast_in_dim3A_555 : vector<1x1000xf32>
      %swap3A_557 = arith.constant 11 : index
      %swap3A_558 = arith.constant 0 : index
      %swap3A_559 = vector.load %arg8[%swap3A_557, %swap3A_558] : memref<16x1000xf32, #tpu.memory_space<vmem>>, vector<1x1000xf32>
      tpu.vector_store %arg8[%swap3A_557, %swap3A_558], %add3A_556 {strides = array<i32>} : memref<16x1000xf32, #tpu.memory_space<vmem>>, vector<1x1000xf32>,
      %get3A_560 = arith.constant 11 : index
      %get3A_561 = arith.constant 0 : index
      %get3A_562 = vector.load %arg9[%get3A_560, %get3A_561] : memref<16x1000xf32, #tpu.memory_space<vmem>>, vector<1x1000xf32>
      %mul3A = arith.mulf %div3A_273, %convert_element_type3A_549 : vector<256x1000xf32>
      %reduce_sum3A_563 = arith.constant dense<0.000000e+00> : vector<1000xf32>
      %reduce_sum3A_564 = vector.multi_reduction <add>, %mul3A, %reduce_sum3A_563 [0] : vector<256x1000xf32> to vector<1000xf32>
      %broadcast_in_dim3A_565 = vector.shape_cast %reduce_sum3A_564 : vector<1000xf32> to vector<1x1000xf32>
      %add3A_566 = arith.addf %get3A_562, %broadcast_in_dim3A_565 : vector<1x1000xf32>
      %swap3A_567 = arith.constant 11 : index
      %swap3A_568 = arith.constant 0 : index
      %swap3A_569 = vector.load %arg9[%swap3A_567, %swap3A_568] : memref<16x1000xf32, #tpu.memory_space<vmem>>, vector<1x1000xf32>
      tpu.vector_store %arg9[%swap3A_567, %swap3A_568], %add3A_566 {strides = array<i32>} : memref<16x1000xf32, #tpu.memory_space<vmem>>, vector<1x1000xf32>,
    } else {
    }
    %gt3A_349 = arith.constant 0.800000071 : f32
    %gt3A_350 = arith.cmpf ogt, %div3A_293, %gt3A_349 : f32
    %convert_element_type3A_351 = arith.extui %gt3A_350 : i1 to i32
    %cond3A_352 = arith.constant 0 : i32
    %cond3A_353 = arith.cmpi ne, %convert_element_type3A_351, %cond3A_352 : i32
    scf.if %cond3A_353 {
      %gt3A_545 = arith.constant 0.800000071 : f32
      %gt3A_546 = vector.broadcast %gt3A_545 : f32 to vector<256x1000xf32>
      %gt3A_547 = arith.cmpf ogt, %div3A_273, %gt3A_546 : vector<256x1000xf32>
      %convert_element_type3A_548 = arith.extui %gt3A_547 : vector<256x1000xi1> to vector<256x1000xi32>
      %convert_element_type3A_549 = arith.sitofp %convert_element_type3A_548 : vector<256x1000xi32> to vector<256x1000xf32>
      %get3A_550 = arith.constant 12 : index
      %get3A_551 = arith.constant 0 : index
      %get3A_552 = vector.load %arg8[%get3A_550, %get3A_551] : memref<16x1000xf32, #tpu.memory_space<vmem>>, vector<1x1000xf32>
      %reduce_sum3A_553 = arith.constant dense<0.000000e+00> : vector<1000xf32>
      %reduce_sum3A_554 = vector.multi_reduction <add>, %convert_element_type3A_549, %reduce_sum3A_553 [0] : vector<256x1000xf32> to vector<1000xf32>
      %broadcast_in_dim3A_555 = vector.shape_cast %reduce_sum3A_554 : vector<1000xf32> to vector<1x1000xf32>
      %add3A_556 = arith.addf %get3A_552, %broadcast_in_dim3A_555 : vector<1x1000xf32>
      %swap3A_557 = arith.constant 12 : index
      %swap3A_558 = arith.constant 0 : index
      %swap3A_559 = vector.load %arg8[%swap3A_557, %swap3A_558] : memref<16x1000xf32, #tpu.memory_space<vmem>>, vector<1x1000xf32>
      tpu.vector_store %arg8[%swap3A_557, %swap3A_558], %add3A_556 {strides = array<i32>} : memref<16x1000xf32, #tpu.memory_space<vmem>>, vector<1x1000xf32>,
      %get3A_560 = arith.constant 12 : index
      %get3A_561 = arith.constant 0 : index
      %get3A_562 = vector.load %arg9[%get3A_560, %get3A_561] : memref<16x1000xf32, #tpu.memory_space<vmem>>, vector<1x1000xf32>
      %mul3A = arith.mulf %div3A_273, %convert_element_type3A_549 : vector<256x1000xf32>
      %reduce_sum3A_563 = arith.constant dense<0.000000e+00> : vector<1000xf32>
      %reduce_sum3A_564 = vector.multi_reduction <add>, %mul3A, %reduce_sum3A_563 [0] : vector<256x1000xf32> to vector<1000xf32>
      %broadcast_in_dim3A_565 = vector.shape_cast %reduce_sum3A_564 : vector<1000xf32> to vector<1x1000xf32>
      %add3A_566 = arith.addf %get3A_562, %broadcast_in_dim3A_565 : vector<1x1000xf32>
      %swap3A_567 = arith.constant 12 : index
      %swap3A_568 = arith.constant 0 : index
      %swap3A_569 = vector.load %arg9[%swap3A_567, %swap3A_568] : memref<16x1000xf32, #tpu.memory_space<vmem>>, vector<1x1000xf32>
      tpu.vector_store %arg9[%swap3A_567, %swap3A_568], %add3A_566 {strides = array<i32>} : memref<16x1000xf32, #tpu.memory_space<vmem>>, vector<1x1000xf32>,
    } else {
    }
    %gt3A_354 = arith.constant 0.866666734 : f32
    %gt3A_355 = arith.cmpf ogt, %div3A_293, %gt3A_354 : f32
    %convert_element_type3A_356 = arith.extui %gt3A_355 : i1 to i32
    %cond3A_357 = arith.constant 0 : i32
    %cond3A_358 = arith.cmpi ne, %convert_element_type3A_356, %cond3A_357 : i32
    scf.if %cond3A_358 {
      %gt3A_545 = arith.constant 0.866666734 : f32
      %gt3A_546 = vector.broadcast %gt3A_545 : f32 to vector<256x1000xf32>
      %gt3A_547 = arith.cmpf ogt, %div3A_273, %gt3A_546 : vector<256x1000xf32>
      %convert_element_type3A_548 = arith.extui %gt3A_547 : vector<256x1000xi1> to vector<256x1000xi32>
      %convert_element_type3A_549 = arith.sitofp %convert_element_type3A_548 : vector<256x1000xi32> to vector<256x1000xf32>
      %get3A_550 = arith.constant 13 : index
      %get3A_551 = arith.constant 0 : index
      %get3A_552 = vector.load %arg8[%get3A_550, %get3A_551] : memref<16x1000xf32, #tpu.memory_space<vmem>>, vector<1x1000xf32>
      %reduce_sum3A_553 = arith.constant dense<0.000000e+00> : vector<1000xf32>
      %reduce_sum3A_554 = vector.multi_reduction <add>, %convert_element_type3A_549, %reduce_sum3A_553 [0] : vector<256x1000xf32> to vector<1000xf32>
      %broadcast_in_dim3A_555 = vector.shape_cast %reduce_sum3A_554 : vector<1000xf32> to vector<1x1000xf32>
      %add3A_556 = arith.addf %get3A_552, %broadcast_in_dim3A_555 : vector<1x1000xf32>
      %swap3A_557 = arith.constant 13 : index
      %swap3A_558 = arith.constant 0 : index
      %swap3A_559 = vector.load %arg8[%swap3A_557, %swap3A_558] : memref<16x1000xf32, #tpu.memory_space<vmem>>, vector<1x1000xf32>
      tpu.vector_store %arg8[%swap3A_557, %swap3A_558], %add3A_556 {strides = array<i32>} : memref<16x1000xf32, #tpu.memory_space<vmem>>, vector<1x1000xf32>,
      %get3A_560 = arith.constant 13 : index
      %get3A_561 = arith.constant 0 : index
      %get3A_562 = vector.load %arg9[%get3A_560, %get3A_561] : memref<16x1000xf32, #tpu.memory_space<vmem>>, vector<1x1000xf32>
      %mul3A = arith.mulf %div3A_273, %convert_element_type3A_549 : vector<256x1000xf32>
      %reduce_sum3A_563 = arith.constant dense<0.000000e+00> : vector<1000xf32>
      %reduce_sum3A_564 = vector.multi_reduction <add>, %mul3A, %reduce_sum3A_563 [0] : vector<256x1000xf32> to vector<1000xf32>
      %broadcast_in_dim3A_565 = vector.shape_cast %reduce_sum3A_564 : vector<1000xf32> to vector<1x1000xf32>
      %add3A_566 = arith.addf %get3A_562, %broadcast_in_dim3A_565 : vector<1x1000xf32>
      %swap3A_567 = arith.constant 13 : index
      %swap3A_568 = arith.constant 0 : index
      %swap3A_569 = vector.load %arg9[%swap3A_567, %swap3A_568] : memref<16x1000xf32, #tpu.memory_space<vmem>>, vector<1x1000xf32>
      tpu.vector_store %arg9[%swap3A_567, %swap3A_568], %add3A_566 {strides = array<i32>} : memref<16x1000xf32, #tpu.memory_space<vmem>>, vector<1x1000xf32>,
    } else {
    }
    %gt3A_359 = arith.constant 0.933333396 : f32
    %gt3A_360 = arith.cmpf ogt, %div3A_293, %gt3A_359 : f32
    %convert_element_type3A_361 = arith.extui %gt3A_360 : i1 to i32
    %cond3A_362 = arith.constant 0 : i32
    %cond3A_363 = arith.cmpi ne, %convert_element_type3A_361, %cond3A_362 : i32
    scf.if %cond3A_363 {
      %gt3A_545 = arith.constant 0.933333396 : f32
      %gt3A_546 = vector.broadcast %gt3A_545 : f32 to vector<256x1000xf32>
      %gt3A_547 = arith.cmpf ogt, %div3A_273, %gt3A_546 : vector<256x1000xf32>
      %convert_element_type3A_548 = arith.extui %gt3A_547 : vector<256x1000xi1> to vector<256x1000xi32>
      %convert_element_type3A_549 = arith.sitofp %convert_element_type3A_548 : vector<256x1000xi32> to vector<256x1000xf32>
      %get3A_550 = arith.constant 14 : index
      %get3A_551 = arith.constant 0 : index
      %get3A_552 = vector.load %arg8[%get3A_550, %get3A_551] : memref<16x1000xf32, #tpu.memory_space<vmem>>, vector<1x1000xf32>
      %reduce_sum3A_553 = arith.constant dense<0.000000e+00> : vector<1000xf32>
      %reduce_sum3A_554 = vector.multi_reduction <add>, %convert_element_type3A_549, %reduce_sum3A_553 [0] : vector<256x1000xf32> to vector<1000xf32>
      %broadcast_in_dim3A_555 = vector.shape_cast %reduce_sum3A_554 : vector<1000xf32> to vector<1x1000xf32>
      %add3A_556 = arith.addf %get3A_552, %broadcast_in_dim3A_555 : vector<1x1000xf32>
      %swap3A_557 = arith.constant 14 : index
      %swap3A_558 = arith.constant 0 : index
      %swap3A_559 = vector.load %arg8[%swap3A_557, %swap3A_558] : memref<16x1000xf32, #tpu.memory_space<vmem>>, vector<1x1000xf32>
      tpu.vector_store %arg8[%swap3A_557, %swap3A_558], %add3A_556 {strides = array<i32>} : memref<16x1000xf32, #tpu.memory_space<vmem>>, vector<1x1000xf32>,
      %get3A_560 = arith.constant 14 : index
      %get3A_561 = arith.constant 0 : index
      %get3A_562 = vector.load %arg9[%get3A_560, %get3A_561] : memref<16x1000xf32, #tpu.memory_space<vmem>>, vector<1x1000xf32>
      %mul3A = arith.mulf %div3A_273, %convert_element_type3A_549 : vector<256x1000xf32>
      %reduce_sum3A_563 = arith.constant dense<0.000000e+00> : vector<1000xf32>
      %reduce_sum3A_564 = vector.multi_reduction <add>, %mul3A, %reduce_sum3A_563 [0] : vector<256x1000xf32> to vector<1000xf32>
      %broadcast_in_dim3A_565 = vector.shape_cast %reduce_sum3A_564 : vector<1000xf32> to vector<1x1000xf32>
      %add3A_566 = arith.addf %get3A_562, %broadcast_in_dim3A_565 : vector<1x1000xf32>
      %swap3A_567 = arith.constant 14 : index
      %swap3A_568 = arith.constant 0 : index
      %swap3A_569 = vector.load %arg9[%swap3A_567, %swap3A_568] : memref<16x1000xf32, #tpu.memory_space<vmem>>, vector<1x1000xf32>
      tpu.vector_store %arg9[%swap3A_567, %swap3A_568], %add3A_566 {strides = array<i32>} : memref<16x1000xf32, #tpu.memory_space<vmem>>, vector<1x1000xf32>,
    } else {
    }
    %slice3A_364 = vector.extract_strided_slice %reshape3A {offsets = [512, 0], sizes = [256, 1], strides = [1, 1]} : vector<1024x1xi32> to vector<256x1xi32>
    %eq3A_365 = vector.broadcast %slice3A_364 : vector<256x1xi32> to vector<256x1000xi32>
    %eq3A_366 = vector.broadcast %iota3A : vector<1x1000xi32> to vector<256x1000xi32>
    %eq3A_367 = arith.cmpi eq, %eq3A_365, %eq3A_366 : vector<256x1000xi32>
    %convert_element_type3A_368 = arith.extui %eq3A_367 : vector<256x1000xi1> to vector<256x1000xi32>
    %convert_element_type3A_369 = arith.sitofp %convert_element_type3A_368 : vector<256x1000xi32> to vector<256x1000xf32>
    %slice3A_370 = vector.extract_strided_slice %reshape3A_9 {offsets = [512, 0], sizes = [256, 1], strides = [1, 1]} : vector<1024x1xf32> to vector<256x1xf32>
    %sub3A_371 = arith.subf %slice3A_370, %broadcast_in_dim3A_265 : vector<256x1xf32>
    %exp3A_372 = math.exp %sub3A_371 : vector<256x1xf32>
    %div3A_373 = arith.divf %exp3A_372, %broadcast_in_dim3A_271 : vector<256x1xf32>
    %get3A_374 = arith.constant 0 : index
    %get3A_375 = arith.constant 0 : index
    %get3A_376 = vector.load %arg3[%get3A_374, %get3A_375] : memref<1x16xf32, #tpu.memory_space<vmem>>, vector<1x16xf32>
    %gt3A_377 = vector.broadcast %div3A_373 : vector<256x1xf32> to vector<256x16xf32>
    %gt3A_378 = vector.broadcast %get3A_376 : vector<1x16xf32> to vector<256x16xf32>
    %gt3A_379 = arith.cmpf ogt, %gt3A_377, %gt3A_378 : vector<256x16xf32>
    %get3A_380 = arith.constant 0 : index
    %get3A_381 = arith.constant 0 : index
    %get3A_382 = vector.load %arg4[%get3A_380, %get3A_381] : memref<1x16xf32, #tpu.memory_space<vmem>>, vector<1x16xf32>
    %le3A_383 = vector.broadcast %div3A_373 : vector<256x1xf32> to vector<256x16xf32>
    %le3A_384 = vector.broadcast %get3A_382 : vector<1x16xf32> to vector<256x16xf32>
    %le3A_385 = arith.cmpf ole, %le3A_383, %le3A_384 : vector<256x16xf32>
    %and3A_386 = arith.andi %gt3A_379, %le3A_385 : vector<256x16xi1>
    %convert_element_type3A_387 = arith.extui %and3A_386 : vector<256x16xi1> to vector<256x16xi32>
    %convert_element_type3A_388 = arith.sitofp %convert_element_type3A_387 : vector<256x16xi32> to vector<256x16xf32>
    %get3A_389 = arith.constant 768 : index
    %get3A_390 = arith.constant 0 : index
    %get3A_391 = vector.load %arg5[%get3A_389, %get3A_390] : memref<1024x1000xf32, #tpu.memory_space<vmem>>, vector<256x1000xf32>
    %reduce_max3A_392 = arith.constant dense<0xFF800000> : vector<256xf32>
    %reduce_max3A_393 = vector.multi_reduction <maximumf>, %get3A_391, %reduce_max3A_392 [1] : vector<256x1000xf32> to vector<256xf32>
    %broadcast_in_dim3A_394 = vector.shape_cast %reduce_max3A_393 : vector<256xf32> to vector<256x1xf32>
    %sub3A_395 = vector.broadcast %broadcast_in_dim3A_394 : vector<256x1xf32> to vector<256x1000xf32>
    %sub3A_396 = arith.subf %get3A_391, %sub3A_395 : vector<256x1000xf32>
    %exp3A_397 = math.exp %sub3A_396 : vector<256x1000xf32>
    %reduce_sum3A_398 = arith.constant dense<0.000000e+00> : vector<256xf32>
    %reduce_sum3A_399 = vector.multi_reduction <add>, %exp3A_397, %reduce_sum3A_398 [1] : vector<256x1000xf32> to vector<256xf32>
    %broadcast_in_dim3A_400 = vector.shape_cast %reduce_sum3A_399 : vector<256xf32> to vector<256x1xf32>
    %div3A_401 = vector.broadcast %broadcast_in_dim3A_400 : vector<256x1xf32> to vector<256x1000xf32>
    %div3A_402 = arith.divf %exp3A_397, %div3A_401 : vector<256x1000xf32>
    %gt3A_403 = arith.constant 0.000000e+00 : f32
    %gt3A_404 = vector.broadcast %gt3A_403 : f32 to vector<256x1000xf32>
    %gt3A_405 = arith.cmpf ogt, %div3A_402, %gt3A_404 : vector<256x1000xf32>
    %convert_element_type3A_406 = arith.extui %gt3A_405 : vector<256x1000xi1> to vector<256x1000xi32>
    %convert_element_type3A_407 = arith.sitofp %convert_element_type3A_406 : vector<256x1000xi32> to vector<256x1000xf32>
    %reduce_sum3A_408 = arith.constant dense<0.000000e+00> : vector<1000xf32>
    %reduce_sum3A_409 = vector.multi_reduction <add>, %convert_element_type3A_407, %reduce_sum3A_408 [0] : vector<256x1000xf32> to vector<1000xf32>
    %broadcast_in_dim3A_410 = vector.shape_cast %reduce_sum3A_409 : vector<1000xf32> to vector<1x1000xf32>
    %add3A_411 = arith.addf %add3A_282, %broadcast_in_dim3A_410 : vector<1x1000xf32>
    %reduce_sum3A_412 = arith.constant dense<0.000000e+00> : vector<1000xf32>
    %reduce_sum3A_413 = vector.multi_reduction <add>, %div3A_402, %reduce_sum3A_412 [0] : vector<256x1000xf32> to vector<1000xf32>
    %broadcast_in_dim3A_414 = vector.shape_cast %reduce_sum3A_413 : vector<1000xf32> to vector<1x1000xf32>
    %add3A_415 = arith.addf %add3A_286, %broadcast_in_dim3A_414 : vector<1x1000xf32>
    %reduce_min3A_416 = vector.shape_cast %broadcast_in_dim3A_400 : vector<256x1xf32> to vector<1x256x1xf32>
    %reduce_min3A_417 = arith.constant dense<0x7F800000> : vector<1xf32>
    %reduce_min3A_418 = vector.multi_reduction <minimumf>, %reduce_min3A_416, %reduce_min3A_417 [1, 2] : vector<1x256x1xf32> to vector<1xf32>
    %reduce_min3A_419 = vector.shape_cast %reduce_min3A_418 : vector<1xf32> to vector<1x1x1xf32>
    %reduce_min3A_420 = vector.extract %reduce_min3A_419[0, 0, 0] : f32 from vector<1x1x1xf32>
    %div3A_421 = arith.constant 1.000000e+00 : f32
    %div3A_422 = arith.divf %div3A_421, %reduce_min3A_420 : f32
    %gt3A_423 = arith.constant 0.0666666701 : f32
    %gt3A_424 = arith.cmpf ogt, %div3A_422, %gt3A_423 : f32
    %convert_element_type3A_425 = arith.extui %gt3A_424 : i1 to i32
    %cond3A_426 = arith.constant 0 : i32
    %cond3A_427 = arith.cmpi ne, %convert_element_type3A_425, %cond3A_426 : i32
    scf.if %cond3A_427 {
      %gt3A_545 = arith.constant 0.0666666701 : f32
      %gt3A_546 = vector.broadcast %gt3A_545 : f32 to vector<256x1000xf32>
      %gt3A_547 = arith.cmpf ogt, %div3A_402, %gt3A_546 : vector<256x1000xf32>
      %convert_element_type3A_548 = arith.extui %gt3A_547 : vector<256x1000xi1> to vector<256x1000xi32>
      %convert_element_type3A_549 = arith.sitofp %convert_element_type3A_548 : vector<256x1000xi32> to vector<256x1000xf32>
      %get3A_550 = arith.constant 1 : index
      %get3A_551 = arith.constant 0 : index
      %get3A_552 = vector.load %arg8[%get3A_550, %get3A_551] : memref<16x1000xf32, #tpu.memory_space<vmem>>, vector<1x1000xf32>
      %reduce_sum3A_553 = arith.constant dense<0.000000e+00> : vector<1000xf32>
      %reduce_sum3A_554 = vector.multi_reduction <add>, %convert_element_type3A_549, %reduce_sum3A_553 [0] : vector<256x1000xf32> to vector<1000xf32>
      %broadcast_in_dim3A_555 = vector.shape_cast %reduce_sum3A_554 : vector<1000xf32> to vector<1x1000xf32>
      %add3A_556 = arith.addf %get3A_552, %broadcast_in_dim3A_555 : vector<1x1000xf32>
      %swap3A_557 = arith.constant 1 : index
      %swap3A_558 = arith.constant 0 : index
      %swap3A_559 = vector.load %arg8[%swap3A_557, %swap3A_558] : memref<16x1000xf32, #tpu.memory_space<vmem>>, vector<1x1000xf32>
      tpu.vector_store %arg8[%swap3A_557, %swap3A_558], %add3A_556 {strides = array<i32>} : memref<16x1000xf32, #tpu.memory_space<vmem>>, vector<1x1000xf32>,
      %get3A_560 = arith.constant 1 : index
      %get3A_561 = arith.constant 0 : index
      %get3A_562 = vector.load %arg9[%get3A_560, %get3A_561] : memref<16x1000xf32, #tpu.memory_space<vmem>>, vector<1x1000xf32>
      %mul3A = arith.mulf %div3A_402, %convert_element_type3A_549 : vector<256x1000xf32>
      %reduce_sum3A_563 = arith.constant dense<0.000000e+00> : vector<1000xf32>
      %reduce_sum3A_564 = vector.multi_reduction <add>, %mul3A, %reduce_sum3A_563 [0] : vector<256x1000xf32> to vector<1000xf32>
      %broadcast_in_dim3A_565 = vector.shape_cast %reduce_sum3A_564 : vector<1000xf32> to vector<1x1000xf32>
      %add3A_566 = arith.addf %get3A_562, %broadcast_in_dim3A_565 : vector<1x1000xf32>
      %swap3A_567 = arith.constant 1 : index
      %swap3A_568 = arith.constant 0 : index
      %swap3A_569 = vector.load %arg9[%swap3A_567, %swap3A_568] : memref<16x1000xf32, #tpu.memory_space<vmem>>, vector<1x1000xf32>
      tpu.vector_store %arg9[%swap3A_567, %swap3A_568], %add3A_566 {strides = array<i32>} : memref<16x1000xf32, #tpu.memory_space<vmem>>, vector<1x1000xf32>,
    } else {
    }
    %gt3A_428 = arith.constant 0.13333334 : f32
    %gt3A_429 = arith.cmpf ogt, %div3A_422, %gt3A_428 : f32
    %convert_element_type3A_430 = arith.extui %gt3A_429 : i1 to i32
    %cond3A_431 = arith.constant 0 : i32
    %cond3A_432 = arith.cmpi ne, %convert_element_type3A_430, %cond3A_431 : i32
    scf.if %cond3A_432 {
      %gt3A_545 = arith.constant 0.13333334 : f32
      %gt3A_546 = vector.broadcast %gt3A_545 : f32 to vector<256x1000xf32>
      %gt3A_547 = arith.cmpf ogt, %div3A_402, %gt3A_546 : vector<256x1000xf32>
      %convert_element_type3A_548 = arith.extui %gt3A_547 : vector<256x1000xi1> to vector<256x1000xi32>
      %convert_element_type3A_549 = arith.sitofp %convert_element_type3A_548 : vector<256x1000xi32> to vector<256x1000xf32>
      %get3A_550 = arith.constant 2 : index
      %get3A_551 = arith.constant 0 : index
      %get3A_552 = vector.load %arg8[%get3A_550, %get3A_551] : memref<16x1000xf32, #tpu.memory_space<vmem>>, vector<1x1000xf32>
      %reduce_sum3A_553 = arith.constant dense<0.000000e+00> : vector<1000xf32>
      %reduce_sum3A_554 = vector.multi_reduction <add>, %convert_element_type3A_549, %reduce_sum3A_553 [0] : vector<256x1000xf32> to vector<1000xf32>
      %broadcast_in_dim3A_555 = vector.shape_cast %reduce_sum3A_554 : vector<1000xf32> to vector<1x1000xf32>
      %add3A_556 = arith.addf %get3A_552, %broadcast_in_dim3A_555 : vector<1x1000xf32>
      %swap3A_557 = arith.constant 2 : index
      %swap3A_558 = arith.constant 0 : index
      %swap3A_559 = vector.load %arg8[%swap3A_557, %swap3A_558] : memref<16x1000xf32, #tpu.memory_space<vmem>>, vector<1x1000xf32>
      tpu.vector_store %arg8[%swap3A_557, %swap3A_558], %add3A_556 {strides = array<i32>} : memref<16x1000xf32, #tpu.memory_space<vmem>>, vector<1x1000xf32>,
      %get3A_560 = arith.constant 2 : index
      %get3A_561 = arith.constant 0 : index
      %get3A_562 = vector.load %arg9[%get3A_560, %get3A_561] : memref<16x1000xf32, #tpu.memory_space<vmem>>, vector<1x1000xf32>
      %mul3A = arith.mulf %div3A_402, %convert_element_type3A_549 : vector<256x1000xf32>
      %reduce_sum3A_563 = arith.constant dense<0.000000e+00> : vector<1000xf32>
      %reduce_sum3A_564 = vector.multi_reduction <add>, %mul3A, %reduce_sum3A_563 [0] : vector<256x1000xf32> to vector<1000xf32>
      %broadcast_in_dim3A_565 = vector.shape_cast %reduce_sum3A_564 : vector<1000xf32> to vector<1x1000xf32>
      %add3A_566 = arith.addf %get3A_562, %broadcast_in_dim3A_565 : vector<1x1000xf32>
      %swap3A_567 = arith.constant 2 : index
      %swap3A_568 = arith.constant 0 : index
      %swap3A_569 = vector.load %arg9[%swap3A_567, %swap3A_568] : memref<16x1000xf32, #tpu.memory_space<vmem>>, vector<1x1000xf32>
      tpu.vector_store %arg9[%swap3A_567, %swap3A_568], %add3A_566 {strides = array<i32>} : memref<16x1000xf32, #tpu.memory_space<vmem>>, vector<1x1000xf32>,
    } else {
    }
    %gt3A_433 = arith.constant 0.200000018 : f32
    %gt3A_434 = arith.cmpf ogt, %div3A_422, %gt3A_433 : f32
    %convert_element_type3A_435 = arith.extui %gt3A_434 : i1 to i32
    %cond3A_436 = arith.constant 0 : i32
    %cond3A_437 = arith.cmpi ne, %convert_element_type3A_435, %cond3A_436 : i32
    scf.if %cond3A_437 {
      %gt3A_545 = arith.constant 0.200000018 : f32
      %gt3A_546 = vector.broadcast %gt3A_545 : f32 to vector<256x1000xf32>
      %gt3A_547 = arith.cmpf ogt, %div3A_402, %gt3A_546 : vector<256x1000xf32>
      %convert_element_type3A_548 = arith.extui %gt3A_547 : vector<256x1000xi1> to vector<256x1000xi32>
      %convert_element_type3A_549 = arith.sitofp %convert_element_type3A_548 : vector<256x1000xi32> to vector<256x1000xf32>
      %get3A_550 = arith.constant 3 : index
      %get3A_551 = arith.constant 0 : index
      %get3A_552 = vector.load %arg8[%get3A_550, %get3A_551] : memref<16x1000xf32, #tpu.memory_space<vmem>>, vector<1x1000xf32>
      %reduce_sum3A_553 = arith.constant dense<0.000000e+00> : vector<1000xf32>
      %reduce_sum3A_554 = vector.multi_reduction <add>, %convert_element_type3A_549, %reduce_sum3A_553 [0] : vector<256x1000xf32> to vector<1000xf32>
      %broadcast_in_dim3A_555 = vector.shape_cast %reduce_sum3A_554 : vector<1000xf32> to vector<1x1000xf32>
      %add3A_556 = arith.addf %get3A_552, %broadcast_in_dim3A_555 : vector<1x1000xf32>
      %swap3A_557 = arith.constant 3 : index
      %swap3A_558 = arith.constant 0 : index
      %swap3A_559 = vector.load %arg8[%swap3A_557, %swap3A_558] : memref<16x1000xf32, #tpu.memory_space<vmem>>, vector<1x1000xf32>
      tpu.vector_store %arg8[%swap3A_557, %swap3A_558], %add3A_556 {strides = array<i32>} : memref<16x1000xf32, #tpu.memory_space<vmem>>, vector<1x1000xf32>,
      %get3A_560 = arith.constant 3 : index
      %get3A_561 = arith.constant 0 : index
      %get3A_562 = vector.load %arg9[%get3A_560, %get3A_561] : memref<16x1000xf32, #tpu.memory_space<vmem>>, vector<1x1000xf32>
      %mul3A = arith.mulf %div3A_402, %convert_element_type3A_549 : vector<256x1000xf32>
      %reduce_sum3A_563 = arith.constant dense<0.000000e+00> : vector<1000xf32>
      %reduce_sum3A_564 = vector.multi_reduction <add>, %mul3A, %reduce_sum3A_563 [0] : vector<256x1000xf32> to vector<1000xf32>
      %broadcast_in_dim3A_565 = vector.shape_cast %reduce_sum3A_564 : vector<1000xf32> to vector<1x1000xf32>
      %add3A_566 = arith.addf %get3A_562, %broadcast_in_dim3A_565 : vector<1x1000xf32>
      %swap3A_567 = arith.constant 3 : index
      %swap3A_568 = arith.constant 0 : index
      %swap3A_569 = vector.load %arg9[%swap3A_567, %swap3A_568] : memref<16x1000xf32, #tpu.memory_space<vmem>>, vector<1x1000xf32>
      tpu.vector_store %arg9[%swap3A_567, %swap3A_568], %add3A_566 {strides = array<i32>} : memref<16x1000xf32, #tpu.memory_space<vmem>>, vector<1x1000xf32>,
    } else {
    }
    %gt3A_438 = arith.constant 0.266666681 : f32
    %gt3A_439 = arith.cmpf ogt, %div3A_422, %gt3A_438 : f32
    %convert_element_type3A_440 = arith.extui %gt3A_439 : i1 to i32
    %cond3A_441 = arith.constant 0 : i32
    %cond3A_442 = arith.cmpi ne, %convert_element_type3A_440, %cond3A_441 : i32
    scf.if %cond3A_442 {
      %gt3A_545 = arith.constant 0.266666681 : f32
      %gt3A_546 = vector.broadcast %gt3A_545 : f32 to vector<256x1000xf32>
      %gt3A_547 = arith.cmpf ogt, %div3A_402, %gt3A_546 : vector<256x1000xf32>
      %convert_element_type3A_548 = arith.extui %gt3A_547 : vector<256x1000xi1> to vector<256x1000xi32>
      %convert_element_type3A_549 = arith.sitofp %convert_element_type3A_548 : vector<256x1000xi32> to vector<256x1000xf32>
      %get3A_550 = arith.constant 4 : index
      %get3A_551 = arith.constant 0 : index
      %get3A_552 = vector.load %arg8[%get3A_550, %get3A_551] : memref<16x1000xf32, #tpu.memory_space<vmem>>, vector<1x1000xf32>
      %reduce_sum3A_553 = arith.constant dense<0.000000e+00> : vector<1000xf32>
      %reduce_sum3A_554 = vector.multi_reduction <add>, %convert_element_type3A_549, %reduce_sum3A_553 [0] : vector<256x1000xf32> to vector<1000xf32>
      %broadcast_in_dim3A_555 = vector.shape_cast %reduce_sum3A_554 : vector<1000xf32> to vector<1x1000xf32>
      %add3A_556 = arith.addf %get3A_552, %broadcast_in_dim3A_555 : vector<1x1000xf32>
      %swap3A_557 = arith.constant 4 : index
      %swap3A_558 = arith.constant 0 : index
      %swap3A_559 = vector.load %arg8[%swap3A_557, %swap3A_558] : memref<16x1000xf32, #tpu.memory_space<vmem>>, vector<1x1000xf32>
      tpu.vector_store %arg8[%swap3A_557, %swap3A_558], %add3A_556 {strides = array<i32>} : memref<16x1000xf32, #tpu.memory_space<vmem>>, vector<1x1000xf32>,
      %get3A_560 = arith.constant 4 : index
      %get3A_561 = arith.constant 0 : index
      %get3A_562 = vector.load %arg9[%get3A_560, %get3A_561] : memref<16x1000xf32, #tpu.memory_space<vmem>>, vector<1x1000xf32>
      %mul3A = arith.mulf %div3A_402, %convert_element_type3A_549 : vector<256x1000xf32>
      %reduce_sum3A_563 = arith.constant dense<0.000000e+00> : vector<1000xf32>
      %reduce_sum3A_564 = vector.multi_reduction <add>, %mul3A, %reduce_sum3A_563 [0] : vector<256x1000xf32> to vector<1000xf32>
      %broadcast_in_dim3A_565 = vector.shape_cast %reduce_sum3A_564 : vector<1000xf32> to vector<1x1000xf32>
      %add3A_566 = arith.addf %get3A_562, %broadcast_in_dim3A_565 : vector<1x1000xf32>
      %swap3A_567 = arith.constant 4 : index
      %swap3A_568 = arith.constant 0 : index
      %swap3A_569 = vector.load %arg9[%swap3A_567, %swap3A_568] : memref<16x1000xf32, #tpu.memory_space<vmem>>, vector<1x1000xf32>
      tpu.vector_store %arg9[%swap3A_567, %swap3A_568], %add3A_566 {strides = array<i32>} : memref<16x1000xf32, #tpu.memory_space<vmem>>, vector<1x1000xf32>,
    } else {
    }
    %gt3A_443 = arith.constant 0.333333343 : f32
    %gt3A_444 = arith.cmpf ogt, %div3A_422, %gt3A_443 : f32
    %convert_element_type3A_445 = arith.extui %gt3A_444 : i1 to i32
    %cond3A_446 = arith.constant 0 : i32
    %cond3A_447 = arith.cmpi ne, %convert_element_type3A_445, %cond3A_446 : i32
    scf.if %cond3A_447 {
      %gt3A_545 = arith.constant 0.333333343 : f32
      %gt3A_546 = vector.broadcast %gt3A_545 : f32 to vector<256x1000xf32>
      %gt3A_547 = arith.cmpf ogt, %div3A_402, %gt3A_546 : vector<256x1000xf32>
      %convert_element_type3A_548 = arith.extui %gt3A_547 : vector<256x1000xi1> to vector<256x1000xi32>
      %convert_element_type3A_549 = arith.sitofp %convert_element_type3A_548 : vector<256x1000xi32> to vector<256x1000xf32>
      %get3A_550 = arith.constant 5 : index
      %get3A_551 = arith.constant 0 : index
      %get3A_552 = vector.load %arg8[%get3A_550, %get3A_551] : memref<16x1000xf32, #tpu.memory_space<vmem>>, vector<1x1000xf32>
      %reduce_sum3A_553 = arith.constant dense<0.000000e+00> : vector<1000xf32>
      %reduce_sum3A_554 = vector.multi_reduction <add>, %convert_element_type3A_549, %reduce_sum3A_553 [0] : vector<256x1000xf32> to vector<1000xf32>
      %broadcast_in_dim3A_555 = vector.shape_cast %reduce_sum3A_554 : vector<1000xf32> to vector<1x1000xf32>
      %add3A_556 = arith.addf %get3A_552, %broadcast_in_dim3A_555 : vector<1x1000xf32>
      %swap3A_557 = arith.constant 5 : index
      %swap3A_558 = arith.constant 0 : index
      %swap3A_559 = vector.load %arg8[%swap3A_557, %swap3A_558] : memref<16x1000xf32, #tpu.memory_space<vmem>>, vector<1x1000xf32>
      tpu.vector_store %arg8[%swap3A_557, %swap3A_558], %add3A_556 {strides = array<i32>} : memref<16x1000xf32, #tpu.memory_space<vmem>>, vector<1x1000xf32>,
      %get3A_560 = arith.constant 5 : index
      %get3A_561 = arith.constant 0 : index
      %get3A_562 = vector.load %arg9[%get3A_560, %get3A_561] : memref<16x1000xf32, #tpu.memory_space<vmem>>, vector<1x1000xf32>
      %mul3A = arith.mulf %div3A_402, %convert_element_type3A_549 : vector<256x1000xf32>
      %reduce_sum3A_563 = arith.constant dense<0.000000e+00> : vector<1000xf32>
      %reduce_sum3A_564 = vector.multi_reduction <add>, %mul3A, %reduce_sum3A_563 [0] : vector<256x1000xf32> to vector<1000xf32>
      %broadcast_in_dim3A_565 = vector.shape_cast %reduce_sum3A_564 : vector<1000xf32> to vector<1x1000xf32>
      %add3A_566 = arith.addf %get3A_562, %broadcast_in_dim3A_565 : vector<1x1000xf32>
      %swap3A_567 = arith.constant 5 : index
      %swap3A_568 = arith.constant 0 : index
      %swap3A_569 = vector.load %arg9[%swap3A_567, %swap3A_568] : memref<16x1000xf32, #tpu.memory_space<vmem>>, vector<1x1000xf32>
      tpu.vector_store %arg9[%swap3A_567, %swap3A_568], %add3A_566 {strides = array<i32>} : memref<16x1000xf32, #tpu.memory_space<vmem>>, vector<1x1000xf32>,
    } else {
    }
    %gt3A_448 = arith.constant 0.400000036 : f32
    %gt3A_449 = arith.cmpf ogt, %div3A_422, %gt3A_448 : f32
    %convert_element_type3A_450 = arith.extui %gt3A_449 : i1 to i32
    %cond3A_451 = arith.constant 0 : i32
    %cond3A_452 = arith.cmpi ne, %convert_element_type3A_450, %cond3A_451 : i32
    scf.if %cond3A_452 {
      %gt3A_545 = arith.constant 0.400000036 : f32
      %gt3A_546 = vector.broadcast %gt3A_545 : f32 to vector<256x1000xf32>
      %gt3A_547 = arith.cmpf ogt, %div3A_402, %gt3A_546 : vector<256x1000xf32>
      %convert_element_type3A_548 = arith.extui %gt3A_547 : vector<256x1000xi1> to vector<256x1000xi32>
      %convert_element_type3A_549 = arith.sitofp %convert_element_type3A_548 : vector<256x1000xi32> to vector<256x1000xf32>
      %get3A_550 = arith.constant 6 : index
      %get3A_551 = arith.constant 0 : index
      %get3A_552 = vector.load %arg8[%get3A_550, %get3A_551] : memref<16x1000xf32, #tpu.memory_space<vmem>>, vector<1x1000xf32>
      %reduce_sum3A_553 = arith.constant dense<0.000000e+00> : vector<1000xf32>
      %reduce_sum3A_554 = vector.multi_reduction <add>, %convert_element_type3A_549, %reduce_sum3A_553 [0] : vector<256x1000xf32> to vector<1000xf32>
      %broadcast_in_dim3A_555 = vector.shape_cast %reduce_sum3A_554 : vector<1000xf32> to vector<1x1000xf32>
      %add3A_556 = arith.addf %get3A_552, %broadcast_in_dim3A_555 : vector<1x1000xf32>
      %swap3A_557 = arith.constant 6 : index
      %swap3A_558 = arith.constant 0 : index
      %swap3A_559 = vector.load %arg8[%swap3A_557, %swap3A_558] : memref<16x1000xf32, #tpu.memory_space<vmem>>, vector<1x1000xf32>
      tpu.vector_store %arg8[%swap3A_557, %swap3A_558], %add3A_556 {strides = array<i32>} : memref<16x1000xf32, #tpu.memory_space<vmem>>, vector<1x1000xf32>,
      %get3A_560 = arith.constant 6 : index
      %get3A_561 = arith.constant 0 : index
      %get3A_562 = vector.load %arg9[%get3A_560, %get3A_561] : memref<16x1000xf32, #tpu.memory_space<vmem>>, vector<1x1000xf32>
      %mul3A = arith.mulf %div3A_402, %convert_element_type3A_549 : vector<256x1000xf32>
      %reduce_sum3A_563 = arith.constant dense<0.000000e+00> : vector<1000xf32>
      %reduce_sum3A_564 = vector.multi_reduction <add>, %mul3A, %reduce_sum3A_563 [0] : vector<256x1000xf32> to vector<1000xf32>
      %broadcast_in_dim3A_565 = vector.shape_cast %reduce_sum3A_564 : vector<1000xf32> to vector<1x1000xf32>
      %add3A_566 = arith.addf %get3A_562, %broadcast_in_dim3A_565 : vector<1x1000xf32>
      %swap3A_567 = arith.constant 6 : index
      %swap3A_568 = arith.constant 0 : index
      %swap3A_569 = vector.load %arg9[%swap3A_567, %swap3A_568] : memref<16x1000xf32, #tpu.memory_space<vmem>>, vector<1x1000xf32>
      tpu.vector_store %arg9[%swap3A_567, %swap3A_568], %add3A_566 {strides = array<i32>} : memref<16x1000xf32, #tpu.memory_space<vmem>>, vector<1x1000xf32>,
    } else {
    }
    %gt3A_453 = arith.constant 0.466666698 : f32
    %gt3A_454 = arith.cmpf ogt, %div3A_422, %gt3A_453 : f32
    %convert_element_type3A_455 = arith.extui %gt3A_454 : i1 to i32
    %cond3A_456 = arith.constant 0 : i32
    %cond3A_457 = arith.cmpi ne, %convert_element_type3A_455, %cond3A_456 : i32
    scf.if %cond3A_457 {
      %gt3A_545 = arith.constant 0.466666698 : f32
      %gt3A_546 = vector.broadcast %gt3A_545 : f32 to vector<256x1000xf32>
      %gt3A_547 = arith.cmpf ogt, %div3A_402, %gt3A_546 : vector<256x1000xf32>
      %convert_element_type3A_548 = arith.extui %gt3A_547 : vector<256x1000xi1> to vector<256x1000xi32>
      %convert_element_type3A_549 = arith.sitofp %convert_element_type3A_548 : vector<256x1000xi32> to vector<256x1000xf32>
      %get3A_550 = arith.constant 7 : index
      %get3A_551 = arith.constant 0 : index
      %get3A_552 = vector.load %arg8[%get3A_550, %get3A_551] : memref<16x1000xf32, #tpu.memory_space<vmem>>, vector<1x1000xf32>
      %reduce_sum3A_553 = arith.constant dense<0.000000e+00> : vector<1000xf32>
      %reduce_sum3A_554 = vector.multi_reduction <add>, %convert_element_type3A_549, %reduce_sum3A_553 [0] : vector<256x1000xf32> to vector<1000xf32>
      %broadcast_in_dim3A_555 = vector.shape_cast %reduce_sum3A_554 : vector<1000xf32> to vector<1x1000xf32>
      %add3A_556 = arith.addf %get3A_552, %broadcast_in_dim3A_555 : vector<1x1000xf32>
      %swap3A_557 = arith.constant 7 : index
      %swap3A_558 = arith.constant 0 : index
      %swap3A_559 = vector.load %arg8[%swap3A_557, %swap3A_558] : memref<16x1000xf32, #tpu.memory_space<vmem>>, vector<1x1000xf32>
      tpu.vector_store %arg8[%swap3A_557, %swap3A_558], %add3A_556 {strides = array<i32>} : memref<16x1000xf32, #tpu.memory_space<vmem>>, vector<1x1000xf32>,
      %get3A_560 = arith.constant 7 : index
      %get3A_561 = arith.constant 0 : index
      %get3A_562 = vector.load %arg9[%get3A_560, %get3A_561] : memref<16x1000xf32, #tpu.memory_space<vmem>>, vector<1x1000xf32>
      %mul3A = arith.mulf %div3A_402, %convert_element_type3A_549 : vector<256x1000xf32>
      %reduce_sum3A_563 = arith.constant dense<0.000000e+00> : vector<1000xf32>
      %reduce_sum3A_564 = vector.multi_reduction <add>, %mul3A, %reduce_sum3A_563 [0] : vector<256x1000xf32> to vector<1000xf32>
      %broadcast_in_dim3A_565 = vector.shape_cast %reduce_sum3A_564 : vector<1000xf32> to vector<1x1000xf32>
      %add3A_566 = arith.addf %get3A_562, %broadcast_in_dim3A_565 : vector<1x1000xf32>
      %swap3A_567 = arith.constant 7 : index
      %swap3A_568 = arith.constant 0 : index
      %swap3A_569 = vector.load %arg9[%swap3A_567, %swap3A_568] : memref<16x1000xf32, #tpu.memory_space<vmem>>, vector<1x1000xf32>
      tpu.vector_store %arg9[%swap3A_567, %swap3A_568], %add3A_566 {strides = array<i32>} : memref<16x1000xf32, #tpu.memory_space<vmem>>, vector<1x1000xf32>,
    } else {
    }
    %gt3A_458 = arith.constant 0.533333361 : f32
    %gt3A_459 = arith.cmpf ogt, %div3A_422, %gt3A_458 : f32
    %convert_element_type3A_460 = arith.extui %gt3A_459 : i1 to i32
    %cond3A_461 = arith.constant 0 : i32
    %cond3A_462 = arith.cmpi ne, %convert_element_type3A_460, %cond3A_461 : i32
    scf.if %cond3A_462 {
      %gt3A_545 = arith.constant 0.533333361 : f32
      %gt3A_546 = vector.broadcast %gt3A_545 : f32 to vector<256x1000xf32>
      %gt3A_547 = arith.cmpf ogt, %div3A_402, %gt3A_546 : vector<256x1000xf32>
      %convert_element_type3A_548 = arith.extui %gt3A_547 : vector<256x1000xi1> to vector<256x1000xi32>
      %convert_element_type3A_549 = arith.sitofp %convert_element_type3A_548 : vector<256x1000xi32> to vector<256x1000xf32>
      %get3A_550 = arith.constant 8 : index
      %get3A_551 = arith.constant 0 : index
      %get3A_552 = vector.load %arg8[%get3A_550, %get3A_551] : memref<16x1000xf32, #tpu.memory_space<vmem>>, vector<1x1000xf32>
      %reduce_sum3A_553 = arith.constant dense<0.000000e+00> : vector<1000xf32>
      %reduce_sum3A_554 = vector.multi_reduction <add>, %convert_element_type3A_549, %reduce_sum3A_553 [0] : vector<256x1000xf32> to vector<1000xf32>
      %broadcast_in_dim3A_555 = vector.shape_cast %reduce_sum3A_554 : vector<1000xf32> to vector<1x1000xf32>
      %add3A_556 = arith.addf %get3A_552, %broadcast_in_dim3A_555 : vector<1x1000xf32>
      %swap3A_557 = arith.constant 8 : index
      %swap3A_558 = arith.constant 0 : index
      %swap3A_559 = vector.load %arg8[%swap3A_557, %swap3A_558] : memref<16x1000xf32, #tpu.memory_space<vmem>>, vector<1x1000xf32>
      tpu.vector_store %arg8[%swap3A_557, %swap3A_558], %add3A_556 {strides = array<i32>} : memref<16x1000xf32, #tpu.memory_space<vmem>>, vector<1x1000xf32>,
      %get3A_560 = arith.constant 8 : index
      %get3A_561 = arith.constant 0 : index
      %get3A_562 = vector.load %arg9[%get3A_560, %get3A_561] : memref<16x1000xf32, #tpu.memory_space<vmem>>, vector<1x1000xf32>
      %mul3A = arith.mulf %div3A_402, %convert_element_type3A_549 : vector<256x1000xf32>
      %reduce_sum3A_563 = arith.constant dense<0.000000e+00> : vector<1000xf32>
      %reduce_sum3A_564 = vector.multi_reduction <add>, %mul3A, %reduce_sum3A_563 [0] : vector<256x1000xf32> to vector<1000xf32>
      %broadcast_in_dim3A_565 = vector.shape_cast %reduce_sum3A_564 : vector<1000xf32> to vector<1x1000xf32>
      %add3A_566 = arith.addf %get3A_562, %broadcast_in_dim3A_565 : vector<1x1000xf32>
      %swap3A_567 = arith.constant 8 : index
      %swap3A_568 = arith.constant 0 : index
      %swap3A_569 = vector.load %arg9[%swap3A_567, %swap3A_568] : memref<16x1000xf32, #tpu.memory_space<vmem>>, vector<1x1000xf32>
      tpu.vector_store %arg9[%swap3A_567, %swap3A_568], %add3A_566 {strides = array<i32>} : memref<16x1000xf32, #tpu.memory_space<vmem>>, vector<1x1000xf32>,
    } else {
    }
    %gt3A_463 = arith.constant 6.000000e-01 : f32
    %gt3A_464 = arith.cmpf ogt, %div3A_422, %gt3A_463 : f32
    %convert_element_type3A_465 = arith.extui %gt3A_464 : i1 to i32
    %cond3A_466 = arith.constant 0 : i32
    %cond3A_467 = arith.cmpi ne, %convert_element_type3A_465, %cond3A_466 : i32
    scf.if %cond3A_467 {
      %gt3A_545 = arith.constant 6.000000e-01 : f32
      %gt3A_546 = vector.broadcast %gt3A_545 : f32 to vector<256x1000xf32>
      %gt3A_547 = arith.cmpf ogt, %div3A_402, %gt3A_546 : vector<256x1000xf32>
      %convert_element_type3A_548 = arith.extui %gt3A_547 : vector<256x1000xi1> to vector<256x1000xi32>
      %convert_element_type3A_549 = arith.sitofp %convert_element_type3A_548 : vector<256x1000xi32> to vector<256x1000xf32>
      %get3A_550 = arith.constant 9 : index
      %get3A_551 = arith.constant 0 : index
      %get3A_552 = vector.load %arg8[%get3A_550, %get3A_551] : memref<16x1000xf32, #tpu.memory_space<vmem>>, vector<1x1000xf32>
      %reduce_sum3A_553 = arith.constant dense<0.000000e+00> : vector<1000xf32>
      %reduce_sum3A_554 = vector.multi_reduction <add>, %convert_element_type3A_549, %reduce_sum3A_553 [0] : vector<256x1000xf32> to vector<1000xf32>
      %broadcast_in_dim3A_555 = vector.shape_cast %reduce_sum3A_554 : vector<1000xf32> to vector<1x1000xf32>
      %add3A_556 = arith.addf %get3A_552, %broadcast_in_dim3A_555 : vector<1x1000xf32>
      %swap3A_557 = arith.constant 9 : index
      %swap3A_558 = arith.constant 0 : index
      %swap3A_559 = vector.load %arg8[%swap3A_557, %swap3A_558] : memref<16x1000xf32, #tpu.memory_space<vmem>>, vector<1x1000xf32>
      tpu.vector_store %arg8[%swap3A_557, %swap3A_558], %add3A_556 {strides = array<i32>} : memref<16x1000xf32, #tpu.memory_space<vmem>>, vector<1x1000xf32>,
      %get3A_560 = arith.constant 9 : index
      %get3A_561 = arith.constant 0 : index
      %get3A_562 = vector.load %arg9[%get3A_560, %get3A_561] : memref<16x1000xf32, #tpu.memory_space<vmem>>, vector<1x1000xf32>
      %mul3A = arith.mulf %div3A_402, %convert_element_type3A_549 : vector<256x1000xf32>
      %reduce_sum3A_563 = arith.constant dense<0.000000e+00> : vector<1000xf32>
      %reduce_sum3A_564 = vector.multi_reduction <add>, %mul3A, %reduce_sum3A_563 [0] : vector<256x1000xf32> to vector<1000xf32>
      %broadcast_in_dim3A_565 = vector.shape_cast %reduce_sum3A_564 : vector<1000xf32> to vector<1x1000xf32>
      %add3A_566 = arith.addf %get3A_562, %broadcast_in_dim3A_565 : vector<1x1000xf32>
      %swap3A_567 = arith.constant 9 : index
      %swap3A_568 = arith.constant 0 : index
      %swap3A_569 = vector.load %arg9[%swap3A_567, %swap3A_568] : memref<16x1000xf32, #tpu.memory_space<vmem>>, vector<1x1000xf32>
      tpu.vector_store %arg9[%swap3A_567, %swap3A_568], %add3A_566 {strides = array<i32>} : memref<16x1000xf32, #tpu.memory_space<vmem>>, vector<1x1000xf32>,
    } else {
    }
    %gt3A_468 = arith.constant 0.666666686 : f32
    %gt3A_469 = arith.cmpf ogt, %div3A_422, %gt3A_468 : f32
    %convert_element_type3A_470 = arith.extui %gt3A_469 : i1 to i32
    %cond3A_471 = arith.constant 0 : i32
    %cond3A_472 = arith.cmpi ne, %convert_element_type3A_470, %cond3A_471 : i32
    scf.if %cond3A_472 {
      %gt3A_545 = arith.constant 0.666666686 : f32
      %gt3A_546 = vector.broadcast %gt3A_545 : f32 to vector<256x1000xf32>
      %gt3A_547 = arith.cmpf ogt, %div3A_402, %gt3A_546 : vector<256x1000xf32>
      %convert_element_type3A_548 = arith.extui %gt3A_547 : vector<256x1000xi1> to vector<256x1000xi32>
      %convert_element_type3A_549 = arith.sitofp %convert_element_type3A_548 : vector<256x1000xi32> to vector<256x1000xf32>
      %get3A_550 = arith.constant 10 : index
      %get3A_551 = arith.constant 0 : index
      %get3A_552 = vector.load %arg8[%get3A_550, %get3A_551] : memref<16x1000xf32, #tpu.memory_space<vmem>>, vector<1x1000xf32>
      %reduce_sum3A_553 = arith.constant dense<0.000000e+00> : vector<1000xf32>
      %reduce_sum3A_554 = vector.multi_reduction <add>, %convert_element_type3A_549, %reduce_sum3A_553 [0] : vector<256x1000xf32> to vector<1000xf32>
      %broadcast_in_dim3A_555 = vector.shape_cast %reduce_sum3A_554 : vector<1000xf32> to vector<1x1000xf32>
      %add3A_556 = arith.addf %get3A_552, %broadcast_in_dim3A_555 : vector<1x1000xf32>
      %swap3A_557 = arith.constant 10 : index
      %swap3A_558 = arith.constant 0 : index
      %swap3A_559 = vector.load %arg8[%swap3A_557, %swap3A_558] : memref<16x1000xf32, #tpu.memory_space<vmem>>, vector<1x1000xf32>
      tpu.vector_store %arg8[%swap3A_557, %swap3A_558], %add3A_556 {strides = array<i32>} : memref<16x1000xf32, #tpu.memory_space<vmem>>, vector<1x1000xf32>,
      %get3A_560 = arith.constant 10 : index
      %get3A_561 = arith.constant 0 : index
      %get3A_562 = vector.load %arg9[%get3A_560, %get3A_561] : memref<16x1000xf32, #tpu.memory_space<vmem>>, vector<1x1000xf32>
      %mul3A = arith.mulf %div3A_402, %convert_element_type3A_549 : vector<256x1000xf32>
      %reduce_sum3A_563 = arith.constant dense<0.000000e+00> : vector<1000xf32>
      %reduce_sum3A_564 = vector.multi_reduction <add>, %mul3A, %reduce_sum3A_563 [0] : vector<256x1000xf32> to vector<1000xf32>
      %broadcast_in_dim3A_565 = vector.shape_cast %reduce_sum3A_564 : vector<1000xf32> to vector<1x1000xf32>
      %add3A_566 = arith.addf %get3A_562, %broadcast_in_dim3A_565 : vector<1x1000xf32>
      %swap3A_567 = arith.constant 10 : index
      %swap3A_568 = arith.constant 0 : index
      %swap3A_569 = vector.load %arg9[%swap3A_567, %swap3A_568] : memref<16x1000xf32, #tpu.memory_space<vmem>>, vector<1x1000xf32>
      tpu.vector_store %arg9[%swap3A_567, %swap3A_568], %add3A_566 {strides = array<i32>} : memref<16x1000xf32, #tpu.memory_space<vmem>>, vector<1x1000xf32>,
    } else {
    }
    %gt3A_473 = arith.constant 0.733333349 : f32
    %gt3A_474 = arith.cmpf ogt, %div3A_422, %gt3A_473 : f32
    %convert_element_type3A_475 = arith.extui %gt3A_474 : i1 to i32
    %cond3A_476 = arith.constant 0 : i32
    %cond3A_477 = arith.cmpi ne, %convert_element_type3A_475, %cond3A_476 : i32
    scf.if %cond3A_477 {
      %gt3A_545 = arith.constant 0.733333349 : f32
      %gt3A_546 = vector.broadcast %gt3A_545 : f32 to vector<256x1000xf32>
      %gt3A_547 = arith.cmpf ogt, %div3A_402, %gt3A_546 : vector<256x1000xf32>
      %convert_element_type3A_548 = arith.extui %gt3A_547 : vector<256x1000xi1> to vector<256x1000xi32>
      %convert_element_type3A_549 = arith.sitofp %convert_element_type3A_548 : vector<256x1000xi32> to vector<256x1000xf32>
      %get3A_550 = arith.constant 11 : index
      %get3A_551 = arith.constant 0 : index
      %get3A_552 = vector.load %arg8[%get3A_550, %get3A_551] : memref<16x1000xf32, #tpu.memory_space<vmem>>, vector<1x1000xf32>
      %reduce_sum3A_553 = arith.constant dense<0.000000e+00> : vector<1000xf32>
      %reduce_sum3A_554 = vector.multi_reduction <add>, %convert_element_type3A_549, %reduce_sum3A_553 [0] : vector<256x1000xf32> to vector<1000xf32>
      %broadcast_in_dim3A_555 = vector.shape_cast %reduce_sum3A_554 : vector<1000xf32> to vector<1x1000xf32>
      %add3A_556 = arith.addf %get3A_552, %broadcast_in_dim3A_555 : vector<1x1000xf32>
      %swap3A_557 = arith.constant 11 : index
      %swap3A_558 = arith.constant 0 : index
      %swap3A_559 = vector.load %arg8[%swap3A_557, %swap3A_558] : memref<16x1000xf32, #tpu.memory_space<vmem>>, vector<1x1000xf32>
      tpu.vector_store %arg8[%swap3A_557, %swap3A_558], %add3A_556 {strides = array<i32>} : memref<16x1000xf32, #tpu.memory_space<vmem>>, vector<1x1000xf32>,
      %get3A_560 = arith.constant 11 : index
      %get3A_561 = arith.constant 0 : index
      %get3A_562 = vector.load %arg9[%get3A_560, %get3A_561] : memref<16x1000xf32, #tpu.memory_space<vmem>>, vector<1x1000xf32>
      %mul3A = arith.mulf %div3A_402, %convert_element_type3A_549 : vector<256x1000xf32>
      %reduce_sum3A_563 = arith.constant dense<0.000000e+00> : vector<1000xf32>
      %reduce_sum3A_564 = vector.multi_reduction <add>, %mul3A, %reduce_sum3A_563 [0] : vector<256x1000xf32> to vector<1000xf32>
      %broadcast_in_dim3A_565 = vector.shape_cast %reduce_sum3A_564 : vector<1000xf32> to vector<1x1000xf32>
      %add3A_566 = arith.addf %get3A_562, %broadcast_in_dim3A_565 : vector<1x1000xf32>
      %swap3A_567 = arith.constant 11 : index
      %swap3A_568 = arith.constant 0 : index
      %swap3A_569 = vector.load %arg9[%swap3A_567, %swap3A_568] : memref<16x1000xf32, #tpu.memory_space<vmem>>, vector<1x1000xf32>
      tpu.vector_store %arg9[%swap3A_567, %swap3A_568], %add3A_566 {strides = array<i32>} : memref<16x1000xf32, #tpu.memory_space<vmem>>, vector<1x1000xf32>,
    } else {
    }
    %gt3A_478 = arith.constant 0.800000071 : f32
    %gt3A_479 = arith.cmpf ogt, %div3A_422, %gt3A_478 : f32
    %convert_element_type3A_480 = arith.extui %gt3A_479 : i1 to i32
    %cond3A_481 = arith.constant 0 : i32
    %cond3A_482 = arith.cmpi ne, %convert_element_type3A_480, %cond3A_481 : i32
    scf.if %cond3A_482 {
      %gt3A_545 = arith.constant 0.800000071 : f32
      %gt3A_546 = vector.broadcast %gt3A_545 : f32 to vector<256x1000xf32>
      %gt3A_547 = arith.cmpf ogt, %div3A_402, %gt3A_546 : vector<256x1000xf32>
      %convert_element_type3A_548 = arith.extui %gt3A_547 : vector<256x1000xi1> to vector<256x1000xi32>
      %convert_element_type3A_549 = arith.sitofp %convert_element_type3A_548 : vector<256x1000xi32> to vector<256x1000xf32>
      %get3A_550 = arith.constant 12 : index
      %get3A_551 = arith.constant 0 : index
      %get3A_552 = vector.load %arg8[%get3A_550, %get3A_551] : memref<16x1000xf32, #tpu.memory_space<vmem>>, vector<1x1000xf32>
      %reduce_sum3A_553 = arith.constant dense<0.000000e+00> : vector<1000xf32>
      %reduce_sum3A_554 = vector.multi_reduction <add>, %convert_element_type3A_549, %reduce_sum3A_553 [0] : vector<256x1000xf32> to vector<1000xf32>
      %broadcast_in_dim3A_555 = vector.shape_cast %reduce_sum3A_554 : vector<1000xf32> to vector<1x1000xf32>
      %add3A_556 = arith.addf %get3A_552, %broadcast_in_dim3A_555 : vector<1x1000xf32>
      %swap3A_557 = arith.constant 12 : index
      %swap3A_558 = arith.constant 0 : index
      %swap3A_559 = vector.load %arg8[%swap3A_557, %swap3A_558] : memref<16x1000xf32, #tpu.memory_space<vmem>>, vector<1x1000xf32>
      tpu.vector_store %arg8[%swap3A_557, %swap3A_558], %add3A_556 {strides = array<i32>} : memref<16x1000xf32, #tpu.memory_space<vmem>>, vector<1x1000xf32>,
      %get3A_560 = arith.constant 12 : index
      %get3A_561 = arith.constant 0 : index
      %get3A_562 = vector.load %arg9[%get3A_560, %get3A_561] : memref<16x1000xf32, #tpu.memory_space<vmem>>, vector<1x1000xf32>
      %mul3A = arith.mulf %div3A_402, %convert_element_type3A_549 : vector<256x1000xf32>
      %reduce_sum3A_563 = arith.constant dense<0.000000e+00> : vector<1000xf32>
      %reduce_sum3A_564 = vector.multi_reduction <add>, %mul3A, %reduce_sum3A_563 [0] : vector<256x1000xf32> to vector<1000xf32>
      %broadcast_in_dim3A_565 = vector.shape_cast %reduce_sum3A_564 : vector<1000xf32> to vector<1x1000xf32>
      %add3A_566 = arith.addf %get3A_562, %broadcast_in_dim3A_565 : vector<1x1000xf32>
      %swap3A_567 = arith.constant 12 : index
      %swap3A_568 = arith.constant 0 : index
      %swap3A_569 = vector.load %arg9[%swap3A_567, %swap3A_568] : memref<16x1000xf32, #tpu.memory_space<vmem>>, vector<1x1000xf32>
      tpu.vector_store %arg9[%swap3A_567, %swap3A_568], %add3A_566 {strides = array<i32>} : memref<16x1000xf32, #tpu.memory_space<vmem>>, vector<1x1000xf32>,
    } else {
    }
    %gt3A_483 = arith.constant 0.866666734 : f32
    %gt3A_484 = arith.cmpf ogt, %div3A_422, %gt3A_483 : f32
    %convert_element_type3A_485 = arith.extui %gt3A_484 : i1 to i32
    %cond3A_486 = arith.constant 0 : i32
    %cond3A_487 = arith.cmpi ne, %convert_element_type3A_485, %cond3A_486 : i32
    scf.if %cond3A_487 {
      %gt3A_545 = arith.constant 0.866666734 : f32
      %gt3A_546 = vector.broadcast %gt3A_545 : f32 to vector<256x1000xf32>
      %gt3A_547 = arith.cmpf ogt, %div3A_402, %gt3A_546 : vector<256x1000xf32>
      %convert_element_type3A_548 = arith.extui %gt3A_547 : vector<256x1000xi1> to vector<256x1000xi32>
      %convert_element_type3A_549 = arith.sitofp %convert_element_type3A_548 : vector<256x1000xi32> to vector<256x1000xf32>
      %get3A_550 = arith.constant 13 : index
      %get3A_551 = arith.constant 0 : index
      %get3A_552 = vector.load %arg8[%get3A_550, %get3A_551] : memref<16x1000xf32, #tpu.memory_space<vmem>>, vector<1x1000xf32>
      %reduce_sum3A_553 = arith.constant dense<0.000000e+00> : vector<1000xf32>
      %reduce_sum3A_554 = vector.multi_reduction <add>, %convert_element_type3A_549, %reduce_sum3A_553 [0] : vector<256x1000xf32> to vector<1000xf32>
      %broadcast_in_dim3A_555 = vector.shape_cast %reduce_sum3A_554 : vector<1000xf32> to vector<1x1000xf32>
      %add3A_556 = arith.addf %get3A_552, %broadcast_in_dim3A_555 : vector<1x1000xf32>
      %swap3A_557 = arith.constant 13 : index
      %swap3A_558 = arith.constant 0 : index
      %swap3A_559 = vector.load %arg8[%swap3A_557, %swap3A_558] : memref<16x1000xf32, #tpu.memory_space<vmem>>, vector<1x1000xf32>
      tpu.vector_store %arg8[%swap3A_557, %swap3A_558], %add3A_556 {strides = array<i32>} : memref<16x1000xf32, #tpu.memory_space<vmem>>, vector<1x1000xf32>,
      %get3A_560 = arith.constant 13 : index
      %get3A_561 = arith.constant 0 : index
      %get3A_562 = vector.load %arg9[%get3A_560, %get3A_561] : memref<16x1000xf32, #tpu.memory_space<vmem>>, vector<1x1000xf32>
      %mul3A = arith.mulf %div3A_402, %convert_element_type3A_549 : vector<256x1000xf32>
      %reduce_sum3A_563 = arith.constant dense<0.000000e+00> : vector<1000xf32>
      %reduce_sum3A_564 = vector.multi_reduction <add>, %mul3A, %reduce_sum3A_563 [0] : vector<256x1000xf32> to vector<1000xf32>
      %broadcast_in_dim3A_565 = vector.shape_cast %reduce_sum3A_564 : vector<1000xf32> to vector<1x1000xf32>
      %add3A_566 = arith.addf %get3A_562, %broadcast_in_dim3A_565 : vector<1x1000xf32>
      %swap3A_567 = arith.constant 13 : index
      %swap3A_568 = arith.constant 0 : index
      %swap3A_569 = vector.load %arg9[%swap3A_567, %swap3A_568] : memref<16x1000xf32, #tpu.memory_space<vmem>>, vector<1x1000xf32>
      tpu.vector_store %arg9[%swap3A_567, %swap3A_568], %add3A_566 {strides = array<i32>} : memref<16x1000xf32, #tpu.memory_space<vmem>>, vector<1x1000xf32>,
    } else {
    }
    %gt3A_488 = arith.constant 0.933333396 : f32
    %gt3A_489 = arith.cmpf ogt, %div3A_422, %gt3A_488 : f32
    %convert_element_type3A_490 = arith.extui %gt3A_489 : i1 to i32
    %cond3A_491 = arith.constant 0 : i32
    %cond3A_492 = arith.cmpi ne, %convert_element_type3A_490, %cond3A_491 : i32
    scf.if %cond3A_492 {
      %gt3A_545 = arith.constant 0.933333396 : f32
      %gt3A_546 = vector.broadcast %gt3A_545 : f32 to vector<256x1000xf32>
      %gt3A_547 = arith.cmpf ogt, %div3A_402, %gt3A_546 : vector<256x1000xf32>
      %convert_element_type3A_548 = arith.extui %gt3A_547 : vector<256x1000xi1> to vector<256x1000xi32>
      %convert_element_type3A_549 = arith.sitofp %convert_element_type3A_548 : vector<256x1000xi32> to vector<256x1000xf32>
      %get3A_550 = arith.constant 14 : index
      %get3A_551 = arith.constant 0 : index
      %get3A_552 = vector.load %arg8[%get3A_550, %get3A_551] : memref<16x1000xf32, #tpu.memory_space<vmem>>, vector<1x1000xf32>
      %reduce_sum3A_553 = arith.constant dense<0.000000e+00> : vector<1000xf32>
      %reduce_sum3A_554 = vector.multi_reduction <add>, %convert_element_type3A_549, %reduce_sum3A_553 [0] : vector<256x1000xf32> to vector<1000xf32>
      %broadcast_in_dim3A_555 = vector.shape_cast %reduce_sum3A_554 : vector<1000xf32> to vector<1x1000xf32>
      %add3A_556 = arith.addf %get3A_552, %broadcast_in_dim3A_555 : vector<1x1000xf32>
      %swap3A_557 = arith.constant 14 : index
      %swap3A_558 = arith.constant 0 : index
      %swap3A_559 = vector.load %arg8[%swap3A_557, %swap3A_558] : memref<16x1000xf32, #tpu.memory_space<vmem>>, vector<1x1000xf32>
      tpu.vector_store %arg8[%swap3A_557, %swap3A_558], %add3A_556 {strides = array<i32>} : memref<16x1000xf32, #tpu.memory_space<vmem>>, vector<1x1000xf32>,
      %get3A_560 = arith.constant 14 : index
      %get3A_561 = arith.constant 0 : index
      %get3A_562 = vector.load %arg9[%get3A_560, %get3A_561] : memref<16x1000xf32, #tpu.memory_space<vmem>>, vector<1x1000xf32>
      %mul3A = arith.mulf %div3A_402, %convert_element_type3A_549 : vector<256x1000xf32>
      %reduce_sum3A_563 = arith.constant dense<0.000000e+00> : vector<1000xf32>
      %reduce_sum3A_564 = vector.multi_reduction <add>, %mul3A, %reduce_sum3A_563 [0] : vector<256x1000xf32> to vector<1000xf32>
      %broadcast_in_dim3A_565 = vector.shape_cast %reduce_sum3A_564 : vector<1000xf32> to vector<1x1000xf32>
      %add3A_566 = arith.addf %get3A_562, %broadcast_in_dim3A_565 : vector<1x1000xf32>
      %swap3A_567 = arith.constant 14 : index
      %swap3A_568 = arith.constant 0 : index
      %swap3A_569 = vector.load %arg9[%swap3A_567, %swap3A_568] : memref<16x1000xf32, #tpu.memory_space<vmem>>, vector<1x1000xf32>
      tpu.vector_store %arg9[%swap3A_567, %swap3A_568], %add3A_566 {strides = array<i32>} : memref<16x1000xf32, #tpu.memory_space<vmem>>, vector<1x1000xf32>,
    } else {
    }
    %slice3A_493 = vector.extract_strided_slice %reshape3A {offsets = [768, 0], sizes = [256, 1], strides = [1, 1]} : vector<1024x1xi32> to vector<256x1xi32>
    %eq3A_494 = vector.broadcast %slice3A_493 : vector<256x1xi32> to vector<256x1000xi32>
    %eq3A_495 = vector.broadcast %iota3A : vector<1x1000xi32> to vector<256x1000xi32>
    %eq3A_496 = arith.cmpi eq, %eq3A_494, %eq3A_495 : vector<256x1000xi32>
    %convert_element_type3A_497 = arith.extui %eq3A_496 : vector<256x1000xi1> to vector<256x1000xi32>
    %convert_element_type3A_498 = arith.sitofp %convert_element_type3A_497 : vector<256x1000xi32> to vector<256x1000xf32>
    %slice3A_499 = vector.extract_strided_slice %reshape3A_9 {offsets = [768, 0], sizes = [256, 1], strides = [1, 1]} : vector<1024x1xf32> to vector<256x1xf32>
    %sub3A_500 = arith.subf %slice3A_499, %broadcast_in_dim3A_394 : vector<256x1xf32>
    %exp3A_501 = math.exp %sub3A_500 : vector<256x1xf32>
    %div3A_502 = arith.divf %exp3A_501, %broadcast_in_dim3A_400 : vector<256x1xf32>
    %get3A_503 = arith.constant 0 : index
    %get3A_504 = arith.constant 0 : index
    %get3A_505 = vector.load %arg3[%get3A_503, %get3A_504] : memref<1x16xf32, #tpu.memory_space<vmem>>, vector<1x16xf32>
    %gt3A_506 = vector.broadcast %div3A_502 : vector<256x1xf32> to vector<256x16xf32>
    %gt3A_507 = vector.broadcast %get3A_505 : vector<1x16xf32> to vector<256x16xf32>
    %gt3A_508 = arith.cmpf ogt, %gt3A_506, %gt3A_507 : vector<256x16xf32>
    %get3A_509 = arith.constant 0 : index
    %get3A_510 = arith.constant 0 : index
    %get3A_511 = vector.load %arg4[%get3A_509, %get3A_510] : memref<1x16xf32, #tpu.memory_space<vmem>>, vector<1x16xf32>
    %le3A_512 = vector.broadcast %div3A_502 : vector<256x1xf32> to vector<256x16xf32>
    %le3A_513 = vector.broadcast %get3A_511 : vector<1x16xf32> to vector<256x16xf32>
    %le3A_514 = arith.cmpf ole, %le3A_512, %le3A_513 : vector<256x16xf32>
    %and3A_515 = arith.andi %gt3A_508, %le3A_514 : vector<256x16xi1>
    %convert_element_type3A_516 = arith.extui %and3A_515 : vector<256x16xi1> to vector<256x16xi32>
    %convert_element_type3A_517 = arith.sitofp %convert_element_type3A_516 : vector<256x16xi32> to vector<256x16xf32>
    %get3A_518 = arith.constant 0 : index
    %get3A_519 = arith.constant 0 : index
    %get3A_520 = vector.load %arg8[%get3A_518, %get3A_519] : memref<16x1000xf32, #tpu.memory_space<vmem>>, vector<1x1000xf32>
    %add3A_521 = arith.addf %get3A_520, %add3A_411 : vector<1x1000xf32>
    %swap3A = arith.constant 0 : index
    %swap3A_522 = arith.constant 0 : index
    %swap3A_523 = vector.load %arg8[%swap3A, %swap3A_522] : memref<16x1000xf32, #tpu.memory_space<vmem>>, vector<1x1000xf32>
    tpu.vector_store %arg8[%swap3A, %swap3A_522], %add3A_521 {strides = array<i32>} : memref<16x1000xf32, #tpu.memory_space<vmem>>, vector<1x1000xf32>,
    %get3A_524 = arith.constant 0 : index
    %get3A_525 = arith.constant 0 : index
    %get3A_526 = vector.load %arg9[%get3A_524, %get3A_525] : memref<16x1000xf32, #tpu.memory_space<vmem>>, vector<1x1000xf32>
    %add3A_527 = arith.addf %get3A_526, %add3A_415 : vector<1x1000xf32>
    %swap3A_528 = arith.constant 0 : index
    %swap3A_529 = arith.constant 0 : index
    %swap3A_530 = vector.load %arg9[%swap3A_528, %swap3A_529] : memref<16x1000xf32, #tpu.memory_space<vmem>>, vector<1x1000xf32>
    tpu.vector_store %arg9[%swap3A_528, %swap3A_529], %add3A_527 {strides = array<i32>} : memref<16x1000xf32, #tpu.memory_space<vmem>>, vector<1x1000xf32>,
    %concatenate3A = tpu.concatenate %convert_element_type3A_130, %convert_element_type3A_259, %convert_element_type3A_388, %convert_element_type3A_517 in 0 : vector<256x16xf32>, vector<256x16xf32>, vector<256x16xf32>, vector<256x16xf32> -> vector<1024x16xf32>
    %concatenate3A_531 = tpu.concatenate %convert_element_type3A_113, %convert_element_type3A_240, %convert_element_type3A_369, %convert_element_type3A_498 in 0 : vector<256x1000xf32>, vector<256x1000xf32>, vector<256x1000xf32>, vector<256x1000xf32> -> vector<1024x1000xf32>
    %get3A_532 = arith.constant 0 : index
    %get3A_533 = arith.constant 0 : index
    %get3A_534 = vector.load %arg10[%get3A_532, %get3A_533] : memref<16x1000xf32, #tpu.memory_space<vmem>>, vector<16x1000xf32>
    %dot_general3A = arith.constant dense<0.000000e+00> : vector<16x1000xf32>
    %dot_general3A_535 = tpu.matmul %concatenate3A, %concatenate3A_531, %dot_general3A {dimension_numbers = #tpu.dot_dimension_numbers<[0], [0], [1], [1], [0, 1, 1, 1], [], []>, transpose_lhs_hint = false} : vector<1024x16xf32>, vector<1024x1000xf32>, vector<16x1000xf32> -> vector<16x1000xf32>
    %add3A_536 = arith.addf %get3A_534, %dot_general3A_535 : vector<16x1000xf32>
    %swap3A_537 = arith.constant 0 : index
    %swap3A_538 = arith.constant 0 : index
    %swap3A_539 = vector.load %arg10[%swap3A_537, %swap3A_538] : memref<16x1000xf32, #tpu.memory_space<vmem>>, vector<16x1000xf32>
    tpu.vector_store %arg10[%swap3A_537, %swap3A_538], %add3A_536 {strides = array<i32>} : memref<16x1000xf32, #tpu.memory_space<vmem>>, vector<16x1000xf32>,
    %eq3A_540 = arith.constant 15 : i32
    %eq3A_541 = arith.cmpi eq, %arg0, %eq3A_540 : i32
    %convert_element_type3A_542 = arith.extui %eq3A_541 : i1 to i32
    %cond3A_543 = arith.constant 0 : i32
    %cond3A_544 = arith.cmpi ne, %convert_element_type3A_542, %cond3A_543 : i32
    scf.if %cond3A_544 {
      %get3A_545 = arith.constant 0 : index
      %get3A_546 = arith.constant 0 : index
      %get3A_547 = vector.load %arg8[%get3A_545, %get3A_546] : memref<16x1000xf32, #tpu.memory_space<vmem>>, vector<16x1000xf32>
      %get3A_548 = arith.constant 0 : index
      %get3A_549 = arith.constant 0 : index
      %get3A_550 = vector.load %arg9[%get3A_548, %get3A_549] : memref<16x1000xf32, #tpu.memory_space<vmem>>, vector<16x1000xf32>
      %get3A_551 = arith.constant 0 : index
      %get3A_552 = arith.constant 0 : index
      %get3A_553 = vector.load %arg10[%get3A_551, %get3A_552] : memref<16x1000xf32, #tpu.memory_space<vmem>>, vector<16x1000xf32>
      %broadcast_in_dim3A_554 = arith.constant 0.000000e+00 : f32
      %broadcast_in_dim3A_555 = vector.broadcast %broadcast_in_dim3A_554 : f32 to vector<1x1000xf32>
      %slice3A_556 = vector.extract_strided_slice %get3A_547 {offsets = [1, 0], sizes = [15, 1000], strides = [1, 1]} : vector<16x1000xf32> to vector<15x1000xf32>
      %concatenate3A_557 = tpu.concatenate %slice3A_556, %broadcast_in_dim3A_555 in 0 : vector<15x1000xf32>, vector<1x1000xf32> -> vector<16x1000xf32>
      %sub3A_558 = arith.subf %get3A_547, %concatenate3A_557 : vector<16x1000xf32>
      %slice3A_559 = vector.extract_strided_slice %get3A_550 {offsets = [1, 0], sizes = [15, 1000], strides = [1, 1]} : vector<16x1000xf32> to vector<15x1000xf32>
      %concatenate3A_560 = tpu.concatenate %slice3A_559, %broadcast_in_dim3A_555 in 0 : vector<15x1000xf32>, vector<1x1000xf32> -> vector<16x1000xf32>
      %sub3A_561 = arith.subf %get3A_550, %concatenate3A_560 : vector<16x1000xf32>
      %max3A = arith.constant 1.000000e+00 : f32
      %max3A_562 = vector.broadcast %max3A : f32 to vector<16x1000xf32>
      %max3A_563 = arith.maximumf %sub3A_558, %max3A_562 : vector<16x1000xf32>
      %div3A_564 = arith.divf %sub3A_561, %max3A_563 : vector<16x1000xf32>
      %div3A_565 = arith.divf %get3A_553, %max3A_563 : vector<16x1000xf32>
      %sub3A_566 = arith.subf %div3A_564, %div3A_565 : vector<16x1000xf32>
      %abs3A = math.absf %sub3A_566 : vector<16x1000xf32>
      %mul3A = arith.constant 6.10351563E-5 : f32
      %mul3A_567 = vector.broadcast %mul3A : f32 to vector<16x1000xf32>
      %mul3A_568 = arith.mulf %sub3A_558, %mul3A_567 : vector<16x1000xf32>
      %mul3A_569 = arith.mulf %abs3A, %mul3A_568 : vector<16x1000xf32>
      %get3A_570 = arith.constant 0 : index
      %get3A_571 = arith.constant 0 : index
      %get3A_572 = vector.load %arg1[%get3A_570, %get3A_571] : memref<16x1024xi32, #tpu.memory_space<vmem>>, vector<16x1024xi32>
      %reduce_max3A_573 = vector.shape_cast %get3A_572 : vector<16x1024xi32> to vector<1x16x1024xi32>
      %reduce_max3A_574 = arith.constant dense<-2147483648> : vector<1xi32>
      %reduce_max3A_575 = vector.multi_reduction <maxsi>, %reduce_max3A_573, %reduce_max3A_574 [1, 2] : vector<1x16x1024xi32> to vector<1xi32>
      %reduce_max3A_576 = vector.shape_cast %reduce_max3A_575 : vector<1xi32> to vector<1x1x1xi32>
      %reduce_max3A_577 = vector.extract %reduce_max3A_576[0, 0, 0] : i32 from vector<1x1x1xi32>
      %add3A_578 = arith.constant 1 : i32
      %add3A_579 = arith.addi %reduce_max3A_577, %add3A_578 : i32
      %lt3A = vector.broadcast %add3A_579 : i32 to vector<1x1000xi32>
      %lt3A_580 = arith.cmpi slt, %iota3A, %lt3A : vector<1x1000xi32>
      %convert_element_type3A_581 = arith.extui %lt3A_580 : vector<1x1000xi1> to vector<1x1000xi32>
      %convert_element_type3A_582 = arith.sitofp %convert_element_type3A_581 : vector<1x1000xi32> to vector<1x1000xf32>
      %gt3A_583 = arith.constant 0.000000e+00 : f32
      %gt3A_584 = vector.broadcast %gt3A_583 : f32 to vector<16x1000xf32>
      %gt3A_585 = arith.cmpf ogt, %sub3A_558, %gt3A_584 : vector<16x1000xf32>
      %gt3A_586 = arith.constant 0.000000e+00 : f32
      %gt3A_587 = vector.broadcast %gt3A_586 : f32 to vector<16x1000xf32>
      %gt3A_588 = arith.cmpf ogt, %sub3A_566, %gt3A_587 : vector<16x1000xf32>
      %and3A_589 = arith.andi %gt3A_585, %gt3A_588 : vector<16x1000xi1>
      %jit3A = arith.constant 0.000000e+00 : f32
      %broadcast_in_dim3A_590 = vector.broadcast %jit3A : f32 to vector<16x1000xf32>
      %select_n3A = arith.select %and3A_589, %mul3A_569, %broadcast_in_dim3A_590 : vector<16x1000xi1>, vector<16x1000xf32>
      %mul3A_591 = vector.broadcast %convert_element_type3A_582 : vector<1x1000xf32> to vector<16x1000xf32>
      %mul3A_592 = arith.mulf %select_n3A, %mul3A_591 : vector<16x1000xf32>
      %le3A_593 = arith.constant 0.000000e+00 : f32
      %le3A_594 = vector.broadcast %le3A_593 : f32 to vector<16x1000xf32>
      %le3A_595 = arith.cmpf ole, %sub3A_566, %le3A_594 : vector<16x1000xf32>
      %and3A_596 = arith.andi %gt3A_585, %le3A_595 : vector<16x1000xi1>
      %jit3A_597 = arith.constant 0.000000e+00 : f32
      %broadcast_in_dim3A_598 = vector.broadcast %jit3A_597 : f32 to vector<16x1000xf32>
      %select_n3A_599 = arith.select %and3A_596, %mul3A_569, %broadcast_in_dim3A_598 : vector<16x1000xi1>, vector<16x1000xf32>
      %mul3A_600 = vector.broadcast %convert_element_type3A_582 : vector<1x1000xf32> to vector<16x1000xf32>
      %mul3A_601 = arith.mulf %select_n3A_599, %mul3A_600 : vector<16x1000xf32>
      %reduce_sum3A_602 = arith.constant dense<0.000000e+00> : vector<16xf32>
      %reduce_sum3A_603 = vector.multi_reduction <add>, %mul3A_592, %reduce_sum3A_602 [1] : vector<16x1000xf32> to vector<16xf32>
      %broadcast_in_dim3A_604 = vector.shape_cast %reduce_sum3A_603 : vector<16xf32> to vector<16x1xf32>
      %broadcast_in_dim3A_605 = vector.shape_cast %broadcast_in_dim3A_604 : vector<16x1xf32> to vector<16x1xf32>
      %broadcast_in_dim3A_606 = vector.broadcast %broadcast_in_dim3A_605 : vector<16x1xf32> to vector<16x128xf32>
      %swap3A_607 = arith.constant 0 : index
      %swap3A_608 = arith.constant 0 : index
      %swap3A_609 = vector.load %arg6[%swap3A_607, %swap3A_608] : memref<16x128xf32, #tpu.memory_space<vmem>>, vector<16x128xf32>
      tpu.vector_store %arg6[%swap3A_607, %swap3A_608], %broadcast_in_dim3A_606 {strides = array<i32>} : memref<16x128xf32, #tpu.memory_space<vmem>>, vector<16x128xf32>,
      %reduce_sum3A_610 = arith.constant dense<0.000000e+00> : vector<16xf32>
      %reduce_sum3A_611 = vector.multi_reduction <add>, %mul3A_601, %reduce_sum3A_610 [1] : vector<16x1000xf32> to vector<16xf32>
      %broadcast_in_dim3A_612 = vector.shape_cast %reduce_sum3A_611 : vector<16xf32> to vector<16x1xf32>
      %broadcast_in_dim3A_613 = vector.shape_cast %broadcast_in_dim3A_612 : vector<16x1xf32> to vector<16x1xf32>
      %broadcast_in_dim3A_614 = vector.broadcast %broadcast_in_dim3A_613 : vector<16x1xf32> to vector<16x128xf32>
      %swap3A_615 = arith.constant 0 : index
      %swap3A_616 = arith.constant 0 : index
      %swap3A_617 = vector.load %arg7[%swap3A_615, %swap3A_616] : memref<16x128xf32, #tpu.memory_space<vmem>>, vector<16x128xf32>
      tpu.vector_store %arg7[%swap3A_615, %swap3A_616], %broadcast_in_dim3A_614 {strides = array<i32>} : memref<16x128xf32, #tpu.memory_space<vmem>>, vector<16x128xf32>,
    } else {
    }
    return
  }
  func.func @transform_0(%arg0: i32) -> (i32, i32) {
    %c0_i32 = arith.constant 0 : i32
    %c0_i32_0 = arith.constant 0 : i32
    %c0_i32_1 = arith.constant 0 : i32
    return %c0_i32, %c0_i32_0 : i32, i32
  }
  func.func @transform_1(%arg0: i32) -> (i32, i32) {
    %c0_i32 = arith.constant 0 : i32
    %c0_i32_0 = arith.constant 0 : i32
    %c0_i32_1 = arith.constant 0 : i32
    return %c0_i32, %c0_i32_0 : i32, i32
  }
  func.func @transform_2(%arg0: i32) -> (i32, i32) {
    %c0_i32 = arith.constant 0 : i32
    %c0_i32_0 = arith.constant 0 : i32
    %c0_i32_1 = arith.constant 0 : i32
    return %c0_i32, %c0_i32_0 : i32, i32
  }
  func.func @transform_3(%arg0: i32) -> (i32, i32) {
    %c0_i32 = arith.constant 0 : i32
    %c0_i32_0 = arith.constant 0 : i32
    %c0_i32_1 = arith.constant 0 : i32
    return %c0_i32, %c0_i32_0 : i32, i32
  }
  func.func @transform_4(%arg0: i32) -> (i32, i32) {
    %c0_i32 = arith.constant 0 : i32
    %c0_i32_0 = arith.constant 0 : i32
    return %arg0, %c0_i32 : i32, i32
  }
  func.func @transform_5(%arg0: i32) -> (i32, i32) {
    %c0_i32 = arith.constant 0 : i32
    %c0_i32_0 = arith.constant 0 : i32
    %c0_i32_1 = arith.constant 0 : i32
    return %c0_i32, %c0_i32_0 : i32, i32
  }
  func.func @transform_6(%arg0: i32) -> (i32, i32) {
    %c0_i32 = arith.constant 0 : i32
    %c0_i32_0 = arith.constant 0 : i32
    %c0_i32_1 = arith.constant 0 : i32
    return %c0_i32, %c0_i32_0 : i32, i32
  }
}

</mosaic_0001>

<sc_bundles>
// kernel: kernel.4.cloned.1.call-start
scs
__scs_entry_jumppad:
0x0: {  	(pc) =	sbr.rel $0x88, $3  }
0x1: {  	(tag) =	ssettag $0x0;
	lr =	simm.s32 $0x1  }
0x2: {  	[smem:$0x3F9F] =	sst lr;
	_ =	strace $0xD0000000  }
0x3: {  	_ = 	snop  }
0x4: {  	_ = 	snop  }
0x5: {  	_ = 	snop  }
0x6: {  	_ = 	snop  }
0x7: {  	_ = 	snop  }
__scs_overlays_trampoline_lowered:
0x8: {  	[smem:$0x3FAE] =	sst s0  }
0x9: {  	[smem:$0x3FAF] =	sst s1  }
0xa: {  	[smem:$0x3FB0] =	sst s2  }
0xb: {  	[smem:$0x3FB1] =	sst s3  }
0xc: {  	[smem:$0x3FB2] =	sst s4  }
0xd: {  	[smem:$0x3FB3] =	sst s5  }
0xe: {  	[smem:$0x3FB4] =	sst s6  }
0xf: {  	[smem:$0x3FB5] =	sst s7  }
0x10: {  	[smem:$0x3FB6] =	sst s8  }
0x11: {  	[smem:$0x3FB7] =	sst s9;
	s0 =	simm.s32 @!p0 $0x0  }
0x12: {  	s1 =	sld [smem:$0x3F9D];
	s0 =	simm.s32 @p0 $0x1  }
0x13: {  	[smem:$0x3FB8] =	sst s0;
	s0 =	simm.s32 @!p1 $0x0  }
0x14: {  	s2 =	sld [smem:$0x3F9C];
	s0 =	simm.s32 @p1 $0x1  }
0x15: {  	[smem:$0x3FB9] =	sst s0;
	s0 =	simm.s32 @!p2 $0x0  }
0x16: {  	s3 =	sld [smem:$0x3FDB];
	s0 =	simm.s32 @p2 $0x1  }
0x17: {  	s4 =	simm.s32 $0x1BF5;
	[smem:$0x3FBB] =	sst s0  }
0x18: {  	s0 =	sld [smem:$0x3F9E];
	_ =	swait.ge [sflag:s4], $0x0  }
0x19: {  	s7 =	sld [smem:$0x3F9F]  }
0x1a: {  	s8 =	sadd.s32 $0xFFFFE003, lr  }
0x1b: {  	s9 =	sadd.s32 $0xFFFFFEF7, lr;
	s5 =	simm.s32 $0xFFFFFFFF;
	p2 =	slt.u32 s8, $0xFFFFF086  }
0x1c: {  	p1 =	slt.u32 s9, $0xF7A;
	s5 =	simm.s32 @!p2 $0x0  }
0x1d: {  	s5 =	simm.s32 @p1 $0x1;
	p0 =	seq.s32 s7, s2  }
0x1e: {  	s7 =	smul.u32 @!p0 $0xF7A, s2;
	p2 =	seq.s32 @!p0 s5, $0x0  }
0x1f: {  	s9 =	smul.u32 $0xF7A, s1;
	s8 =	simm.s32 @!p0 $0x1BF5;
	p2 =	por !p2, p0  }
0x20: {  	[sflag:s8] =	ssyncset.s32 @!p0 $0xFFFFF086;
	s6 =	sadd.s32 @!p0 s3, s7;
	s7 =	simm.s32 @!p0 $0x108  }
0x21: {  	s3 =	sadd.s32 s3, s9;
	s6 =	sadd.s32 @!p0 $0x88, s6;
	s7 =	simm.s32 @p2 $0x1082  }
0x22: {  	[simem:s7], [sflag:s8] =	dma.local @!p0 [hbm:s6], $0xF7A  }
0x23: {  	s9 =	sor.u32 $0xD0000000, s2;
	s6 =	simm.s32 $0x108;
	_ =	swait.ge @!p0 [sflag:s8], $0x0  }
0x24: {  	s3 =	sadd.s32 $0x88, s3;
	s6 =	simm.s32 @!p1 $0x1082;
	[sflag:s4] =	ssyncset.s32 $0xFFFFF086  }
0x25: {  	[simem:s6], [sflag:s4] =	dma.local [hbm:s3], $0xF7A  }
0x26: {  	[smem:$0x3F9F] =	sst s1;
	(tag) =	ssettag s2;
	_ =	strace s9  }
0x27: {  	s1 =	sld [smem:$0x3FAF]  }
0x28: {  	s2 =	sld [smem:$0x3FB0]  }
0x29: {  	s4 =	sld [smem:$0x3FB2]  }
0x2a: {  	p0 =	seq.s32 s5, $0x0;
	s5 =	sld [smem:$0x3FB3]  }
0x2b: {  	s6 =	sld [smem:$0x3FB4]  }
0x2c: {  	s7 =	sld [smem:$0x3FB5]  }
0x2d: {  	s3 =	simm.s32 $0x108;
	s8 =	sld [smem:$0x3FB6]  }
0x2e: {  	s3 =	simm.s32 @!p0 $0x1082;
	s9 =	sld [smem:$0x3FB7]  }
0x2f: {  	lr =	sadd.s32 s0, s3;
	s0 =	sld [smem:$0x3FAE]  }
0x30: {  	s3 =	sld [smem:$0x3FB1]  }
0x31: {  	[smem:$0x3FBA] =	sst s10  }
0x32: {  	s10 =	sld [smem:$0x3FB8];
	_ =	sdelay $0x3  }
0x33: {  	p0 =	seq.s32 s10, $0x1;
	s10 =	sld [smem:$0x3FBA];
	_ =	sdelay $0x3  }
0x34: {  	[smem:$0x3FBA] =	sst s10  }
0x35: {  	s10 =	sld [smem:$0x3FB9];
	_ =	sdelay $0x3  }
0x36: {  	p1 =	seq.s32 s10, $0x1;
	s10 =	sld [smem:$0x3FBA];
	_ =	sdelay $0x3  }
0x37: {  	[smem:$0x3FBA] =	sst s10  }
0x38: {  	s10 =	sld [smem:$0x3FBB]  }
0x39: {  	_ = 	snop;
	(pc) =	sbr.ind lr, $3  }
0x3a: {  	_ = 	snop  }
0x3b: {  	_ = 	snop  }
0x3c: {  	p2 =	seq.s32 s10, $0x1;
	s10 =	sld [smem:$0x3FBA]  }
0x3d: {  	_ =	shalt  }
0x3e: {  	_ =	shalt  }
0x3f: {  	_ =	shalt  }
0x40: {  	_ =	shalt  }
0x41: {  	_ =	shalt  }
0x42: {  	_ =	shalt  }
0x43: {  	_ =	shalt  }
0x44: {  	_ =	shalt  }
0x45: {  	_ =	shalt  }
0x46: {  	_ =	shalt  }
0x47: {  	_ =	shalt  }
0x48: {  	_ =	shalt  }
0x49: {  	_ =	shalt  }
0x4a: {  	_ =	shalt  }
0x4b: {  	_ =	shalt  }
0x4c: {  	_ =	shalt  }
0x4d: {  	_ =	shalt  }
0x4e: {  	_ =	shalt  }
0x4f: {  	_ =	shalt  }
0x50: {  	_ =	shalt  }
0x51: {  	_ =	shalt  }
0x52: {  	_ =	shalt  }
0x53: {  	_ =	shalt  }
0x54: {  	_ =	shalt  }
0x55: {  	_ =	shalt  }
0x56: {  	_ =	shalt  }
0x57: {  	_ =	shalt  }
0x58: {  	_ =	shalt  }
0x59: {  	_ =	shalt  }
0x5a: {  	_ =	shalt  }
0x5b: {  	_ =	shalt  }
0x5c: {  	_ =	shalt  }
0x5d: {  	_ =	shalt  }
0x5e: {  	_ =	shalt  }
0x5f: {  	_ =	shalt  }
0x60: {  	_ =	shalt  }
0x61: {  	_ =	shalt  }
0x62: {  	_ =	shalt  }
0x63: {  	_ =	shalt  }
0x64: {  	_ =	shalt  }
0x65: {  	_ =	shalt  }
0x66: {  	_ =	shalt  }
0x67: {  	_ =	shalt  }
0x68: {  	_ =	shalt  }
0x69: {  	_ =	shalt  }
0x6a: {  	_ =	shalt  }
0x6b: {  	_ =	shalt  }
0x6c: {  	_ =	shalt  }
0x6d: {  	_ =	shalt  }
0x6e: {  	_ =	shalt  }
0x6f: {  	_ =	shalt  }
0x70: {  	_ =	shalt  }
0x71: {  	_ =	shalt  }
0x72: {  	_ =	shalt  }
0x73: {  	_ =	shalt  }
0x74: {  	_ =	shalt  }
0x75: {  	_ =	shalt  }
0x76: {  	_ =	shalt  }
0x77: {  	_ =	shalt  }
0x78: {  	_ =	shalt  }
0x79: {  	_ =	shalt  }
0x7a: {  	_ =	shalt  }
0x7b: {  	_ =	shalt  }
0x7c: {  	_ =	shalt  }
0x7d: {  	_ =	shalt  }
0x7e: {  	_ =	shalt  }
0x7f: {  	_ =	shalt  }
0x80: {  	_ =	shalt  }
0x81: {  	_ =	shalt  }
0x82: {  	_ =	shalt  }
0x83: {  	_ =	shalt  }
0x84: {  	_ =	shalt  }
0x85: {  	_ =	shalt  }
0x86: {  	_ =	shalt  }
0x87: {  	_ =	shalt  }
.Lfunc_end0:
.L_simem_size_0:
called_computation_lowered:
.L_overlay_start_0:
0x88: {  	s2 =	sld [smem:$0x3FD9]  }
0x89: {  	s3 =	sld [smem:$0x3FFE];
	_ =	sdelay $0x1  }
0x8a: {  	s1 =	srdreg.scid  }
0x8b: {  	s0 =	sand.u32 $0x1, s1  }
0x8c: {  	s17 =	sshll.u32 s0, $0xA;
	s2 =	sadd.s32 s3, s2  }
0x8d: {  	s2 =	sadd.s32 s2, s17  }
0x8e: {  	[smem:$0x3FC6] =	sst s2  }
0x8f: {  	_ = 	snop  }
0x90: {  	s2 =	sld [smem:$0x3FC8];
	(tm) =	ssettm $0x1  }
0x91: {  	s18 =	sld [smem:$0x3FFB];
	_ =	sdelay $0x3  }
0x92: {  	_ =	strace s18  }
0x93: {  	s3 =	sld [smem:$0x3FFC];
	_ =	sdelay $0x3  }
0x94: {  	_ =	strace s3  }
0x95: {  	s3 =	sld [smem:$0x3FFD];
	_ =	sdelay $0x3  }
0x96: {  	_ =	strace s3  }
0x97: {  	_ =	strace $0x8FFFFFFF  }
0x98: {  	s19 =	sld [smem:$0x3FDB];
	_ =	sdelay $0x1  }
0x99: {  	s4 =	simm.s32 $_scs_section_size  }
0x9a: {  	s5 =	simm.s32 $_size__tile_overlayer_lowered;
	s6 =	simm.s32 $_tile_overlayer_lowered  }
0x9b: {  	s22 =	simm.s32 $0x1BFF;
	s21 =	sshll.u32 s6, $0x1;
	s3 =	sadd.s32 s4, s19  }
0x9c: {  	s7 =	simm.s32 $0x0;
	s20 =	sshll.u32 s5, $0x1;
	s5 =	sadd.s32 s21, s3  }
0x9d: {  	[timem:s7], [sflag:s22] =	dma.local [hbm:s5], s20  }
0x9e: {  	_ =	swait.ge [sflag:s22], s20  }
0x9f: {  	s4 =	ssub.s32 $0x0, s20;
	[sflag:s22] =	ssyncset.done $0x0  }
0xa0: {  	[sflag:s22] =	ssyncadd.s32 s4;
	_ =	sdelay $0x1  }
0xa1: {  	s23 =	simm.s32 $0x1B8B  }
0xa2: {  	_ =	swait.ge [sflag:s23], $0x1  }
0xa3: {  	[sflag:s23] =	ssyncset.done $0x0  }
0xa4: {  	s25 =	simm.s32 $0x1B8E;
	s24 =	sld [smem:$0x3FFE];
	[sflag:s23] =	ssyncadd.s32 $0xFFFFFFFF  }
0xa5: {  	s26 =	simm.s32 $execute0_lowered;
	[smem:$0x3FD2] =	sst s25  }
0xa6: {  	s5 =	sshll.u32 s26, $0x1;
	_ =	strace $0x80000046;
	[dreg:$0x1] =	wrdreg $0xFFFFFFFF  }
0xa7: {  	s28 =	simm.s32 $_size_execute0_lowered;
	s3 =	sadd.s32 s3, s5;
	[dreg:$0x0] =	wrdreg $0x0  }
0xa8: {  	s5 =	sshll.u32 s28, $0x1;
	[dreg:$0x2] =	wrdreg s3  }
0xa9: {  	[dreg:$0x3] =	wrdreg s5  }
0xaa: {  	[dreg:$0x4] =	wrdreg $0xC0  }
0xab: {  	_ =	task [dreg:s7], $0x5FFFF  }
0xac: {  	[dreg:$0x1] =	wrdreg $0xFFFFFFFF  }
0xad: {  	[dreg:$0x0] =	wrdreg $0x60  }
0xae: {  	[dreg:$0x2] =	wrdreg s24  }
0xaf: {  	[dreg:$0x3] =	wrdreg s2  }
0xb0: {  	[dreg:$0x4] =	wrdreg $0x9  }
0xb1: {  	_ =	task.clear_ibuf [dreg:s7], $0x5FFFF;
	_ =	strace $0x90000046  }
0xb2: {  	s29 =	simm.s32 $0x9;
	_ =	strace $0x80000048  }
0xb3: {  	_ =	swait.ge [sflag:s29], $0x1  }
0xb4: {  	[sflag:s29] =	ssyncadd.s32 $0xFFFFFFFF  }
0xb5: {  	_ =	strace $0x90000048  }
0xb6: {  	_ =	sfence  }
0xb7: {  	s30 =	sld [smem:$0x0];
	_ =	sdelay $0x2  }
0xb8: {  	s31 =	sshll.u32 s1, $0xD;
	s1 =	sshrl.u32 s1, $0x2  }
0xb9: {  	s3 =	sand.u32 $0x4000, s31;
	s1 =	sadd.s32 s1, s30  }
0xba: {  	s0 =	sor.u32 s3, s0;
	s1 =	sshll.u32 s1, $0x11  }
0xbb: {  	s0 =	sor.u32 s1, s0  }
0xbc: {  	s0 =	sadd.s32 $0x8F2B, s0  }
0xbd: {  	[sflag:s0] =	ssyncadd.remote.s32 $0x1  }
0xbe: {  	_ =	sfence.sel $0xFFFF  }
0xbf: {  	[dreg:$0x0] =	wrdreg $0xFFFFFFFF;
	(pc) =	sbr.abs _section_cstart, $3  }
0xc0: {  	[dreg:$0x1] =	wrdreg $0xFFFFFFFF  }
0xc1: {  	_ =	task.clear_ibuf [dreg:s7], $0x2FFFF;
	_ =	strace $0x9FFFFFFF  }
0xc2: {  	(tm) =	ssettm $0x7FFFFFFF  }
0xc3: {  	_ =	shalt  }
tec
execute0_lowered:
.L_overlay_start_1:
0x0: {  	(tag) =	ssettag $0x1  }
0x1: {  	s1 =	srdreg.scid  }
0x2: {  	s0 =	stileid.u32;
	s6 =	sand.u32 $0x1, s1  }
0x3: {  	s20 =	sshll.u32 s0, $0xA;
	s2 =	sshll.u32 s6, $0x9  }
0x4: {  	s5 =	sor.u32 s2, s20  }
0x5: {  	v0 =	vmov s5;
	s1 =	sor.u32 $0x10, s5  }
0x6: {  	s21 =	sor.u32 $0x20, s5;
	s2 =	sor.u32 $0x30, s5;
	s22 =	sor.u32 $0x40, s5;
	v27 =	vmul.u32 $0x3E8, v0;
	v0 =	vlaneseq.u32;
	v1 =	vmov s1  }
0x7: {  	s25 =	sor.u32 $0x60, s5;
	s9 =	sor.u32 $0x90, s5;
	s11 =	sor.u32 $0xE0, s5;
	v2 =	vmov s21;
	v3 =	vmov s2;
	v4 =	vmov s22  }
0x8: {  	s31 =	sor.u32 $0x110, s5;
	s17 =	sor.u32 $0x1E0, s5;
	s18 =	sor.u32 $0x190, s5;
	v5 =	vmov s25;
	v19 =	vmov s9;
	v15 =	vmov s11  }
0x9: {  	s19 =	sor.u32 $0x1B0, s5;
	s20 =	sor.u32 $0x1D0, s5;
	v13 =	vmov s31;
	v6 =	vmov s17;
	v23 =	vmov s18  }
0xa: {  	v25 =	vmov s19;
	v28 =	vmov s20;
	v1 =	vmul.u32 $0x3E8, v1  }
0xb: {  	s24 =	sor.u32 $0xB0, s5;
	v2 =	vmul.u32 $0x3E8, v2;
	v3 =	vmul.u32 $0x3E8, v3;
	v26 =	vmul.u32 $0x3E8, v0  }
0xc: {  	s21 =	sor.u32 $0x1C0, s5;
	v0 =	vmul.u32 $0x3E8, v4;
	v4 =	vmov s24;
	v21 =	vmul.u32 $0x3E8, v5  }
0xd: {  	v32 =	vmov s21;
	v28 =	vmul.u32 $0x3E8, v28;
	v25 =	vmul.u32 $0x3E8, v25  }
0xe: {  	s23 =	sor.u32 $0x50, s5;
	v4 =	vmul.u32 $0x3E8, v4;
	v30 =	vbroadcast v1, $0x0;
	v29 =	vbroadcast v2, $0x0  }
0xf: {  	s8 =	rddreg [dreg:$0x0];
	v1 =	vbroadcast v3, $0x0;
	v2 =	vmov s23;
	v3 =	vbroadcast v0, $0x0  }
0x10: {  	s3 =	rddreg [dreg:$0x1];
	s7 =	sor.u32 $0x80, s5;
	s4 =	sor.u32 $0xA0, s5;
	v23 =	vmul.u32 $0x3E8, v23;
	v2 =	vmul.u32 $0x3E8, v2;
	v4 =	vbroadcast v4, $0x0  }
0x11: {  	s26 =	sor.u32 $0xC0, s5;
	s28 =	sor.u32 $0x130, s5;
	s29 =	sor.u32 $0xD0, s5;
	v0 =	vadd.s32 v26, v1;
	v1 =	vadd.s32 v26, v3;
	v3 =	vmov s4  }
0x12: {  	s30 =	sshrl.u32 s5, $0x3;
	s1 =	rddreg [dreg:$0x2];
	s2 =	simm.s32 $0x0;
	v24 =	vbroadcast v2, $0x0;
	v2 =	vmov s7;
	v20 =	vmul.u32 $0x3E8, v3  }
0x13: {  	s10 =	sor.u32 $0x100, s5;
	s12 =	sor.u32 $0x120, s5;
	[smem:$0x7FF] =	sst s2;
	v3 =	vmov s26;
	v22 =	vmul.u32 $0x3E8, v2;
	v2 =	vadd.s32 v26, v4  }
0x14: {  	_ =	strace $0x80000047;
	s4 =	sadd.s32 s3, s30;
	s3 =	simm.s32 $0x2;
	v4 =	vmov s28;
	v18 =	vmul.u32 $0x3E8, v3;
	v3 =	vmov s29  }
0x15: {  	[tilespmem:s2], [sflag:$0x2] =	stream.linear.gather [hbm4b:s4+s2], $0x200, $0x38;
	v4 =	vmul.u32 $0x3E8, v4;
	v17 =	vmul.u32 $0x3E8, v3;
	v3 =	vmov s10;
	[tilespmem:$0x600] =	vst v63  }
0x16: {  	v43 =	vmul.u32 $0x3E8, v19;
	_ =	swait.ge [sflag:s3], $0x200;
	v16 =	vmul.u32 $0x3E8, v3;
	v3 =	vmov s12;
	s12 =	sor.u32 $0x140, s5  }
0x17: {  	v32 =	vmul.u32 $0x3E8, v32;
	[sflag:s3] =	ssyncset.done $0x0;
	v4 =	vbroadcast v4, $0x0;
	v5 =	vmov s12  }
0x18: {  	s13 =	sor.u32 $0x150, s5;
	s14 =	sor.u32 $0x170, s5;
	v23 =	vbroadcast v23, $0x0;
	[sflag:s3] =	ssyncadd.s32 $0xFFFFFE00;
	v14 =	vmul.u32 $0x3E8, v3;
	v12 =	vmul.u32 $0x3E8, v5  }
0x19: {  	s16 =	sor.u32 $0x180, s5;
	v36 =	vld [tilespmem:$0x190];
	v5 =	vmov s14;
	v3 =	vadd.s32 v26, v4;
	v4 =	vmov s13  }
0x1a: {  	v35 =	vld [tilespmem:$0x1B0];
	s13 =	sor.u32 $0x160, s5;
	v9 =	vmul.u32 $0x3E8, v5;
	v5 =	vmov s16;
	v11 =	vmul.u32 $0x3E8, v4  }
0x1b: {  	s15 =	sor.u32 $0x1F0, s5;
	v50 =	vld [tilespmem:$0x50];
	v4 =	vmov s13;
	v8 =	vmul.u32 $0x3E8, v5;
	v5 =	vmul.u32 $0x3E8, v6  }
0x1c: {  	v25 =	vbroadcast v25, $0x0;
	v6 =	vld [tilespmem:$0x1E0];
	v10 =	vmul.u32 $0x3E8, v4;
	v4 =	vmov s15  }
0x1d: {  	v31 =	vld [tilespmem:$0x130];
	v53 =	vbroadcast v9, $0x0;
	v9 =	vadd.s32 v26, v23;
	v5 =	vbroadcast v5, $0x0  }
0x1e: {  	v33 =	vld [tilespmem:$0x1D0];
	v52 =	vbroadcast v8, $0x0;
	v8 =	vadd.s32 v26, v25;
	v36 =	vadd.s32 v36, v9  }
0x1f: {  	v24 =	vadd.s32 v26, v24;
	v7 =	vld [tilespmem:$0x1F0];
	v4 =	vmul.u32 $0x3E8, v4;
	v35 =	vadd.s32 v35, v8;
	[tilespmem:$0x390] =	vst v36  }
0x20: {  	v28 =	vbroadcast v28, $0x0;
	v25 =	vld [tilespmem:$0x160];
	v5 =	vadd.s32 v26, v5;
	[tilespmem:$0x3B0] =	vst v35;
	v35 =	vadd.s32 v50, v24  }
0x21: {  	v32 =	vbroadcast v32, $0x0;
	v63 =	vld [tilespmem:$0xD0];
	v4 =	vbroadcast v4, $0x0;
	v37 =	vadd.s32 v6, v5;
	[tilespmem:$0x250] =	vst v35  }
0x22: {  	v34 =	vld [tilespmem:$0x1C0];
	v54 =	vbroadcast v10, $0x0;
	v6 =	vadd.s32 v26, v28;
	v28 =	vadd.s32 v31, v3;
	[tilespmem:$0x3E0] =	vst v37  }
0x23: {  	v40 =	vbroadcast v17, $0x0;
	v31 =	vld [tilespmem:$0x180];
	v4 =	vadd.s32 v26, v4;
	[tilespmem:$0x330] =	vst v28;
	v51 =	vadd.s32 v33, v6  }
0x24: {  	v58 =	vbroadcast v12, $0x0;
	v12 =	vadd.s32 v26, v54;
	v28 =	vld [tilespmem:$0x170];
	v7 =	vadd.s32 v7, v4;
	[tilespmem:$0x3D0] =	vst v51  }
0x25: {  	v29 =	vadd.s32 v26, v29;
	v19 =	vadd.s32 v26, v40;
	v54 =	vld [tilespmem:$0x20];
	v25 =	vadd.s32 v25, v12;
	[tilespmem:$0x3F0] =	vst v7  }
0x26: {  	v49 =	vbroadcast v22, $0x0;
	v23 =	vld [tilespmem:$0x150];
	v7 =	vadd.s32 v26, v32;
	[tilespmem:$0x360] =	vst v25;
	v32 =	vadd.s32 v63, v19  }
0x27: {  	v56 =	vbroadcast v11, $0x0;
	v10 =	vadd.s32 v26, v52;
	v51 =	vld [tilespmem:$0x40];
	v34 =	vadd.s32 v34, v7;
	[tilespmem:$0x2D0] =	vst v32  }
0x28: {  	v59 =	vld [tilespmem:$0x120];
	v11 =	vadd.s32 v26, v53;
	v25 =	vmul.u32 $0x3E8, v15;
	[tilespmem:$0x3C0] =	vst v34;
	v31 =	vadd.s32 v31, v10  }
0x29: {  	v57 =	vld [tilespmem:$0xB0];
	v34 =	vbroadcast v43, $0x0;
	v28 =	vadd.s32 v28, v11;
	[tilespmem:$0x380] =	vst v31;
	v31 =	vmul.u32 $0x3E8, v13  }
0x2a: {  	v55 =	vld [tilespmem:$0x140];
	v36 =	vadd.s32 v54, v29;
	v13 =	vadd.s32 v26, v56;
	[tilespmem:$0x370] =	vst v28;
	v28 =	vbroadcast v14, $0x0  }
0x2b: {  	v44 =	vld [tilespmem:$0x90];
	[tilespmem:$0x220] =	vst v36;
	v23 =	vadd.s32 v23, v13;
	v22 =	vadd.s32 v26, v34;
	v31 =	vbroadcast v31, $0x0  }
0x2c: {  	v60 =	vld [tilespmem:$0x110];
	v34 =	vadd.s32 v51, v1;
	[tilespmem:$0x350] =	vst v23;
	v23 =	vbroadcast v16, $0x0;
	v15 =	vadd.s32 v26, v28  }
0x2d: {  	v61 =	vld [tilespmem:$0x100];
	v14 =	vadd.s32 v26, v58;
	[tilespmem:$0x240] =	vst v34;
	v16 =	vadd.s32 v26, v31;
	v31 =	vadd.s32 v59, v15  }
0x2e: {  	v28 =	vadd.s32 v57, v2;
	v17 =	vadd.s32 v26, v23;
	v23 =	vld [tilespmem:$0x30];
	[tilespmem:$0x320] =	vst v31;
	v31 =	vbroadcast v18, $0x0  }
0x2f: {  	v33 =	vadd.s32 v55, v14;
	[tilespmem:$0x2B0] =	vst v28;
	v28 =	vld [tilespmem:$0xC0]  }
0x30: {  	v46 =	vbroadcast v20, $0x0;
	v52 =	vadd.s32 v44, v22;
	[tilespmem:$0x340] =	vst v33;
	v20 =	vadd.s32 v26, v31;
	v31 =	vld [tilespmem:$0x80]  }
0x31: {  	v47 =	vbroadcast v21, $0x0;
	s23 =	sor.u32 $0xF0, s5;
	v38 =	vld [tilespmem:$0x10];
	v25 =	vbroadcast v25, $0x0;
	[tilespmem:$0x290] =	vst v52;
	v41 =	vadd.s32 v60, v16  }
0x32: {  	v30 =	vadd.s32 v26, v30;
	v62 =	vld [tilespmem:$0xE0];
	v55 =	vmov s23;
	v42 =	vadd.s32 v61, v17;
	[tilespmem:$0x310] =	vst v41  }
0x33: {  	v32 =	vmul.u32 $0x3E8, v55;
	v18 =	vadd.s32 v26, v25;
	v25 =	vld [tilespmem:$0xA0];
	[tilespmem:$0x300] =	vst v42;
	v23 =	vadd.s32 v23, v0  }
0x34: {  	s22 =	sor.u32 $0x1A0, s5;
	v21 =	vadd.s32 v26, v46;
	v56 =	vld [tilespmem:$0xF0];
	v28 =	vadd.s32 v28, v20;
	[tilespmem:$0x230] =	vst v23;
	v23 =	vadd.s32 v26, v49  }
0x35: {  	s6 =	ssub.s32 $0x2, s6;
	s24 =	sor.u32 $0x70, s5;
	v48 =	vld [tilespmem:$0x60];
	v32 =	vbroadcast v32, $0x0;
	[tilespmem:$0x2C0] =	vst v28;
	v28 =	vmov s22;
	v31 =	vadd.s32 v31, v23  }
0x36: {  	s26 =	sshrl.u32 s6, $0x1;
	v53 =	vld [tilespmem:$0x1A0];
	v60 =	vadd.s32 v38, v30;
	v28 =	vmul.u32 $0x3E8, v28;
	[tilespmem:$0x280] =	vst v31;
	v31 =	vmov s24  }
0x37: {  	s25 =	sadd.s32 $0x3F4400, s8;
	s31 =	sshrl.u32 s16, $0x3;
	s28 =	ssub.s32 s6, s26;
	v57 =	vld [tilespmem:$0x70];
	v59 =	vbroadcast v27, $0x0;
	v45 =	vadd.s32 v62, v18;
	[tilespmem:$0x210] =	vst v60;
	v31 =	vmul.u32 $0x3E8, v31  }
0x38: {  	s19 =	simm.s32 $0x200;
	s17 =	simm.s32 $0x400;
	s20 =	smax.u32 s28, $0x1;
	v58 =	vld [tilespmem:$0x0];
	[tilespmem:$0x2E0] =	vst v45;
	v27 =	vadd.s32 v26, v32;
	v25 =	vadd.s32 v25, v21;
	v28 =	vbroadcast v28, $0x0  }
0x39: {  	s11 =	simm.s32 $0x1;
	s18 =	simm.s32 $0x280;
	p0 =	sne.s32 s20, $0x1;
	v61 =	vadd.s32 v56, v27;
	[tilespmem:$0x2A0] =	vst v25;
	v25 =	vadd.s32 v26, v47;
	v31 =	vbroadcast v31, $0x0  }
.Ltmp0:
0x3a: {  	s9 =	sadd.s32 s25, s30;
	s30 =	sshrl.u32 s10, $0x3;
	[tilespmem:$0x2F0] =	vst v61;
	v37 =	vadd.s32 v48, v25;
	v28 =	vadd.s32 v26, v28;
	(pc) =	sbr.rel @!p0 .LBB2_2-.Ltmp0, $4  }
0x3b: {  	s29 =	sshrl.u32 s7, $0x3;
	s7 =	sadd.s32 s25, s30;
	s6 =	sadd.s32 s25, s31;
	[tilespmem:$0x260] =	vst v37;
	v33 =	vadd.s32 v53, v28;
	v31 =	vadd.s32 v26, v31  }
0x3c: {  	s10 =	simm.s32 $0x80;
	s20 =	sadd.s32 $0xFFFFFFFF, s20;
	s12 =	simm.s32 $0x580;
	[tilespmem:$0x3A0] =	vst v33;
	v26 =	vadd.s32 v26, v59;
	v62 =	vadd.s32 v57, v31  }
0x3d: {  	s14 =	simm.s32 $0x380;
	s5 =	sadd.s32 $0x200400, s8;
	s8 =	sadd.s32 s25, s29;
	v63 =	vadd.s32 v58, v26;
	[tilespmem:$0x270] =	vst v62  }
0x3e: {  	s16 =	simm.s32 $0x480;
	s13 =	simm.s32 $0x500;
	s15 =	simm.s32 $0x300;
	[tilespmem:$0x200] =	vst v63  }
.LBB2_1:
0x3f: {  	[tilespmem:s17], [sflag:$0x1] =	stream.indirect.gather [hbm4b:s5+s10], $0x1, s19, s10, $0xb8;
	[tilespmem:$0x600] =	vst v63  }
0x40: {  	p0 =	sne.s32 s20, $0x1;
	s20 =	sadd.s32 $0xFFFFFFFF, s20;
	_ =	swait.ge [sflag:s11], $0x80  }
0x41: {  	[sflag:s11] =	ssyncset.done $0x0  }
0x42: {  	[sflag:s11] =	ssyncadd.s32 $0xFFFFFF80  }
0x43: {  	[hbm4b:s9+s2] =	stream.linear.scatter [tilespmem:s17], [sflag:$0x2], $0x80, $0x38;
	[tilespmem:$0x600] =	vst v63  }
0x44: {  	_ =	swait.ge [sflag:s3], $0x80  }
0x45: {  	[sflag:s3] =	ssyncset.done $0x0  }
0x46: {  	[sflag:s3] =	ssyncadd.s32 $0xFFFFFF80  }
0x47: {  	[tilespmem:s16], [sflag:$0x1] =	stream.indirect.gather [hbm4b:s5+s10], $0x1, s18, s10, $0xb8;
	[tilespmem:$0x600] =	vst v63  }
0x48: {  	_ =	swait.ge [sflag:s11], $0x80  }
0x49: {  	[sflag:s11] =	ssyncset.done $0x0  }
0x4a: {  	[sflag:s11] =	ssyncadd.s32 $0xFFFFFF80  }
0x4b: {  	[hbm4b:s8+s2] =	stream.linear.scatter [tilespmem:s16], [sflag:$0x2], $0x80, $0x38;
	[tilespmem:$0x600] =	vst v63  }
0x4c: {  	_ =	swait.ge [sflag:s3], $0x80  }
0x4d: {  	[sflag:s3] =	ssyncset.done $0x0  }
0x4e: {  	[sflag:s3] =	ssyncadd.s32 $0xFFFFFF80  }
0x4f: {  	[tilespmem:s13], [sflag:$0x1] =	stream.indirect.gather [hbm4b:s5+s10], $0x1, s15, s10, $0xb8;
	[tilespmem:$0x600] =	vst v63  }
0x50: {  	_ =	swait.ge [sflag:s11], $0x80  }
0x51: {  	[sflag:s11] =	ssyncset.done $0x0  }
0x52: {  	[sflag:s11] =	ssyncadd.s32 $0xFFFFFF80  }
0x53: {  	[hbm4b:s7+s2] =	stream.linear.scatter [tilespmem:s13], [sflag:$0x2], $0x80, $0x38;
	[tilespmem:$0x600] =	vst v63  }
0x54: {  	_ =	swait.ge [sflag:s3], $0x80  }
0x55: {  	[sflag:s3] =	ssyncset.done $0x0  }
0x56: {  	[sflag:s3] =	ssyncadd.s32 $0xFFFFFF80  }
0x57: {  	[tilespmem:s12], [sflag:$0x1] =	stream.indirect.gather [hbm4b:s5+s10], $0x1, s14, s10, $0xb8;
	[tilespmem:$0x600] =	vst v63  }
0x58: {  	_ =	swait.ge [sflag:s11], $0x80  }
0x59: {  	[sflag:s11] =	ssyncset.done $0x0  }
0x5a: {  	[sflag:s11] =	ssyncadd.s32 $0xFFFFFF80  }
0x5b: {  	[hbm4b:s6+s2] =	stream.linear.scatter [tilespmem:s12], [sflag:$0x2], $0x80, $0x38;
	[tilespmem:$0x600] =	vst v63  }
0x5c: {  	_ =	swait.ge [sflag:s3], $0x80  }
0x5d: {  	[sflag:s3] =	ssyncset.done $0x0  }
0x5e: {  	[sflag:s3] =	ssyncadd.s32 $0xFFFFFF80  }
0x5f: {  	[tilespmem:s2], [sflag:$0x2] =	stream.linear.gather [hbm4b:s4+s2], $0x200, $0x38;
	[tilespmem:$0x600] =	vst v63  }
0x60: {  	_ =	swait.ge [sflag:s3], $0x200  }
0x61: {  	[sflag:s3] =	ssyncset.done $0x0  }
0x62: {  	[sflag:s3] =	ssyncadd.s32 $0xFFFFFE00  }
0x63: {  	v32 =	vld [tilespmem:$0x1F0]  }
0x64: {  	v33 =	vld [tilespmem:$0x1E0]  }
0x65: {  	v34 =	vld [tilespmem:$0x130]  }
0x66: {  	v35 =	vld [tilespmem:$0x1D0]  }
0x67: {  	v36 =	vld [tilespmem:$0x1C0]  }
0x68: {  	v37 =	vld [tilespmem:$0x1B0];
	v32 =	vadd.s32 v32, v4  }
0x69: {  	v38 =	vld [tilespmem:$0x190];
	v33 =	vadd.s32 v33, v5;
	[tilespmem:$0x3F0] =	vst v32  }
0x6a: {  	v32 =	vadd.s32 v34, v3;
	v34 =	vld [tilespmem:$0x180];
	[tilespmem:$0x3E0] =	vst v33  }
0x6b: {  	[tilespmem:$0x330] =	vst v32;
	v32 =	vld [tilespmem:$0x170];
	v33 =	vadd.s32 v35, v6  }
0x6c: {  	v35 =	vld [tilespmem:$0x160];
	v36 =	vadd.s32 v36, v7;
	[tilespmem:$0x3D0] =	vst v33  }
0x6d: {  	v33 =	vld [tilespmem:$0x150];
	v37 =	vadd.s32 v37, v8;
	[tilespmem:$0x3C0] =	vst v36  }
0x6e: {  	v36 =	vld [tilespmem:$0x140];
	v38 =	vadd.s32 v38, v9;
	[tilespmem:$0x3B0] =	vst v37  }
0x6f: {  	v37 =	vld [tilespmem:$0xB0];
	v34 =	vadd.s32 v34, v10;
	[tilespmem:$0x390] =	vst v38  }
0x70: {  	v38 =	vld [tilespmem:$0x120];
	v32 =	vadd.s32 v32, v11;
	[tilespmem:$0x380] =	vst v34  }
0x71: {  	v34 =	vld [tilespmem:$0x110];
	v35 =	vadd.s32 v35, v12;
	[tilespmem:$0x370] =	vst v32  }
0x72: {  	v32 =	vld [tilespmem:$0x100];
	v33 =	vadd.s32 v33, v13;
	[tilespmem:$0x360] =	vst v35  }
0x73: {  	v35 =	vld [tilespmem:$0xE0];
	v36 =	vadd.s32 v36, v14;
	[tilespmem:$0x350] =	vst v33  }
0x74: {  	v33 =	vadd.s32 v37, v2;
	v37 =	vld [tilespmem:$0xD0];
	[tilespmem:$0x340] =	vst v36  }
0x75: {  	[tilespmem:$0x2B0] =	vst v33;
	v33 =	vld [tilespmem:$0xC0];
	v36 =	vadd.s32 v38, v15  }
0x76: {  	v38 =	vld [tilespmem:$0x30];
	v34 =	vadd.s32 v34, v16;
	[tilespmem:$0x320] =	vst v36  }
0x77: {  	v36 =	vld [tilespmem:$0xA0];
	v32 =	vadd.s32 v32, v17;
	[tilespmem:$0x310] =	vst v34  }
0x78: {  	v34 =	vld [tilespmem:$0x90];
	v35 =	vadd.s32 v35, v18;
	[tilespmem:$0x300] =	vst v32  }
0x79: {  	v32 =	vld [tilespmem:$0x80];
	v37 =	vadd.s32 v37, v19;
	[tilespmem:$0x2E0] =	vst v35  }
0x7a: {  	v35 =	vld [tilespmem:$0x60];
	v33 =	vadd.s32 v33, v20;
	[tilespmem:$0x2D0] =	vst v37  }
0x7b: {  	v37 =	vadd.s32 v38, v0;
	v38 =	vld [tilespmem:$0x50];
	[tilespmem:$0x2C0] =	vst v33  }
0x7c: {  	[tilespmem:$0x230] =	vst v37;
	v33 =	vld [tilespmem:$0x40];
	v36 =	vadd.s32 v36, v21  }
0x7d: {  	v34 =	vadd.s32 v34, v22;
	[tilespmem:$0x2A0] =	vst v36;
	v36 =	vld [tilespmem:$0x1A0]  }
0x7e: {  	v37 =	vld [tilespmem:$0x20];
	v32 =	vadd.s32 v32, v23;
	[tilespmem:$0x290] =	vst v34  }
0x7f: {  	v34 =	vld [tilespmem:$0x10];
	v35 =	vadd.s32 v35, v25;
	[tilespmem:$0x280] =	vst v32  }
0x80: {  	v32 =	vadd.s32 v38, v24;
	[tilespmem:$0x260] =	vst v35;
	v35 =	vld [tilespmem:$0xF0]  }
0x81: {  	v33 =	vadd.s32 v33, v1;
	[tilespmem:$0x250] =	vst v32;
	v32 =	vld [tilespmem:$0x70]  }
0x82: {  	v38 =	vld [tilespmem:$0x0];
	[tilespmem:$0x240] =	vst v33;
	v33 =	vadd.s32 v36, v28  }
0x83: {  	v36 =	vadd.s32 v37, v29;
	[tilespmem:$0x3A0] =	vst v33  }
.Ltmp1:
0x84: {  	v33 =	vadd.s32 v34, v30;
	[tilespmem:$0x220] =	vst v36;
	(pc) =	sbr.rel @p0 .LBB2_1-.Ltmp1, $4  }
0x85: {  	[tilespmem:$0x210] =	vst v33;
	v33 =	vadd.s32 v35, v27  }
0x86: {  	v32 =	vadd.s32 v32, v31;
	[tilespmem:$0x2F0] =	vst v33  }
0x87: {  	v33 =	vadd.s32 v38, v26;
	[tilespmem:$0x270] =	vst v32  }
0x88: {  	[tilespmem:$0x200] =	vst v33  }
.LBB2_2:
0x89: {  	[tilespmem:s17], [sflag:$0x1] =	stream.indirect.gather [hbm4b:s5+s10], $0x1, s19, s10, $0xb8;
	[tilespmem:$0x600] =	vst v63  }
0x8a: {  	_ =	swait.ge [sflag:s11], $0x80  }
0x8b: {  	[sflag:s11] =	ssyncset.done $0x0  }
0x8c: {  	[sflag:s11] =	ssyncadd.s32 $0xFFFFFF80  }
0x8d: {  	[hbm4b:s9+s2] =	stream.linear.scatter [tilespmem:s17], [sflag:$0x2], $0x80, $0x38;
	[tilespmem:$0x600] =	vst v63  }
0x8e: {  	_ =	swait.ge [sflag:s3], $0x80  }
0x8f: {  	[sflag:s3] =	ssyncset.done $0x0  }
0x90: {  	[sflag:s3] =	ssyncadd.s32 $0xFFFFFF80  }
0x91: {  	[tilespmem:s16], [sflag:$0x1] =	stream.indirect.gather [hbm4b:s5+s10], $0x1, s18, s10, $0xb8;
	[tilespmem:$0x600] =	vst v63  }
0x92: {  	_ =	swait.ge [sflag:s11], $0x80  }
0x93: {  	[sflag:s11] =	ssyncset.done $0x0  }
0x94: {  	[sflag:s11] =	ssyncadd.s32 $0xFFFFFF80  }
0x95: {  	[hbm4b:s8+s2] =	stream.linear.scatter [tilespmem:s16], [sflag:$0x2], $0x80, $0x38;
	[tilespmem:$0x600] =	vst v63  }
0x96: {  	_ =	swait.ge [sflag:s3], $0x80  }
0x97: {  	[sflag:s3] =	ssyncset.done $0x0  }
0x98: {  	[sflag:s3] =	ssyncadd.s32 $0xFFFFFF80  }
0x99: {  	[tilespmem:s13], [sflag:$0x1] =	stream.indirect.gather [hbm4b:s5+s10], $0x1, s15, s10, $0xb8;
	[tilespmem:$0x600] =	vst v63  }
0x9a: {  	_ =	swait.ge [sflag:s11], $0x80  }
0x9b: {  	[sflag:s11] =	ssyncset.done $0x0  }
0x9c: {  	[sflag:s11] =	ssyncadd.s32 $0xFFFFFF80  }
0x9d: {  	[hbm4b:s7+s2] =	stream.linear.scatter [tilespmem:s13], [sflag:$0x2], $0x80, $0x38;
	[tilespmem:$0x600] =	vst v63  }
0x9e: {  	_ =	swait.ge [sflag:s3], $0x80  }
0x9f: {  	[sflag:s3] =	ssyncset.done $0x0  }
0xa0: {  	[sflag:s3] =	ssyncadd.s32 $0xFFFFFF80  }
0xa1: {  	[tilespmem:s12], [sflag:$0x1] =	stream.indirect.gather [hbm4b:s5+s10], $0x1, s14, s10, $0xb8;
	[tilespmem:$0x600] =	vst v63  }
0xa2: {  	_ =	swait.ge [sflag:s11], $0x80  }
0xa3: {  	[sflag:s11] =	ssyncset.done $0x0  }
0xa4: {  	[sflag:s11] =	ssyncadd.s32 $0xFFFFFF80  }
0xa5: {  	[hbm4b:s6+s2] =	stream.linear.scatter [tilespmem:s12], [sflag:$0x2], $0x80, $0x38;
	[tilespmem:$0x600] =	vst v63  }
0xa6: {  	_ =	swait.ge [sflag:s3], $0x80  }
0xa7: {  	[sflag:s3] =	ssyncset.done $0x0  }
0xa8: {  	[sflag:s3] =	ssyncadd.s32 $0xFFFFFF80  }
0xa9: {  	_ =	sfence.sel $0x180000  }
0xaa: {  	[bflag:$0x0] =	sbarrier.arrive $0xFFFF  }
0xab: {  	p0 =	sne.s32 s0, $0x0;
	_ =	strace $0x90000047  }
0xac: {  	s0 =	sadd.s32 @!p0 $0x100000, s1;
	[bflag:$0x2] =	sbarrier.arrive $0xFFFF  }
0xad: {  	[sflag:s0] =	ssyncadd.tile.s32 @!p0 $0x1;
	_ =	shalt  }
.Lfunc_end2:
_tile_overlayer_lowered:
.L_overlay_start_2:
0xae: {  	(tag) =	ssettag $0x2  }
0xaf: {  	s0 =	rddreg [dreg:$0x0];
	s2 =	stileid.u32  }
0xb0: {  	s1 =	rddreg [dreg:$0x1];
	p0 =	sne.s32 s2, $0x0  }
0xb1: {  	s3 =	rddreg [dreg:$0x2];
	[bflag:$0x3] =	sbarrier.arrive $0xFFFF;
	s2 =	simm.s32 @!p0 $0x1C02  }
0xb2: {  	[timem:s3], [sflag:s2] =	dma.local @!p0 [hbm:s0], s1  }
0xb3: {  	s0 =	simm.s32 @!p0 $0x2  }
0xb4: {  	_ =	swait.ge @!p0 [sflag:s0], s1  }
0xb5: {  	s1 =	ssub.s32 @!p0 $0x0, s1;
	[sflag:s0] =	ssyncset.done @!p0 $0x0  }
0xb6: {  	[sflag:s0] =	ssyncadd.s32 @!p0 s1  }
0xb7: {  	[bflag:$0x3] =	sbarrier.arrive $0xFFFF  }
0xb8: {  	_ =	shalt  }

</sc_bundles>
